<compile_context>
chip_gen: v7x
topology: tpu7x:2x2x1
jax: 0.10.2.dev20260603
libtpu: 0.0.44.dev20260713+nightly
codegen_flags: <defaults>
</compile_context>

<pallas_src>
import functools

import numpy as np
import jax
import jax.numpy as jnp
from jax import lax
from jax.experimental import pallas as pl
from jax.experimental.pallas import tpu as pltpu
from jax.experimental.pallas import tpu_sc as plsc

N_NODES = 100000
N_EDGES = 3200000
MAX_RADIUS = 3.0
NUM_BASIS = 10

G = 16384
TMAX = 11.0
CHUNK = 1024
KSUB = CHUNK // 128
NW = 32
NM = 98
NCHUNKS = NW * NM
E_PAD = NCHUNKS * CHUNK

_CC = np.float32(1.14136 * np.exp(2.0))
_SCALE = np.float32(np.sqrt(2.0) / 4.0 / (np.sqrt(3.0) * 8.0))
_S3 = np.float32(np.sqrt(3.0))
_S3H = np.float32(np.sqrt(3.0) / 2.0)
_TSCALE = np.float32((G - 1) / 3.0)
_MAGIC = np.int32(0x5F3759DF)


def _table_body(w1_ref, w2_ref, out_ref):
    rows = lax.broadcasted_iota(jnp.int32, (G // 128, 128), 0)
    cols = lax.broadcasted_iota(jnp.int32, (G // 128, 128), 1)
    t = (rows * 128 + cols).astype(jnp.float32) * np.float32(TMAX / (G - 1))
    embs = []
    for k in range(1, NUM_BASIS + 1):
        d = t - np.float32(k)
        inb = (d > -1.0) & (d < 1.0)
        dd = jnp.where(inb, 1.0 - d * d, 1.0)
        embs.append(jnp.where(inb, _CC * jnp.exp(-2.0 / dd), 0.0))
    hs = []
    for j in range(16):
        acc = embs[0] * w1_ref[j]
        for k in range(1, NUM_BASIS):
            acc = acc + embs[k] * w1_ref[k * 16 + j]
        hs.append(jnp.maximum(acc, 0.0))
    for c in range(3):
        acc = hs[0] * w2_ref[c]
        for j in range(1, 16):
            acc = acc + hs[j] * w2_ref[j * 3 + c]
        out_ref[c] = acc * _SCALE
    out_ref[3] = jnp.zeros_like(t)


_tc_table = pl.pallas_call(
    _table_body,
    out_shape=jax.ShapeDtypeStruct((4, G // 128, 128), jnp.float32),
    in_specs=[pl.BlockSpec(memory_space=pltpu.SMEM),
              pl.BlockSpec(memory_space=pltpu.SMEM)],
)


def _sc_body(xpad_hbm, src2_hbm, vx_hbm, vy_hbm, vz_hbm, tab_hbm, out_hbm,
             idx0_v, idx1_v, vx0_v, vx1_v, vy0_v, vy1_v, vz0_v, vz1_v,
             rows0_v, rows1_v, tab_v, accv, semv0, semv1, semr0, semr1):
    wid = lax.axis_index("s") * 2 + lax.axis_index("c")
    pltpu.sync_copy(tab_hbm, tab_v)
    iota = lax.iota(jnp.int32, 16)
    czero = jnp.zeros((16,), jnp.int32)
    cone = jnp.full((16,), 1, jnp.int32)
    ctwo = jnp.full((16,), 2, jnp.int32)

    bufs = ((idx0_v, vx0_v, vy0_v, vz0_v, rows0_v, semv0, semr0),
            (idx1_v, vx1_v, vy1_v, vz1_v, rows1_v, semv1, semr1))

    def stage_copies(m, b):
        cidx = wid + m * NW
        base = cidx * CHUNK
        idx_v, vx_v, vy_v, vz_v, _, semv, _ = bufs[b]
        return (
            pltpu.make_async_copy(src2_hbm.at[pl.ds(cidx * KSUB, KSUB)],
                                  idx_v, semv),
            pltpu.make_async_copy(vx_hbm.at[pl.ds(base, CHUNK)], vx_v, semv),
            pltpu.make_async_copy(vy_hbm.at[pl.ds(base, CHUNK)], vy_v, semv),
            pltpu.make_async_copy(vz_hbm.at[pl.ds(base, CHUNK)], vz_v, semv),
        )

    def rows_copies(b):
        idx_v, _, _, _, rows_v, _, semr = bufs[b]
        return [pltpu.make_async_copy(xpad_hbm.at[idx_v.at[j]],
                                      rows_v.at[pl.ds(j * 128, 128)], semr)
                for j in range(KSUB)]

    for cp in stage_copies(0, 0):
        cp.start()
    for cp in stage_copies(0, 0):
        cp.wait()
    for cp in rows_copies(0):
        cp.start()

    def pair_body(jj, acc0):
        acc = acc0
        for q in (0, 1):
            m = jj * 2 + q
            nb = 1 - q
            _, vx_v, vy_v, vz_v, rows_v, _, _ = bufs[q]

            @pl.when(m + 1 < NM)
            def _():
                for cp in stage_copies(m + 1, nb):
                    cp.start()
                for cp in stage_copies(m + 1, nb):
                    cp.wait()
                for cp in rows_copies(nb):
                    cp.start()

            for cp in rows_copies(q):
                cp.wait()

            def group16(off, acc):
                vx = vx_v[pl.ds(off, 16)]
                vy = vy_v[pl.ds(off, 16)]
                vz = vz_v[pl.ds(off, 16)]
                r2 = jnp.maximum(vx * vx + vy * vy + vz * vz,
                                 np.float32(1e-12))
                ib = _MAGIC - lax.shift_right_arithmetic(
                    lax.bitcast_convert_type(r2, jnp.int32), 1)
                y = lax.bitcast_convert_type(ib, jnp.float32)
                y = y * (1.5 - 0.5 * r2 * y * y)
                y = y * (1.5 - 0.5 * r2 * y * y)
                y = y * (1.5 - 0.5 * r2 * y * y)
                nx = vx * y
                ny = vy * y
                nz = vz * y
                g = jnp.minimum(r2 * y * _TSCALE, np.float32(G - 1))
                i0 = jnp.minimum(g.astype(jnp.int32), G - 2)
                w = g - i0.astype(jnp.float32)
                t0a = plsc.load_gather(tab_v, [czero, i0])
                t1a = plsc.load_gather(tab_v, [cone, i0])
                t2a = plsc.load_gather(tab_v, [ctwo, i0])
                i1 = i0 + 1
                t0b = plsc.load_gather(tab_v, [czero, i1])
                t1b = plsc.load_gather(tab_v, [cone, i1])
                t2b = plsc.load_gather(tab_v, [ctwo, i1])
                tp0 = t0a + w * (t0b - t0a)
                tp1 = t1a + w * (t1b - t1a)
                tp2 = t2a + w * (t2b - t2a)
                ri = iota + off
                x10 = plsc.load_gather(rows_v, [ri, czero])
                x11 = plsc.load_gather(rows_v, [ri, cone])
                x12 = plsc.load_gather(rows_v, [ri, ctwo])
                x13 = plsc.load_gather(rows_v, [ri, jnp.full((16,), 3, jnp.int32)])
                x14 = plsc.load_gather(rows_v, [ri, jnp.full((16,), 4, jnp.int32)])
                x15 = plsc.load_gather(rows_v, [ri, jnp.full((16,), 5, jnp.int32)])
                x16 = plsc.load_gather(rows_v, [ri, jnp.full((16,), 6, jnp.int32)])
                x17 = plsc.load_gather(rows_v, [ri, jnp.full((16,), 7, jnp.int32)])
                x18 = plsc.load_gather(rows_v, [ri, jnp.full((16,), 8, jnp.int32)])
                c1 = x11 * nx + x12 * ny + x13 * nz
                xx = nx * nx
                yy = ny * ny
                zz = nz * nz
                c2 = (_S3 * (nx * nz * x14 + nx * ny * x15 + ny * nz * x17)
                      + (yy - 0.5 * (xx + zz)) * x16 + _S3H * (zz - xx) * x18)
                return acc + (tp0 * x10 + tp1 * c1 + tp2 * c2)

            acc = lax.fori_loop(
                0, CHUNK // 16, lambda i, a: group16(i * 16, a), acc)
        return acc

    acc = lax.fori_loop(0, NM // 2, pair_body, jnp.zeros((16,), jnp.float32))
    accv[...] = acc
    pltpu.sync_copy(accv, out_hbm.at[wid])


_sc_main = functools.partial(
    pl.kernel,
    mesh=plsc.VectorSubcoreMesh(core_axis_name="c", subcore_axis_name="s"),
    out_type=jax.ShapeDtypeStruct((NW, 16), jnp.float32),
    scratch_types=[
        pltpu.VMEM((KSUB, 128), jnp.int32),
        pltpu.VMEM((KSUB, 128), jnp.int32),
        pltpu.VMEM((CHUNK,), jnp.float32),
        pltpu.VMEM((CHUNK,), jnp.float32),
        pltpu.VMEM((CHUNK,), jnp.float32),
        pltpu.VMEM((CHUNK,), jnp.float32),
        pltpu.VMEM((CHUNK,), jnp.float32),
        pltpu.VMEM((CHUNK,), jnp.float32),
        pltpu.VMEM((CHUNK, 16), jnp.float32),
        pltpu.VMEM((CHUNK, 16), jnp.float32),
        pltpu.VMEM((4, G), jnp.float32),
        pltpu.VMEM((16,), jnp.float32),
        pltpu.SemaphoreType.DMA,
        pltpu.SemaphoreType.DMA,
        pltpu.SemaphoreType.DMA,
        pltpu.SemaphoreType.DMA,
    ],
    compiler_params=pltpu.CompilerParams(needs_layout_passes=False,
                                         use_tc_tiling_on_sc=False),
)(_sc_body)


def kernel(x, edge_src, edge_dst, edge_vec, W1, W2):
    tab = _tc_table(W1.reshape(-1), W2.reshape(-1)).reshape(4, G)
    xpad = jnp.pad(x, ((0, 0), (0, 7)))
    pad_e = E_PAD - N_EDGES
    src2 = jnp.pad(edge_src, (0, pad_e)).reshape(E_PAD // 128, 128)
    parts = _sc_main(xpad, src2,
                     jnp.pad(edge_vec[:, 0], (0, pad_e)),
                     jnp.pad(edge_vec[:, 1], (0, pad_e)),
                     jnp.pad(edge_vec[:, 2], (0, pad_e)), tab)
    return jnp.sum(parts, dtype=jnp.float32).reshape(1)

# --- scband reference (transcript-rebuilt; emitter-appended) ---
"""Pipeline reference for scband-tsbarrier-model-37091337568669 (READ-ONLY COPY).

The authoritative reference and input builder live on the scoring server;
editing this copy changes nothing except your own understanding.
"""

import jax, jax.numpy as jnp
import numpy as np

N_NODES = 100000
N_EDGES = 3200000
NUM_BASIS = 10
MAX_RADIUS = 3.0
NUM_NEIGHBORS = 64


def soft_unit_step(x):
    # e3nn.math.soft_unit_step: exp(-1/x) for x > 0 else 0
    safe = jnp.where(x > 0.0, x, 1.0)
    return jnp.where(x > 0.0, jnp.exp(-1.0 / safe), 0.0)


def soft_one_hot_linspace_smooth_finite(x, start, end, number):
    # e3nn.math.soft_one_hot_linspace(basis='smooth_finite', cutoff=True)
    values = jnp.linspace(start, end, number + 2)
    step = values[1] - values[0]
    values = values[1:-1]
    diff = (x[..., None] - values) / step
    return 1.14136 * np.exp(2.0) * soft_unit_step(diff + 1.0) * soft_unit_step(1.0 - diff)


def spherical_harmonics_lmax2(vec):
    # e3nn o3.spherical_harmonics(lmax=2, normalize=True, normalization='component')
    r = jnp.linalg.norm(vec, axis=-1, keepdims=True)
    v = vec / jnp.where(r == 0.0, 1.0, r)
    x = v[..., 0]
    y = v[..., 1]
    z = v[..., 2]
    s3 = np.sqrt(3.0)
    s15 = np.sqrt(15.0)
    s5 = np.sqrt(5.0)
    sh = [jnp.ones_like(x),
          s3 * x, s3 * y, s3 * z,
          s15 * x * z,
          s15 * x * y,
          s5 * (y * y - 0.5 * (x * x + z * z)),
          s15 * y * z,
          (s15 / 2.0) * (z * z - x * x)]
    return jnp.stack(sh, axis=-1)


def setup_inputs(seed: int = 0) -> dict:
    key = jax.random.key(seed)
    k1, k2, k3, k4, k5, k6 = jax.random.split(key, 6)
    x = jax.random.normal(k1, (N_NODES, 9), dtype=jnp.float32)
    edge_src = jax.random.randint(k2, (N_EDGES,), 0, N_NODES, dtype=jnp.int32)
    edge_dst = jax.random.randint(k3, (N_EDGES,), 0, N_NODES, dtype=jnp.int32)
    edge_vec = jax.random.normal(k4, (N_EDGES, 3), dtype=jnp.float32)
    # e3nn.nn.FullyConnectedNet([num_basis, 16, tp.weight_numel], relu); tp.weight_numel = 3
    W1 = jax.random.normal(k5, (NUM_BASIS, 16), dtype=jnp.float32)
    W2 = jax.random.normal(k6, (16, 3), dtype=jnp.float32)
    return {"x": x, "edge_src": edge_src, "edge_dst": edge_dst, "edge_vec": edge_vec, "W1": W1, "W2": W2}


def reference(x, edge_src, edge_dst, edge_vec, W1, W2):
    # spherical harmonics of edge vectors
    sh = spherical_harmonics_lmax2(edge_vec)
    # radial embedding of edge lengths
    lengths = jnp.linalg.norm(edge_vec, axis=-1)
    emb = soft_one_hot_linspace_smooth_finite(lengths, 0.0, MAX_RADIUS, NUM_BASIS) * (NUM_BASIS ** 0.5)
    # e3nn FullyConnectedNet: x @ (W / sqrt(fan_in)), relu normalized to 2nd moment 1 (factor sqrt(2))
    h = jax.nn.relu(emb @ (W1 / np.sqrt(NUM_BASIS))) * np.sqrt(2.0)
    tp_w = h @ (W2 / np.sqrt(16.0))  # [E, 3] per-edge tensor-product weights
    # gather source node features along edges
    x1 = jnp.take(x, edge_src, axis=0)  # [E, 9]
    # FullyConnectedTensorProduct('1x0e+1x1o+1x2e', sh_irreps, '1x0e'):
    # three paths (0e x 0e, 1o x 1o, 2e x 2e -> 0e); w3j(l,l,0) = delta/sqrt(2l+1);
    # component normalization + element path normalization gives alpha = 1/sqrt(3)
    c0 = x1[:, 0] * sh[:, 0]
    c1 = jnp.sum(x1[:, 1:4] * sh[:, 1:4], axis=-1) / np.sqrt(3.0)
    c2 = jnp.sum(x1[:, 4:9] * sh[:, 4:9], axis=-1) / np.sqrt(5.0)
    edge_out = (tp_w[:, 0] * c0 + tp_w[:, 1] * c1 + tp_w[:, 2] * c2) / np.sqrt(3.0)
    # scatter-add over destination nodes
    node_out = jax.ops.segment_sum(edge_out, edge_dst, num_segments=N_NODES)
    node_out = node_out / np.sqrt(NUM_NEIGHBORS)
    return jnp.reshape(jnp.sum(node_out), (1,))

if __name__ == "__main__":
    import jax
    _d = setup_inputs()
    print(jax.jit(kernel)(*tuple(_d.values())))

</pallas_src>

<mosaic_0001>
#map = affine_map<(d0, d1) -> (0, 0)>
#map1 = affine_map<(d0, d1) -> (0)>
module attributes {stable_mosaic.version = 14 : i64} {
  func.func @_sc_body(%arg0: i32, %arg1: i32, %arg2: memref<100000x16xf32, #tpu.memory_space<hbm>>, %arg3: memref<25088x128xi32, #tpu.memory_space<hbm>>, %arg4: memref<3211264xf32, #tpu.memory_space<hbm>>, %arg5: memref<3211264xf32, #tpu.memory_space<hbm>>, %arg6: memref<3211264xf32, #tpu.memory_space<hbm>>, %arg7: memref<4x16384xf32, #tpu.memory_space<hbm>>, %arg8: memref<32x16xf32, #tpu.memory_space<hbm>>, %arg9: memref<8x128xi32, #tpu.memory_space<vmem>>, %arg10: memref<8x128xi32, #tpu.memory_space<vmem>>, %arg11: memref<1024xf32, #tpu.memory_space<vmem>>, %arg12: memref<1024xf32, #tpu.memory_space<vmem>>, %arg13: memref<1024xf32, #tpu.memory_space<vmem>>, %arg14: memref<1024xf32, #tpu.memory_space<vmem>>, %arg15: memref<1024xf32, #tpu.memory_space<vmem>>, %arg16: memref<1024xf32, #tpu.memory_space<vmem>>, %arg17: memref<1024x16xf32, #tpu.memory_space<vmem>>, %arg18: memref<1024x16xf32, #tpu.memory_space<vmem>>, %arg19: memref<4x16384xf32, #tpu.memory_space<vmem>>, %arg20: memref<16xf32, #tpu.memory_space<vmem>>, %arg21: memref<!tpu.dma_semaphore, #tpu.memory_space<semaphore_mem>>, %arg22: memref<!tpu.dma_semaphore, #tpu.memory_space<semaphore_mem>>, %arg23: memref<!tpu.dma_semaphore, #tpu.memory_space<semaphore_mem>>, %arg24: memref<!tpu.dma_semaphore, #tpu.memory_space<semaphore_mem>>) attributes {dimension_semantics = [#tpu.dimension_semantics<core_parallel>, #tpu.dimension_semantics<subcore_parallel>], iteration_bounds = array<i64: 2, 16>, scalar_prefetch = 0 : i64, scratch_operands = 16 : i64, tpu.core_type = #tpu.core_type<sc_vector_subcore>, window_params = [{transform_indices = #map}, {transform_indices = #map}, {transform_indices = #map1}, {transform_indices = #map1}, {transform_indices = #map1}, {transform_indices = #map}, {transform_indices = #map}]} {
    %mul3A = arith.constant 2 : i32
    %mul3A_0 = arith.muli %arg1, %mul3A : i32
    %add3A = arith.addi %mul3A_0, %arg0 : i32
    "tpu.region"() ({
      %run_scoped3A = tpu.sem_alloc : memref<!tpu.dma_semaphore, #tpu.memory_space<semaphore_mem>>
      tpu.enqueue_dma source(%arg7 : memref<4x16384xf32, #tpu.memory_space<hbm>>) target(%arg19 : memref<4x16384xf32, #tpu.memory_space<vmem>>) target_semaphore(%run_scoped3A : memref<!tpu.dma_semaphore, #tpu.memory_space<semaphore_mem>>)
      tpu.wait_dma2 semaphore(%run_scoped3A : memref<!tpu.dma_semaphore, #tpu.memory_space<semaphore_mem>>) src(%arg7 : memref<4x16384xf32, #tpu.memory_space<hbm>>) dst(%arg19 : memref<4x16384xf32, #tpu.memory_space<vmem>>)
      tpu.yield
    }) : () -> ()
    %iota3A = tpu.iota {dimensions = array<i32: 0>} : vector<16xi32>
    %broadcast_in_dim3A = arith.constant 0 : i32
    %broadcast_in_dim3A_1 = vector.broadcast %broadcast_in_dim3A : i32 to vector<16xi32>
    %broadcast_in_dim3A_2 = arith.constant 1 : i32
    %broadcast_in_dim3A_3 = vector.broadcast %broadcast_in_dim3A_2 : i32 to vector<16xi32>
    %broadcast_in_dim3A_4 = arith.constant 2 : i32
    %broadcast_in_dim3A_5 = vector.broadcast %broadcast_in_dim3A_4 : i32 to vector<16xi32>
    %add3A_6 = arith.constant 0 : i32
    %add3A_7 = arith.addi %add3A, %add3A_6 : i32
    %mul3A_8 = arith.constant 1024 : i32
    %mul3A_9 = arith.muli %add3A_7, %mul3A_8 : i32
    %mul3A_10 = arith.constant 8 : i32
    %mul3A_11 = arith.muli %add3A_7, %mul3A_10 : i32
    %dma_start3A = arith.constant 0 : i32
    %dma_start3A_12 = tpu.memref_slice %arg3[%mul3A_11, %dma_start3A] : memref<25088x128xi32, #tpu.memory_space<hbm>> -> memref<8x128xi32, #tpu.memory_space<hbm>>
    %dma_start3A_13 = arith.constant 0 : i32
    %dma_start3A_14 = tpu.memref_slice %arg3[%mul3A_11, %dma_start3A_13] : memref<25088x128xi32, #tpu.memory_space<hbm>> -> memref<8x128xi32, #tpu.memory_space<hbm>>
    tpu.enqueue_dma source(%dma_start3A_14 : memref<8x128xi32, #tpu.memory_space<hbm>>) target(%arg9 : memref<8x128xi32, #tpu.memory_space<vmem>>) target_semaphore(%arg21 : memref<!tpu.dma_semaphore, #tpu.memory_space<semaphore_mem>>)
    %dma_start3A_15 = tpu.memref_slice %arg4[%mul3A_9] : memref<3211264xf32, #tpu.memory_space<hbm>> -> memref<1024xf32, #tpu.memory_space<hbm>>
    %dma_start3A_16 = tpu.memref_slice %arg4[%mul3A_9] : memref<3211264xf32, #tpu.memory_space<hbm>> -> memref<1024xf32, #tpu.memory_space<hbm>>
    tpu.enqueue_dma source(%dma_start3A_16 : memref<1024xf32, #tpu.memory_space<hbm>>) target(%arg11 : memref<1024xf32, #tpu.memory_space<vmem>>) target_semaphore(%arg21 : memref<!tpu.dma_semaphore, #tpu.memory_space<semaphore_mem>>)
    %dma_start3A_17 = tpu.memref_slice %arg5[%mul3A_9] : memref<3211264xf32, #tpu.memory_space<hbm>> -> memref<1024xf32, #tpu.memory_space<hbm>>
    %dma_start3A_18 = tpu.memref_slice %arg5[%mul3A_9] : memref<3211264xf32, #tpu.memory_space<hbm>> -> memref<1024xf32, #tpu.memory_space<hbm>>
    tpu.enqueue_dma source(%dma_start3A_18 : memref<1024xf32, #tpu.memory_space<hbm>>) target(%arg13 : memref<1024xf32, #tpu.memory_space<vmem>>) target_semaphore(%arg21 : memref<!tpu.dma_semaphore, #tpu.memory_space<semaphore_mem>>)
    %dma_start3A_19 = tpu.memref_slice %arg6[%mul3A_9] : memref<3211264xf32, #tpu.memory_space<hbm>> -> memref<1024xf32, #tpu.memory_space<hbm>>
    %dma_start3A_20 = tpu.memref_slice %arg6[%mul3A_9] : memref<3211264xf32, #tpu.memory_space<hbm>> -> memref<1024xf32, #tpu.memory_space<hbm>>
    tpu.enqueue_dma source(%dma_start3A_20 : memref<1024xf32, #tpu.memory_space<hbm>>) target(%arg15 : memref<1024xf32, #tpu.memory_space<vmem>>) target_semaphore(%arg21 : memref<!tpu.dma_semaphore, #tpu.memory_space<semaphore_mem>>)
    %add3A_21 = arith.constant 0 : i32
    %add3A_22 = arith.addi %add3A, %add3A_21 : i32
    %mul3A_23 = arith.constant 1024 : i32
    %mul3A_24 = arith.muli %add3A_22, %mul3A_23 : i32
    %mul3A_25 = arith.constant 8 : i32
    %mul3A_26 = arith.muli %add3A_22, %mul3A_25 : i32
    %dma_wait3A = arith.constant 0 : i32
    %dma_wait3A_27 = tpu.memref_slice %arg3[%mul3A_26, %dma_wait3A] : memref<25088x128xi32, #tpu.memory_space<hbm>> -> memref<8x128xi32, #tpu.memory_space<hbm>>
    %dma_wait3A_28 = arith.constant 0 : i32
    %dma_wait3A_29 = tpu.memref_slice %arg3[%mul3A_26, %dma_wait3A_28] : memref<25088x128xi32, #tpu.memory_space<hbm>> -> memref<8x128xi32, #tpu.memory_space<hbm>>
    tpu.wait_dma2 semaphore(%arg21 : memref<!tpu.dma_semaphore, #tpu.memory_space<semaphore_mem>>) src(%dma_wait3A_29 : memref<8x128xi32, #tpu.memory_space<hbm>>) dst(%arg9 : memref<8x128xi32, #tpu.memory_space<vmem>>)
    %dma_wait3A_30 = tpu.memref_slice %arg4[%mul3A_24] : memref<3211264xf32, #tpu.memory_space<hbm>> -> memref<1024xf32, #tpu.memory_space<hbm>>
    %dma_wait3A_31 = tpu.memref_slice %arg4[%mul3A_24] : memref<3211264xf32, #tpu.memory_space<hbm>> -> memref<1024xf32, #tpu.memory_space<hbm>>
    tpu.wait_dma2 semaphore(%arg21 : memref<!tpu.dma_semaphore, #tpu.memory_space<semaphore_mem>>) src(%dma_wait3A_31 : memref<1024xf32, #tpu.memory_space<hbm>>) dst(%arg11 : memref<1024xf32, #tpu.memory_space<vmem>>)
    %dma_wait3A_32 = tpu.memref_slice %arg5[%mul3A_24] : memref<3211264xf32, #tpu.memory_space<hbm>> -> memref<1024xf32, #tpu.memory_space<hbm>>
    %dma_wait3A_33 = tpu.memref_slice %arg5[%mul3A_24] : memref<3211264xf32, #tpu.memory_space<hbm>> -> memref<1024xf32, #tpu.memory_space<hbm>>
    tpu.wait_dma2 semaphore(%arg21 : memref<!tpu.dma_semaphore, #tpu.memory_space<semaphore_mem>>) src(%dma_wait3A_33 : memref<1024xf32, #tpu.memory_space<hbm>>) dst(%arg13 : memref<1024xf32, #tpu.memory_space<vmem>>)
    %dma_wait3A_34 = tpu.memref_slice %arg6[%mul3A_24] : memref<3211264xf32, #tpu.memory_space<hbm>> -> memref<1024xf32, #tpu.memory_space<hbm>>
    %dma_wait3A_35 = tpu.memref_slice %arg6[%mul3A_24] : memref<3211264xf32, #tpu.memory_space<hbm>> -> memref<1024xf32, #tpu.memory_space<hbm>>
    tpu.wait_dma2 semaphore(%arg21 : memref<!tpu.dma_semaphore, #tpu.memory_space<semaphore_mem>>) src(%dma_wait3A_35 : memref<1024xf32, #tpu.memory_space<hbm>>) dst(%arg15 : memref<1024xf32, #tpu.memory_space<vmem>>)
    %dma_start3A_36 = arith.constant 0 : i32
    %dma_start3A_37 = arith.constant 0 : i32
    %dma_start3A_38 = arith.constant 0 : i32
    %dma_start3A_39 = tpu.memref_slice %arg17[%dma_start3A_37, %dma_start3A_38] : memref<1024x16xf32, #tpu.memory_space<vmem>> -> memref<128x16xf32, #tpu.memory_space<vmem>>
    %dma_start3A_40 = arith.constant 0 : i32
    %dma_start3A_41 = tpu.memref_slice %arg9[%dma_start3A_36, %dma_start3A_40] : memref<8x128xi32, #tpu.memory_space<vmem>> -> memref<1x128xi32, #tpu.memory_space<vmem>>
    %dma_start3A_42 = tpu.memref_squeeze %dma_start3A_41 : memref<1x128xi32, #tpu.memory_space<vmem>> -> memref<128xi32, #tpu.memory_space<vmem>>
    %dma_start3A_43 = arith.constant 0 : i32
    %dma_start3A_44 = arith.constant 0 : i32
    %dma_start3A_45 = tpu.memref_slice %arg2[%dma_start3A_43, %dma_start3A_44] : memref<100000x16xf32, #tpu.memory_space<hbm>> -> memref<100000x16xf32, #tpu.memory_space<hbm>>
    tpu.enqueue_indirect_dma source(%dma_start3A_45 : memref<100000x16xf32, #tpu.memory_space<hbm>>) target(%dma_start3A_39 : memref<128x16xf32, #tpu.memory_space<vmem>>) offsets(%dma_start3A_42 : memref<128xi32, #tpu.memory_space<vmem>>) semaphore(%arg23 : memref<!tpu.dma_semaphore, #tpu.memory_space<semaphore_mem>>)
    %dma_start3A_46 = arith.constant 1 : i32
    %dma_start3A_47 = arith.constant 128 : i32
    %dma_start3A_48 = arith.constant 0 : i32
    %dma_start3A_49 = tpu.memref_slice %arg17[%dma_start3A_47, %dma_start3A_48] : memref<1024x16xf32, #tpu.memory_space<vmem>> -> memref<128x16xf32, #tpu.memory_space<vmem>>
    %dma_start3A_50 = arith.constant 0 : i32
    %dma_start3A_51 = tpu.memref_slice %arg9[%dma_start3A_46, %dma_start3A_50] : memref<8x128xi32, #tpu.memory_space<vmem>> -> memref<1x128xi32, #tpu.memory_space<vmem>>
    %dma_start3A_52 = tpu.memref_squeeze %dma_start3A_51 : memref<1x128xi32, #tpu.memory_space<vmem>> -> memref<128xi32, #tpu.memory_space<vmem>>
    %dma_start3A_53 = arith.constant 0 : i32
    %dma_start3A_54 = arith.constant 0 : i32
    %dma_start3A_55 = tpu.memref_slice %arg2[%dma_start3A_53, %dma_start3A_54] : memref<100000x16xf32, #tpu.memory_space<hbm>> -> memref<100000x16xf32, #tpu.memory_space<hbm>>
    tpu.enqueue_indirect_dma source(%dma_start3A_55 : memref<100000x16xf32, #tpu.memory_space<hbm>>) target(%dma_start3A_49 : memref<128x16xf32, #tpu.memory_space<vmem>>) offsets(%dma_start3A_52 : memref<128xi32, #tpu.memory_space<vmem>>) semaphore(%arg23 : memref<!tpu.dma_semaphore, #tpu.memory_space<semaphore_mem>>)
    %dma_start3A_56 = arith.constant 2 : i32
    %dma_start3A_57 = arith.constant 256 : i32
    %dma_start3A_58 = arith.constant 0 : i32
    %dma_start3A_59 = tpu.memref_slice %arg17[%dma_start3A_57, %dma_start3A_58] : memref<1024x16xf32, #tpu.memory_space<vmem>> -> memref<128x16xf32, #tpu.memory_space<vmem>>
    %dma_start3A_60 = arith.constant 0 : i32
    %dma_start3A_61 = tpu.memref_slice %arg9[%dma_start3A_56, %dma_start3A_60] : memref<8x128xi32, #tpu.memory_space<vmem>> -> memref<1x128xi32, #tpu.memory_space<vmem>>
    %dma_start3A_62 = tpu.memref_squeeze %dma_start3A_61 : memref<1x128xi32, #tpu.memory_space<vmem>> -> memref<128xi32, #tpu.memory_space<vmem>>
    %dma_start3A_63 = arith.constant 0 : i32
    %dma_start3A_64 = arith.constant 0 : i32
    %dma_start3A_65 = tpu.memref_slice %arg2[%dma_start3A_63, %dma_start3A_64] : memref<100000x16xf32, #tpu.memory_space<hbm>> -> memref<100000x16xf32, #tpu.memory_space<hbm>>
    tpu.enqueue_indirect_dma source(%dma_start3A_65 : memref<100000x16xf32, #tpu.memory_space<hbm>>) target(%dma_start3A_59 : memref<128x16xf32, #tpu.memory_space<vmem>>) offsets(%dma_start3A_62 : memref<128xi32, #tpu.memory_space<vmem>>) semaphore(%arg23 : memref<!tpu.dma_semaphore, #tpu.memory_space<semaphore_mem>>)
    %dma_start3A_66 = arith.constant 3 : i32
    %dma_start3A_67 = arith.constant 384 : i32
    %dma_start3A_68 = arith.constant 0 : i32
    %dma_start3A_69 = tpu.memref_slice %arg17[%dma_start3A_67, %dma_start3A_68] : memref<1024x16xf32, #tpu.memory_space<vmem>> -> memref<128x16xf32, #tpu.memory_space<vmem>>
    %dma_start3A_70 = arith.constant 0 : i32
    %dma_start3A_71 = tpu.memref_slice %arg9[%dma_start3A_66, %dma_start3A_70] : memref<8x128xi32, #tpu.memory_space<vmem>> -> memref<1x128xi32, #tpu.memory_space<vmem>>
    %dma_start3A_72 = tpu.memref_squeeze %dma_start3A_71 : memref<1x128xi32, #tpu.memory_space<vmem>> -> memref<128xi32, #tpu.memory_space<vmem>>
    %dma_start3A_73 = arith.constant 0 : i32
    %dma_start3A_74 = arith.constant 0 : i32
    %dma_start3A_75 = tpu.memref_slice %arg2[%dma_start3A_73, %dma_start3A_74] : memref<100000x16xf32, #tpu.memory_space<hbm>> -> memref<100000x16xf32, #tpu.memory_space<hbm>>
    tpu.enqueue_indirect_dma source(%dma_start3A_75 : memref<100000x16xf32, #tpu.memory_space<hbm>>) target(%dma_start3A_69 : memref<128x16xf32, #tpu.memory_space<vmem>>) offsets(%dma_start3A_72 : memref<128xi32, #tpu.memory_space<vmem>>) semaphore(%arg23 : memref<!tpu.dma_semaphore, #tpu.memory_space<semaphore_mem>>)
    %dma_start3A_76 = arith.constant 4 : i32
    %dma_start3A_77 = arith.constant 512 : i32
    %dma_start3A_78 = arith.constant 0 : i32
    %dma_start3A_79 = tpu.memref_slice %arg17[%dma_start3A_77, %dma_start3A_78] : memref<1024x16xf32, #tpu.memory_space<vmem>> -> memref<128x16xf32, #tpu.memory_space<vmem>>
    %dma_start3A_80 = arith.constant 0 : i32
    %dma_start3A_81 = tpu.memref_slice %arg9[%dma_start3A_76, %dma_start3A_80] : memref<8x128xi32, #tpu.memory_space<vmem>> -> memref<1x128xi32, #tpu.memory_space<vmem>>
    %dma_start3A_82 = tpu.memref_squeeze %dma_start3A_81 : memref<1x128xi32, #tpu.memory_space<vmem>> -> memref<128xi32, #tpu.memory_space<vmem>>
    %dma_start3A_83 = arith.constant 0 : i32
    %dma_start3A_84 = arith.constant 0 : i32
    %dma_start3A_85 = tpu.memref_slice %arg2[%dma_start3A_83, %dma_start3A_84] : memref<100000x16xf32, #tpu.memory_space<hbm>> -> memref<100000x16xf32, #tpu.memory_space<hbm>>
    tpu.enqueue_indirect_dma source(%dma_start3A_85 : memref<100000x16xf32, #tpu.memory_space<hbm>>) target(%dma_start3A_79 : memref<128x16xf32, #tpu.memory_space<vmem>>) offsets(%dma_start3A_82 : memref<128xi32, #tpu.memory_space<vmem>>) semaphore(%arg23 : memref<!tpu.dma_semaphore, #tpu.memory_space<semaphore_mem>>)
    %dma_start3A_86 = arith.constant 5 : i32
    %dma_start3A_87 = arith.constant 640 : i32
    %dma_start3A_88 = arith.constant 0 : i32
    %dma_start3A_89 = tpu.memref_slice %arg17[%dma_start3A_87, %dma_start3A_88] : memref<1024x16xf32, #tpu.memory_space<vmem>> -> memref<128x16xf32, #tpu.memory_space<vmem>>
    %dma_start3A_90 = arith.constant 0 : i32
    %dma_start3A_91 = tpu.memref_slice %arg9[%dma_start3A_86, %dma_start3A_90] : memref<8x128xi32, #tpu.memory_space<vmem>> -> memref<1x128xi32, #tpu.memory_space<vmem>>
    %dma_start3A_92 = tpu.memref_squeeze %dma_start3A_91 : memref<1x128xi32, #tpu.memory_space<vmem>> -> memref<128xi32, #tpu.memory_space<vmem>>
    %dma_start3A_93 = arith.constant 0 : i32
    %dma_start3A_94 = arith.constant 0 : i32
    %dma_start3A_95 = tpu.memref_slice %arg2[%dma_start3A_93, %dma_start3A_94] : memref<100000x16xf32, #tpu.memory_space<hbm>> -> memref<100000x16xf32, #tpu.memory_space<hbm>>
    tpu.enqueue_indirect_dma source(%dma_start3A_95 : memref<100000x16xf32, #tpu.memory_space<hbm>>) target(%dma_start3A_89 : memref<128x16xf32, #tpu.memory_space<vmem>>) offsets(%dma_start3A_92 : memref<128xi32, #tpu.memory_space<vmem>>) semaphore(%arg23 : memref<!tpu.dma_semaphore, #tpu.memory_space<semaphore_mem>>)
    %dma_start3A_96 = arith.constant 6 : i32
    %dma_start3A_97 = arith.constant 768 : i32
    %dma_start3A_98 = arith.constant 0 : i32
    %dma_start3A_99 = tpu.memref_slice %arg17[%dma_start3A_97, %dma_start3A_98] : memref<1024x16xf32, #tpu.memory_space<vmem>> -> memref<128x16xf32, #tpu.memory_space<vmem>>
    %dma_start3A_100 = arith.constant 0 : i32
    %dma_start3A_101 = tpu.memref_slice %arg9[%dma_start3A_96, %dma_start3A_100] : memref<8x128xi32, #tpu.memory_space<vmem>> -> memref<1x128xi32, #tpu.memory_space<vmem>>
    %dma_start3A_102 = tpu.memref_squeeze %dma_start3A_101 : memref<1x128xi32, #tpu.memory_space<vmem>> -> memref<128xi32, #tpu.memory_space<vmem>>
    %dma_start3A_103 = arith.constant 0 : i32
    %dma_start3A_104 = arith.constant 0 : i32
    %dma_start3A_105 = tpu.memref_slice %arg2[%dma_start3A_103, %dma_start3A_104] : memref<100000x16xf32, #tpu.memory_space<hbm>> -> memref<100000x16xf32, #tpu.memory_space<hbm>>
    tpu.enqueue_indirect_dma source(%dma_start3A_105 : memref<100000x16xf32, #tpu.memory_space<hbm>>) target(%dma_start3A_99 : memref<128x16xf32, #tpu.memory_space<vmem>>) offsets(%dma_start3A_102 : memref<128xi32, #tpu.memory_space<vmem>>) semaphore(%arg23 : memref<!tpu.dma_semaphore, #tpu.memory_space<semaphore_mem>>)
    %dma_start3A_106 = arith.constant 7 : i32
    %dma_start3A_107 = arith.constant 896 : i32
    %dma_start3A_108 = arith.constant 0 : i32
    %dma_start3A_109 = tpu.memref_slice %arg17[%dma_start3A_107, %dma_start3A_108] : memref<1024x16xf32, #tpu.memory_space<vmem>> -> memref<128x16xf32, #tpu.memory_space<vmem>>
    %dma_start3A_110 = arith.constant 0 : i32
    %dma_start3A_111 = tpu.memref_slice %arg9[%dma_start3A_106, %dma_start3A_110] : memref<8x128xi32, #tpu.memory_space<vmem>> -> memref<1x128xi32, #tpu.memory_space<vmem>>
    %dma_start3A_112 = tpu.memref_squeeze %dma_start3A_111 : memref<1x128xi32, #tpu.memory_space<vmem>> -> memref<128xi32, #tpu.memory_space<vmem>>
    %dma_start3A_113 = arith.constant 0 : i32
    %dma_start3A_114 = arith.constant 0 : i32
    %dma_start3A_115 = tpu.memref_slice %arg2[%dma_start3A_113, %dma_start3A_114] : memref<100000x16xf32, #tpu.memory_space<hbm>> -> memref<100000x16xf32, #tpu.memory_space<hbm>>
    tpu.enqueue_indirect_dma source(%dma_start3A_115 : memref<100000x16xf32, #tpu.memory_space<hbm>>) target(%dma_start3A_109 : memref<128x16xf32, #tpu.memory_space<vmem>>) offsets(%dma_start3A_112 : memref<128xi32, #tpu.memory_space<vmem>>) semaphore(%arg23 : memref<!tpu.dma_semaphore, #tpu.memory_space<semaphore_mem>>)
    %broadcast_in_dim3A_116 = arith.constant 0.000000e+00 : f32
    %broadcast_in_dim3A_117 = vector.broadcast %broadcast_in_dim3A_116 : f32 to vector<16xf32>
    %scan3A = arith.constant 0 : i32
    %scan3A_118 = arith.constant 49 : i32
    %scan3A_119 = arith.addi %scan3A, %scan3A_118 : i32
    %scan3A_120 = arith.constant 1 : i32
    %scan3A_121 = scf.for %scan3A_124 = %scan3A to %scan3A_119 step %scan3A_120 iter_args(%scan3A_125 = %broadcast_in_dim3A_117) -> (vector<16xf32>)  : i32 {
      %mul3A_126 = arith.constant 2 : i32
      %mul3A_127 = arith.muli %scan3A_124, %mul3A_126 : i32
      %add3A_128 = arith.constant 0 : i32
      %add3A_129 = arith.addi %mul3A_127, %add3A_128 : i32
      %add3A_130 = arith.constant 1 : i32
      %add3A_131 = arith.addi %add3A_129, %add3A_130 : i32
      %lt3A = arith.constant 98 : i32
      %lt3A_132 = arith.cmpi slt, %add3A_131, %lt3A : i32
      %convert_element_type3A = arith.extui %lt3A_132 : i1 to i32
      %cond3A = arith.constant 0 : i32
      %cond3A_133 = arith.cmpi ne, %convert_element_type3A, %cond3A : i32
      scf.if %cond3A_133 {
        %add3A_317 = arith.constant 1 : i32
        %add3A_318 = arith.addi %add3A_129, %add3A_317 : i32
        %mul3A_319 = arith.constant 32 : i32
        %mul3A_320 = arith.muli %add3A_318, %mul3A_319 : i32
        %add3A_321 = arith.addi %add3A, %mul3A_320 : i32
        %mul3A_322 = arith.constant 1024 : i32
        %mul3A_323 = arith.muli %add3A_321, %mul3A_322 : i32
        %mul3A_324 = arith.constant 8 : i32
        %mul3A_325 = arith.muli %add3A_321, %mul3A_324 : i32
        %dma_start3A_326 = arith.constant 0 : i32
        %dma_start3A_327 = tpu.memref_slice %arg3[%mul3A_325, %dma_start3A_326] : memref<25088x128xi32, #tpu.memory_space<hbm>> -> memref<8x128xi32, #tpu.memory_space<hbm>>
        %dma_start3A_328 = arith.constant 0 : i32
        %dma_start3A_329 = tpu.memref_slice %arg3[%mul3A_325, %dma_start3A_328] : memref<25088x128xi32, #tpu.memory_space<hbm>> -> memref<8x128xi32, #tpu.memory_space<hbm>>
        tpu.enqueue_dma source(%dma_start3A_329 : memref<8x128xi32, #tpu.memory_space<hbm>>) target(%arg10 : memref<8x128xi32, #tpu.memory_space<vmem>>) target_semaphore(%arg22 : memref<!tpu.dma_semaphore, #tpu.memory_space<semaphore_mem>>)
        %dma_start3A_330 = tpu.memref_slice %arg4[%mul3A_323] : memref<3211264xf32, #tpu.memory_space<hbm>> -> memref<1024xf32, #tpu.memory_space<hbm>>
        %dma_start3A_331 = tpu.memref_slice %arg4[%mul3A_323] : memref<3211264xf32, #tpu.memory_space<hbm>> -> memref<1024xf32, #tpu.memory_space<hbm>>
        tpu.enqueue_dma source(%dma_start3A_331 : memref<1024xf32, #tpu.memory_space<hbm>>) target(%arg12 : memref<1024xf32, #tpu.memory_space<vmem>>) target_semaphore(%arg22 : memref<!tpu.dma_semaphore, #tpu.memory_space<semaphore_mem>>)
        %dma_start3A_332 = tpu.memref_slice %arg5[%mul3A_323] : memref<3211264xf32, #tpu.memory_space<hbm>> -> memref<1024xf32, #tpu.memory_space<hbm>>
        %dma_start3A_333 = tpu.memref_slice %arg5[%mul3A_323] : memref<3211264xf32, #tpu.memory_space<hbm>> -> memref<1024xf32, #tpu.memory_space<hbm>>
        tpu.enqueue_dma source(%dma_start3A_333 : memref<1024xf32, #tpu.memory_space<hbm>>) target(%arg14 : memref<1024xf32, #tpu.memory_space<vmem>>) target_semaphore(%arg22 : memref<!tpu.dma_semaphore, #tpu.memory_space<semaphore_mem>>)
        %dma_start3A_334 = tpu.memref_slice %arg6[%mul3A_323] : memref<3211264xf32, #tpu.memory_space<hbm>> -> memref<1024xf32, #tpu.memory_space<hbm>>
        %dma_start3A_335 = tpu.memref_slice %arg6[%mul3A_323] : memref<3211264xf32, #tpu.memory_space<hbm>> -> memref<1024xf32, #tpu.memory_space<hbm>>
        tpu.enqueue_dma source(%dma_start3A_335 : memref<1024xf32, #tpu.memory_space<hbm>>) target(%arg16 : memref<1024xf32, #tpu.memory_space<vmem>>) target_semaphore(%arg22 : memref<!tpu.dma_semaphore, #tpu.memory_space<semaphore_mem>>)
        %add3A_336 = arith.constant 1 : i32
        %add3A_337 = arith.addi %add3A_129, %add3A_336 : i32
        %mul3A_338 = arith.constant 32 : i32
        %mul3A_339 = arith.muli %add3A_337, %mul3A_338 : i32
        %add3A_340 = arith.addi %add3A, %mul3A_339 : i32
        %mul3A_341 = arith.constant 1024 : i32
        %mul3A_342 = arith.muli %add3A_340, %mul3A_341 : i32
        %mul3A_343 = arith.constant 8 : i32
        %mul3A_344 = arith.muli %add3A_340, %mul3A_343 : i32
        %dma_wait3A_345 = arith.constant 0 : i32
        %dma_wait3A_346 = tpu.memref_slice %arg3[%mul3A_344, %dma_wait3A_345] : memref<25088x128xi32, #tpu.memory_space<hbm>> -> memref<8x128xi32, #tpu.memory_space<hbm>>
        %dma_wait3A_347 = arith.constant 0 : i32
        %dma_wait3A_348 = tpu.memref_slice %arg3[%mul3A_344, %dma_wait3A_347] : memref<25088x128xi32, #tpu.memory_space<hbm>> -> memref<8x128xi32, #tpu.memory_space<hbm>>
        tpu.wait_dma2 semaphore(%arg22 : memref<!tpu.dma_semaphore, #tpu.memory_space<semaphore_mem>>) src(%dma_wait3A_348 : memref<8x128xi32, #tpu.memory_space<hbm>>) dst(%arg10 : memref<8x128xi32, #tpu.memory_space<vmem>>)
        %dma_wait3A_349 = tpu.memref_slice %arg4[%mul3A_342] : memref<3211264xf32, #tpu.memory_space<hbm>> -> memref<1024xf32, #tpu.memory_space<hbm>>
        %dma_wait3A_350 = tpu.memref_slice %arg4[%mul3A_342] : memref<3211264xf32, #tpu.memory_space<hbm>> -> memref<1024xf32, #tpu.memory_space<hbm>>
        tpu.wait_dma2 semaphore(%arg22 : memref<!tpu.dma_semaphore, #tpu.memory_space<semaphore_mem>>) src(%dma_wait3A_350 : memref<1024xf32, #tpu.memory_space<hbm>>) dst(%arg12 : memref<1024xf32, #tpu.memory_space<vmem>>)
        %dma_wait3A_351 = tpu.memref_slice %arg5[%mul3A_342] : memref<3211264xf32, #tpu.memory_space<hbm>> -> memref<1024xf32, #tpu.memory_space<hbm>>
        %dma_wait3A_352 = tpu.memref_slice %arg5[%mul3A_342] : memref<3211264xf32, #tpu.memory_space<hbm>> -> memref<1024xf32, #tpu.memory_space<hbm>>
        tpu.wait_dma2 semaphore(%arg22 : memref<!tpu.dma_semaphore, #tpu.memory_space<semaphore_mem>>) src(%dma_wait3A_352 : memref<1024xf32, #tpu.memory_space<hbm>>) dst(%arg14 : memref<1024xf32, #tpu.memory_space<vmem>>)
        %dma_wait3A_353 = tpu.memref_slice %arg6[%mul3A_342] : memref<3211264xf32, #tpu.memory_space<hbm>> -> memref<1024xf32, #tpu.memory_space<hbm>>
        %dma_wait3A_354 = tpu.memref_slice %arg6[%mul3A_342] : memref<3211264xf32, #tpu.memory_space<hbm>> -> memref<1024xf32, #tpu.memory_space<hbm>>
        tpu.wait_dma2 semaphore(%arg22 : memref<!tpu.dma_semaphore, #tpu.memory_space<semaphore_mem>>) src(%dma_wait3A_354 : memref<1024xf32, #tpu.memory_space<hbm>>) dst(%arg16 : memref<1024xf32, #tpu.memory_space<vmem>>)
        %dma_start3A_355 = arith.constant 0 : i32
        %dma_start3A_356 = arith.constant 0 : i32
        %dma_start3A_357 = arith.constant 0 : i32
        %dma_start3A_358 = tpu.memref_slice %arg18[%dma_start3A_356, %dma_start3A_357] : memref<1024x16xf32, #tpu.memory_space<vmem>> -> memref<128x16xf32, #tpu.memory_space<vmem>>
        %dma_start3A_359 = arith.constant 0 : i32
        %dma_start3A_360 = tpu.memref_slice %arg10[%dma_start3A_355, %dma_start3A_359] : memref<8x128xi32, #tpu.memory_space<vmem>> -> memref<1x128xi32, #tpu.memory_space<vmem>>
        %dma_start3A_361 = tpu.memref_squeeze %dma_start3A_360 : memref<1x128xi32, #tpu.memory_space<vmem>> -> memref<128xi32, #tpu.memory_space<vmem>>
        %dma_start3A_362 = arith.constant 0 : i32
        %dma_start3A_363 = arith.constant 0 : i32
        %dma_start3A_364 = tpu.memref_slice %arg2[%dma_start3A_362, %dma_start3A_363] : memref<100000x16xf32, #tpu.memory_space<hbm>> -> memref<100000x16xf32, #tpu.memory_space<hbm>>
        tpu.enqueue_indirect_dma source(%dma_start3A_364 : memref<100000x16xf32, #tpu.memory_space<hbm>>) target(%dma_start3A_358 : memref<128x16xf32, #tpu.memory_space<vmem>>) offsets(%dma_start3A_361 : memref<128xi32, #tpu.memory_space<vmem>>) semaphore(%arg24 : memref<!tpu.dma_semaphore, #tpu.memory_space<semaphore_mem>>)
        %dma_start3A_365 = arith.constant 1 : i32
        %dma_start3A_366 = arith.constant 128 : i32
        %dma_start3A_367 = arith.constant 0 : i32
        %dma_start3A_368 = tpu.memref_slice %arg18[%dma_start3A_366, %dma_start3A_367] : memref<1024x16xf32, #tpu.memory_space<vmem>> -> memref<128x16xf32, #tpu.memory_space<vmem>>
        %dma_start3A_369 = arith.constant 0 : i32
        %dma_start3A_370 = tpu.memref_slice %arg10[%dma_start3A_365, %dma_start3A_369] : memref<8x128xi32, #tpu.memory_space<vmem>> -> memref<1x128xi32, #tpu.memory_space<vmem>>
        %dma_start3A_371 = tpu.memref_squeeze %dma_start3A_370 : memref<1x128xi32, #tpu.memory_space<vmem>> -> memref<128xi32, #tpu.memory_space<vmem>>
        %dma_start3A_372 = arith.constant 0 : i32
        %dma_start3A_373 = arith.constant 0 : i32
        %dma_start3A_374 = tpu.memref_slice %arg2[%dma_start3A_372, %dma_start3A_373] : memref<100000x16xf32, #tpu.memory_space<hbm>> -> memref<100000x16xf32, #tpu.memory_space<hbm>>
        tpu.enqueue_indirect_dma source(%dma_start3A_374 : memref<100000x16xf32, #tpu.memory_space<hbm>>) target(%dma_start3A_368 : memref<128x16xf32, #tpu.memory_space<vmem>>) offsets(%dma_start3A_371 : memref<128xi32, #tpu.memory_space<vmem>>) semaphore(%arg24 : memref<!tpu.dma_semaphore, #tpu.memory_space<semaphore_mem>>)
        %dma_start3A_375 = arith.constant 2 : i32
        %dma_start3A_376 = arith.constant 256 : i32
        %dma_start3A_377 = arith.constant 0 : i32
        %dma_start3A_378 = tpu.memref_slice %arg18[%dma_start3A_376, %dma_start3A_377] : memref<1024x16xf32, #tpu.memory_space<vmem>> -> memref<128x16xf32, #tpu.memory_space<vmem>>
        %dma_start3A_379 = arith.constant 0 : i32
        %dma_start3A_380 = tpu.memref_slice %arg10[%dma_start3A_375, %dma_start3A_379] : memref<8x128xi32, #tpu.memory_space<vmem>> -> memref<1x128xi32, #tpu.memory_space<vmem>>
        %dma_start3A_381 = tpu.memref_squeeze %dma_start3A_380 : memref<1x128xi32, #tpu.memory_space<vmem>> -> memref<128xi32, #tpu.memory_space<vmem>>
        %dma_start3A_382 = arith.constant 0 : i32
        %dma_start3A_383 = arith.constant 0 : i32
        %dma_start3A_384 = tpu.memref_slice %arg2[%dma_start3A_382, %dma_start3A_383] : memref<100000x16xf32, #tpu.memory_space<hbm>> -> memref<100000x16xf32, #tpu.memory_space<hbm>>
        tpu.enqueue_indirect_dma source(%dma_start3A_384 : memref<100000x16xf32, #tpu.memory_space<hbm>>) target(%dma_start3A_378 : memref<128x16xf32, #tpu.memory_space<vmem>>) offsets(%dma_start3A_381 : memref<128xi32, #tpu.memory_space<vmem>>) semaphore(%arg24 : memref<!tpu.dma_semaphore, #tpu.memory_space<semaphore_mem>>)
        %dma_start3A_385 = arith.constant 3 : i32
        %dma_start3A_386 = arith.constant 384 : i32
        %dma_start3A_387 = arith.constant 0 : i32
        %dma_start3A_388 = tpu.memref_slice %arg18[%dma_start3A_386, %dma_start3A_387] : memref<1024x16xf32, #tpu.memory_space<vmem>> -> memref<128x16xf32, #tpu.memory_space<vmem>>
        %dma_start3A_389 = arith.constant 0 : i32
        %dma_start3A_390 = tpu.memref_slice %arg10[%dma_start3A_385, %dma_start3A_389] : memref<8x128xi32, #tpu.memory_space<vmem>> -> memref<1x128xi32, #tpu.memory_space<vmem>>
        %dma_start3A_391 = tpu.memref_squeeze %dma_start3A_390 : memref<1x128xi32, #tpu.memory_space<vmem>> -> memref<128xi32, #tpu.memory_space<vmem>>
        %dma_start3A_392 = arith.constant 0 : i32
        %dma_start3A_393 = arith.constant 0 : i32
        %dma_start3A_394 = tpu.memref_slice %arg2[%dma_start3A_392, %dma_start3A_393] : memref<100000x16xf32, #tpu.memory_space<hbm>> -> memref<100000x16xf32, #tpu.memory_space<hbm>>
        tpu.enqueue_indirect_dma source(%dma_start3A_394 : memref<100000x16xf32, #tpu.memory_space<hbm>>) target(%dma_start3A_388 : memref<128x16xf32, #tpu.memory_space<vmem>>) offsets(%dma_start3A_391 : memref<128xi32, #tpu.memory_space<vmem>>) semaphore(%arg24 : memref<!tpu.dma_semaphore, #tpu.memory_space<semaphore_mem>>)
        %dma_start3A_395 = arith.constant 4 : i32
        %dma_start3A_396 = arith.constant 512 : i32
        %dma_start3A_397 = arith.constant 0 : i32
        %dma_start3A_398 = tpu.memref_slice %arg18[%dma_start3A_396, %dma_start3A_397] : memref<1024x16xf32, #tpu.memory_space<vmem>> -> memref<128x16xf32, #tpu.memory_space<vmem>>
        %dma_start3A_399 = arith.constant 0 : i32
        %dma_start3A_400 = tpu.memref_slice %arg10[%dma_start3A_395, %dma_start3A_399] : memref<8x128xi32, #tpu.memory_space<vmem>> -> memref<1x128xi32, #tpu.memory_space<vmem>>
        %dma_start3A_401 = tpu.memref_squeeze %dma_start3A_400 : memref<1x128xi32, #tpu.memory_space<vmem>> -> memref<128xi32, #tpu.memory_space<vmem>>
        %dma_start3A_402 = arith.constant 0 : i32
        %dma_start3A_403 = arith.constant 0 : i32
        %dma_start3A_404 = tpu.memref_slice %arg2[%dma_start3A_402, %dma_start3A_403] : memref<100000x16xf32, #tpu.memory_space<hbm>> -> memref<100000x16xf32, #tpu.memory_space<hbm>>
        tpu.enqueue_indirect_dma source(%dma_start3A_404 : memref<100000x16xf32, #tpu.memory_space<hbm>>) target(%dma_start3A_398 : memref<128x16xf32, #tpu.memory_space<vmem>>) offsets(%dma_start3A_401 : memref<128xi32, #tpu.memory_space<vmem>>) semaphore(%arg24 : memref<!tpu.dma_semaphore, #tpu.memory_space<semaphore_mem>>)
        %dma_start3A_405 = arith.constant 5 : i32
        %dma_start3A_406 = arith.constant 640 : i32
        %dma_start3A_407 = arith.constant 0 : i32
        %dma_start3A_408 = tpu.memref_slice %arg18[%dma_start3A_406, %dma_start3A_407] : memref<1024x16xf32, #tpu.memory_space<vmem>> -> memref<128x16xf32, #tpu.memory_space<vmem>>
        %dma_start3A_409 = arith.constant 0 : i32
        %dma_start3A_410 = tpu.memref_slice %arg10[%dma_start3A_405, %dma_start3A_409] : memref<8x128xi32, #tpu.memory_space<vmem>> -> memref<1x128xi32, #tpu.memory_space<vmem>>
        %dma_start3A_411 = tpu.memref_squeeze %dma_start3A_410 : memref<1x128xi32, #tpu.memory_space<vmem>> -> memref<128xi32, #tpu.memory_space<vmem>>
        %dma_start3A_412 = arith.constant 0 : i32
        %dma_start3A_413 = arith.constant 0 : i32
        %dma_start3A_414 = tpu.memref_slice %arg2[%dma_start3A_412, %dma_start3A_413] : memref<100000x16xf32, #tpu.memory_space<hbm>> -> memref<100000x16xf32, #tpu.memory_space<hbm>>
        tpu.enqueue_indirect_dma source(%dma_start3A_414 : memref<100000x16xf32, #tpu.memory_space<hbm>>) target(%dma_start3A_408 : memref<128x16xf32, #tpu.memory_space<vmem>>) offsets(%dma_start3A_411 : memref<128xi32, #tpu.memory_space<vmem>>) semaphore(%arg24 : memref<!tpu.dma_semaphore, #tpu.memory_space<semaphore_mem>>)
        %dma_start3A_415 = arith.constant 6 : i32
        %dma_start3A_416 = arith.constant 768 : i32
        %dma_start3A_417 = arith.constant 0 : i32
        %dma_start3A_418 = tpu.memref_slice %arg18[%dma_start3A_416, %dma_start3A_417] : memref<1024x16xf32, #tpu.memory_space<vmem>> -> memref<128x16xf32, #tpu.memory_space<vmem>>
        %dma_start3A_419 = arith.constant 0 : i32
        %dma_start3A_420 = tpu.memref_slice %arg10[%dma_start3A_415, %dma_start3A_419] : memref<8x128xi32, #tpu.memory_space<vmem>> -> memref<1x128xi32, #tpu.memory_space<vmem>>
        %dma_start3A_421 = tpu.memref_squeeze %dma_start3A_420 : memref<1x128xi32, #tpu.memory_space<vmem>> -> memref<128xi32, #tpu.memory_space<vmem>>
        %dma_start3A_422 = arith.constant 0 : i32
        %dma_start3A_423 = arith.constant 0 : i32
        %dma_start3A_424 = tpu.memref_slice %arg2[%dma_start3A_422, %dma_start3A_423] : memref<100000x16xf32, #tpu.memory_space<hbm>> -> memref<100000x16xf32, #tpu.memory_space<hbm>>
        tpu.enqueue_indirect_dma source(%dma_start3A_424 : memref<100000x16xf32, #tpu.memory_space<hbm>>) target(%dma_start3A_418 : memref<128x16xf32, #tpu.memory_space<vmem>>) offsets(%dma_start3A_421 : memref<128xi32, #tpu.memory_space<vmem>>) semaphore(%arg24 : memref<!tpu.dma_semaphore, #tpu.memory_space<semaphore_mem>>)
        %dma_start3A_425 = arith.constant 7 : i32
        %dma_start3A_426 = arith.constant 896 : i32
        %dma_start3A_427 = arith.constant 0 : i32
        %dma_start3A_428 = tpu.memref_slice %arg18[%dma_start3A_426, %dma_start3A_427] : memref<1024x16xf32, #tpu.memory_space<vmem>> -> memref<128x16xf32, #tpu.memory_space<vmem>>
        %dma_start3A_429 = arith.constant 0 : i32
        %dma_start3A_430 = tpu.memref_slice %arg10[%dma_start3A_425, %dma_start3A_429] : memref<8x128xi32, #tpu.memory_space<vmem>> -> memref<1x128xi32, #tpu.memory_space<vmem>>
        %dma_start3A_431 = tpu.memref_squeeze %dma_start3A_430 : memref<1x128xi32, #tpu.memory_space<vmem>> -> memref<128xi32, #tpu.memory_space<vmem>>
        %dma_start3A_432 = arith.constant 0 : i32
        %dma_start3A_433 = arith.constant 0 : i32
        %dma_start3A_434 = tpu.memref_slice %arg2[%dma_start3A_432, %dma_start3A_433] : memref<100000x16xf32, #tpu.memory_space<hbm>> -> memref<100000x16xf32, #tpu.memory_space<hbm>>
        tpu.enqueue_indirect_dma source(%dma_start3A_434 : memref<100000x16xf32, #tpu.memory_space<hbm>>) target(%dma_start3A_428 : memref<128x16xf32, #tpu.memory_space<vmem>>) offsets(%dma_start3A_431 : memref<128xi32, #tpu.memory_space<vmem>>) semaphore(%arg24 : memref<!tpu.dma_semaphore, #tpu.memory_space<semaphore_mem>>)
      } else {
      }
      %dma_wait3A_134 = arith.constant 0 : i32
      %dma_wait3A_135 = arith.constant 0 : i32
      %dma_wait3A_136 = arith.constant 0 : i32
      %dma_wait3A_137 = tpu.memref_slice %arg17[%dma_wait3A_135, %dma_wait3A_136] : memref<1024x16xf32, #tpu.memory_space<vmem>> -> memref<128x16xf32, #tpu.memory_space<vmem>>
      %dma_wait3A_138 = arith.constant 0 : i32
      %dma_wait3A_139 = tpu.memref_slice %arg9[%dma_wait3A_134, %dma_wait3A_138] : memref<8x128xi32, #tpu.memory_space<vmem>> -> memref<1x128xi32, #tpu.memory_space<vmem>>
      %dma_wait3A_140 = tpu.memref_squeeze %dma_wait3A_139 : memref<1x128xi32, #tpu.memory_space<vmem>> -> memref<128xi32, #tpu.memory_space<vmem>>
      %dma_wait3A_141 = arith.constant 0 : i32
      %dma_wait3A_142 = arith.constant 0 : i32
      %dma_wait3A_143 = tpu.memref_slice %arg2[%dma_wait3A_141, %dma_wait3A_142] : memref<100000x16xf32, #tpu.memory_space<hbm>> -> memref<100000x16xf32, #tpu.memory_space<hbm>>
      tpu.wait_indirect_dma semaphore(%arg23 : memref<!tpu.dma_semaphore, #tpu.memory_space<semaphore_mem>>) src(%dma_wait3A_143 : memref<100000x16xf32, #tpu.memory_space<hbm>>) dst(%dma_wait3A_137 : memref<128x16xf32, #tpu.memory_space<vmem>>)
      %dma_wait3A_144 = arith.constant 1 : i32
      %dma_wait3A_145 = arith.constant 128 : i32
      %dma_wait3A_146 = arith.constant 0 : i32
      %dma_wait3A_147 = tpu.memref_slice %arg17[%dma_wait3A_145, %dma_wait3A_146] : memref<1024x16xf32, #tpu.memory_space<vmem>> -> memref<128x16xf32, #tpu.memory_space<vmem>>
      %dma_wait3A_148 = arith.constant 0 : i32
      %dma_wait3A_149 = tpu.memref_slice %arg9[%dma_wait3A_144, %dma_wait3A_148] : memref<8x128xi32, #tpu.memory_space<vmem>> -> memref<1x128xi32, #tpu.memory_space<vmem>>
      %dma_wait3A_150 = tpu.memref_squeeze %dma_wait3A_149 : memref<1x128xi32, #tpu.memory_space<vmem>> -> memref<128xi32, #tpu.memory_space<vmem>>
      %dma_wait3A_151 = arith.constant 0 : i32
      %dma_wait3A_152 = arith.constant 0 : i32
      %dma_wait3A_153 = tpu.memref_slice %arg2[%dma_wait3A_151, %dma_wait3A_152] : memref<100000x16xf32, #tpu.memory_space<hbm>> -> memref<100000x16xf32, #tpu.memory_space<hbm>>
      tpu.wait_indirect_dma semaphore(%arg23 : memref<!tpu.dma_semaphore, #tpu.memory_space<semaphore_mem>>) src(%dma_wait3A_153 : memref<100000x16xf32, #tpu.memory_space<hbm>>) dst(%dma_wait3A_147 : memref<128x16xf32, #tpu.memory_space<vmem>>)
      %dma_wait3A_154 = arith.constant 2 : i32
      %dma_wait3A_155 = arith.constant 256 : i32
      %dma_wait3A_156 = arith.constant 0 : i32
      %dma_wait3A_157 = tpu.memref_slice %arg17[%dma_wait3A_155, %dma_wait3A_156] : memref<1024x16xf32, #tpu.memory_space<vmem>> -> memref<128x16xf32, #tpu.memory_space<vmem>>
      %dma_wait3A_158 = arith.constant 0 : i32
      %dma_wait3A_159 = tpu.memref_slice %arg9[%dma_wait3A_154, %dma_wait3A_158] : memref<8x128xi32, #tpu.memory_space<vmem>> -> memref<1x128xi32, #tpu.memory_space<vmem>>
      %dma_wait3A_160 = tpu.memref_squeeze %dma_wait3A_159 : memref<1x128xi32, #tpu.memory_space<vmem>> -> memref<128xi32, #tpu.memory_space<vmem>>
      %dma_wait3A_161 = arith.constant 0 : i32
      %dma_wait3A_162 = arith.constant 0 : i32
      %dma_wait3A_163 = tpu.memref_slice %arg2[%dma_wait3A_161, %dma_wait3A_162] : memref<100000x16xf32, #tpu.memory_space<hbm>> -> memref<100000x16xf32, #tpu.memory_space<hbm>>
      tpu.wait_indirect_dma semaphore(%arg23 : memref<!tpu.dma_semaphore, #tpu.memory_space<semaphore_mem>>) src(%dma_wait3A_163 : memref<100000x16xf32, #tpu.memory_space<hbm>>) dst(%dma_wait3A_157 : memref<128x16xf32, #tpu.memory_space<vmem>>)
      %dma_wait3A_164 = arith.constant 3 : i32
      %dma_wait3A_165 = arith.constant 384 : i32
      %dma_wait3A_166 = arith.constant 0 : i32
      %dma_wait3A_167 = tpu.memref_slice %arg17[%dma_wait3A_165, %dma_wait3A_166] : memref<1024x16xf32, #tpu.memory_space<vmem>> -> memref<128x16xf32, #tpu.memory_space<vmem>>
      %dma_wait3A_168 = arith.constant 0 : i32
      %dma_wait3A_169 = tpu.memref_slice %arg9[%dma_wait3A_164, %dma_wait3A_168] : memref<8x128xi32, #tpu.memory_space<vmem>> -> memref<1x128xi32, #tpu.memory_space<vmem>>
      %dma_wait3A_170 = tpu.memref_squeeze %dma_wait3A_169 : memref<1x128xi32, #tpu.memory_space<vmem>> -> memref<128xi32, #tpu.memory_space<vmem>>
      %dma_wait3A_171 = arith.constant 0 : i32
      %dma_wait3A_172 = arith.constant 0 : i32
      %dma_wait3A_173 = tpu.memref_slice %arg2[%dma_wait3A_171, %dma_wait3A_172] : memref<100000x16xf32, #tpu.memory_space<hbm>> -> memref<100000x16xf32, #tpu.memory_space<hbm>>
      tpu.wait_indirect_dma semaphore(%arg23 : memref<!tpu.dma_semaphore, #tpu.memory_space<semaphore_mem>>) src(%dma_wait3A_173 : memref<100000x16xf32, #tpu.memory_space<hbm>>) dst(%dma_wait3A_167 : memref<128x16xf32, #tpu.memory_space<vmem>>)
      %dma_wait3A_174 = arith.constant 4 : i32
      %dma_wait3A_175 = arith.constant 512 : i32
      %dma_wait3A_176 = arith.constant 0 : i32
      %dma_wait3A_177 = tpu.memref_slice %arg17[%dma_wait3A_175, %dma_wait3A_176] : memref<1024x16xf32, #tpu.memory_space<vmem>> -> memref<128x16xf32, #tpu.memory_space<vmem>>
      %dma_wait3A_178 = arith.constant 0 : i32
      %dma_wait3A_179 = tpu.memref_slice %arg9[%dma_wait3A_174, %dma_wait3A_178] : memref<8x128xi32, #tpu.memory_space<vmem>> -> memref<1x128xi32, #tpu.memory_space<vmem>>
      %dma_wait3A_180 = tpu.memref_squeeze %dma_wait3A_179 : memref<1x128xi32, #tpu.memory_space<vmem>> -> memref<128xi32, #tpu.memory_space<vmem>>
      %dma_wait3A_181 = arith.constant 0 : i32
      %dma_wait3A_182 = arith.constant 0 : i32
      %dma_wait3A_183 = tpu.memref_slice %arg2[%dma_wait3A_181, %dma_wait3A_182] : memref<100000x16xf32, #tpu.memory_space<hbm>> -> memref<100000x16xf32, #tpu.memory_space<hbm>>
      tpu.wait_indirect_dma semaphore(%arg23 : memref<!tpu.dma_semaphore, #tpu.memory_space<semaphore_mem>>) src(%dma_wait3A_183 : memref<100000x16xf32, #tpu.memory_space<hbm>>) dst(%dma_wait3A_177 : memref<128x16xf32, #tpu.memory_space<vmem>>)
      %dma_wait3A_184 = arith.constant 5 : i32
      %dma_wait3A_185 = arith.constant 640 : i32
      %dma_wait3A_186 = arith.constant 0 : i32
      %dma_wait3A_187 = tpu.memref_slice %arg17[%dma_wait3A_185, %dma_wait3A_186] : memref<1024x16xf32, #tpu.memory_space<vmem>> -> memref<128x16xf32, #tpu.memory_space<vmem>>
      %dma_wait3A_188 = arith.constant 0 : i32
      %dma_wait3A_189 = tpu.memref_slice %arg9[%dma_wait3A_184, %dma_wait3A_188] : memref<8x128xi32, #tpu.memory_space<vmem>> -> memref<1x128xi32, #tpu.memory_space<vmem>>
      %dma_wait3A_190 = tpu.memref_squeeze %dma_wait3A_189 : memref<1x128xi32, #tpu.memory_space<vmem>> -> memref<128xi32, #tpu.memory_space<vmem>>
      %dma_wait3A_191 = arith.constant 0 : i32
      %dma_wait3A_192 = arith.constant 0 : i32
      %dma_wait3A_193 = tpu.memref_slice %arg2[%dma_wait3A_191, %dma_wait3A_192] : memref<100000x16xf32, #tpu.memory_space<hbm>> -> memref<100000x16xf32, #tpu.memory_space<hbm>>
      tpu.wait_indirect_dma semaphore(%arg23 : memref<!tpu.dma_semaphore, #tpu.memory_space<semaphore_mem>>) src(%dma_wait3A_193 : memref<100000x16xf32, #tpu.memory_space<hbm>>) dst(%dma_wait3A_187 : memref<128x16xf32, #tpu.memory_space<vmem>>)
      %dma_wait3A_194 = arith.constant 6 : i32
      %dma_wait3A_195 = arith.constant 768 : i32
      %dma_wait3A_196 = arith.constant 0 : i32
      %dma_wait3A_197 = tpu.memref_slice %arg17[%dma_wait3A_195, %dma_wait3A_196] : memref<1024x16xf32, #tpu.memory_space<vmem>> -> memref<128x16xf32, #tpu.memory_space<vmem>>
      %dma_wait3A_198 = arith.constant 0 : i32
      %dma_wait3A_199 = tpu.memref_slice %arg9[%dma_wait3A_194, %dma_wait3A_198] : memref<8x128xi32, #tpu.memory_space<vmem>> -> memref<1x128xi32, #tpu.memory_space<vmem>>
      %dma_wait3A_200 = tpu.memref_squeeze %dma_wait3A_199 : memref<1x128xi32, #tpu.memory_space<vmem>> -> memref<128xi32, #tpu.memory_space<vmem>>
      %dma_wait3A_201 = arith.constant 0 : i32
      %dma_wait3A_202 = arith.constant 0 : i32
      %dma_wait3A_203 = tpu.memref_slice %arg2[%dma_wait3A_201, %dma_wait3A_202] : memref<100000x16xf32, #tpu.memory_space<hbm>> -> memref<100000x16xf32, #tpu.memory_space<hbm>>
      tpu.wait_indirect_dma semaphore(%arg23 : memref<!tpu.dma_semaphore, #tpu.memory_space<semaphore_mem>>) src(%dma_wait3A_203 : memref<100000x16xf32, #tpu.memory_space<hbm>>) dst(%dma_wait3A_197 : memref<128x16xf32, #tpu.memory_space<vmem>>)
      %dma_wait3A_204 = arith.constant 7 : i32
      %dma_wait3A_205 = arith.constant 896 : i32
      %dma_wait3A_206 = arith.constant 0 : i32
      %dma_wait3A_207 = tpu.memref_slice %arg17[%dma_wait3A_205, %dma_wait3A_206] : memref<1024x16xf32, #tpu.memory_space<vmem>> -> memref<128x16xf32, #tpu.memory_space<vmem>>
      %dma_wait3A_208 = arith.constant 0 : i32
      %dma_wait3A_209 = tpu.memref_slice %arg9[%dma_wait3A_204, %dma_wait3A_208] : memref<8x128xi32, #tpu.memory_space<vmem>> -> memref<1x128xi32, #tpu.memory_space<vmem>>
      %dma_wait3A_210 = tpu.memref_squeeze %dma_wait3A_209 : memref<1x128xi32, #tpu.memory_space<vmem>> -> memref<128xi32, #tpu.memory_space<vmem>>
      %dma_wait3A_211 = arith.constant 0 : i32
      %dma_wait3A_212 = arith.constant 0 : i32
      %dma_wait3A_213 = tpu.memref_slice %arg2[%dma_wait3A_211, %dma_wait3A_212] : memref<100000x16xf32, #tpu.memory_space<hbm>> -> memref<100000x16xf32, #tpu.memory_space<hbm>>
      tpu.wait_indirect_dma semaphore(%arg23 : memref<!tpu.dma_semaphore, #tpu.memory_space<semaphore_mem>>) src(%dma_wait3A_213 : memref<100000x16xf32, #tpu.memory_space<hbm>>) dst(%dma_wait3A_207 : memref<128x16xf32, #tpu.memory_space<vmem>>)
      %scan3A_214 = arith.constant 0 : i32
      %scan3A_215 = arith.constant 64 : i32
      %scan3A_216 = arith.addi %scan3A_214, %scan3A_215 : i32
      %scan3A_217 = arith.constant 1 : i32
      %scan3A_218 = scf.for %scan3A_317 = %scan3A_214 to %scan3A_216 step %scan3A_217 iter_args(%scan3A_318 = %scan3A_125) -> (vector<16xf32>)  : i32 {
        %mul3A_319 = arith.constant 16 : i32
        %mul3A_320 = arith.muli %scan3A_317, %mul3A_319 : i32
        %get3A = arith.index_cast %mul3A_320 : i32 to index
        %get3A_321 = tpu.vector_load %arg11[%get3A] {strides = array<i32>} : memref<1024xf32, #tpu.memory_space<vmem>>, vector<16xf32>,
        %get3A_322 = arith.index_cast %mul3A_320 : i32 to index
        %get3A_323 = tpu.vector_load %arg13[%get3A_322] {strides = array<i32>} : memref<1024xf32, #tpu.memory_space<vmem>>, vector<16xf32>,
        %get3A_324 = arith.index_cast %mul3A_320 : i32 to index
        %get3A_325 = tpu.vector_load %arg15[%get3A_324] {strides = array<i32>} : memref<1024xf32, #tpu.memory_space<vmem>>, vector<16xf32>,
        %mul3A_326 = arith.mulf %get3A_321, %get3A_321 : vector<16xf32>
        %mul3A_327 = arith.mulf %get3A_323, %get3A_323 : vector<16xf32>
        %add3A_328 = arith.addf %mul3A_326, %mul3A_327 : vector<16xf32>
        %mul3A_329 = arith.mulf %get3A_325, %get3A_325 : vector<16xf32>
        %add3A_330 = arith.addf %add3A_328, %mul3A_329 : vector<16xf32>
        %max3A = arith.constant 9.99999996E-13 : f32
        %max3A_331 = vector.broadcast %max3A : f32 to vector<16xf32>
        %max3A_332 = arith.maximumf %add3A_330, %max3A_331 : vector<16xf32>
        %bitcast_convert_type3A = tpu.bitcast %max3A_332 : vector<16xf32> -> vector<16xi32>
        %shift_right_arithmetic3A = arith.constant 1 : i32
        %shift_right_arithmetic3A_333 = vector.broadcast %shift_right_arithmetic3A : i32 to vector<16xi32>
        %shift_right_arithmetic3A_334 = arith.shrsi %bitcast_convert_type3A, %shift_right_arithmetic3A_333 : vector<16xi32>
        %sub3A = arith.constant 1597463007 : i32
        %sub3A_335 = vector.broadcast %sub3A : i32 to vector<16xi32>
        %sub3A_336 = arith.subi %sub3A_335, %shift_right_arithmetic3A_334 : vector<16xi32>
        %bitcast_convert_type3A_337 = tpu.bitcast %sub3A_336 : vector<16xi32> -> vector<16xf32>
        %mul3A_338 = arith.constant 5.000000e-01 : f32
        %mul3A_339 = vector.broadcast %mul3A_338 : f32 to vector<16xf32>
        %mul3A_340 = arith.mulf %mul3A_339, %max3A_332 : vector<16xf32>
        %mul3A_341 = arith.mulf %mul3A_340, %bitcast_convert_type3A_337 : vector<16xf32>
        %mul3A_342 = arith.mulf %mul3A_341, %bitcast_convert_type3A_337 : vector<16xf32>
        %sub3A_343 = arith.constant 1.500000e+00 : f32
        %sub3A_344 = vector.broadcast %sub3A_343 : f32 to vector<16xf32>
        %sub3A_345 = arith.subf %sub3A_344, %mul3A_342 : vector<16xf32>
        %mul3A_346 = arith.mulf %bitcast_convert_type3A_337, %sub3A_345 : vector<16xf32>
        %mul3A_347 = arith.constant 5.000000e-01 : f32
        %mul3A_348 = vector.broadcast %mul3A_347 : f32 to vector<16xf32>
        %mul3A_349 = arith.mulf %mul3A_348, %max3A_332 : vector<16xf32>
        %mul3A_350 = arith.mulf %mul3A_349, %mul3A_346 : vector<16xf32>
        %mul3A_351 = arith.mulf %mul3A_350, %mul3A_346 : vector<16xf32>
        %sub3A_352 = arith.constant 1.500000e+00 : f32
        %sub3A_353 = vector.broadcast %sub3A_352 : f32 to vector<16xf32>
        %sub3A_354 = arith.subf %sub3A_353, %mul3A_351 : vector<16xf32>
        %mul3A_355 = arith.mulf %mul3A_346, %sub3A_354 : vector<16xf32>
        %mul3A_356 = arith.constant 5.000000e-01 : f32
        %mul3A_357 = vector.broadcast %mul3A_356 : f32 to vector<16xf32>
        %mul3A_358 = arith.mulf %mul3A_357, %max3A_332 : vector<16xf32>
        %mul3A_359 = arith.mulf %mul3A_358, %mul3A_355 : vector<16xf32>
        %mul3A_360 = arith.mulf %mul3A_359, %mul3A_355 : vector<16xf32>
        %sub3A_361 = arith.constant 1.500000e+00 : f32
        %sub3A_362 = vector.broadcast %sub3A_361 : f32 to vector<16xf32>
        %sub3A_363 = arith.subf %sub3A_362, %mul3A_360 : vector<16xf32>
        %mul3A_364 = arith.mulf %mul3A_355, %sub3A_363 : vector<16xf32>
        %mul3A_365 = arith.mulf %get3A_321, %mul3A_364 : vector<16xf32>
        %mul3A_366 = arith.mulf %get3A_323, %mul3A_364 : vector<16xf32>
        %mul3A_367 = arith.mulf %get3A_325, %mul3A_364 : vector<16xf32>
        %mul3A_368 = arith.mulf %max3A_332, %mul3A_364 : vector<16xf32>
        %mul3A_369 = arith.constant 5.461000e+03 : f32
        %mul3A_370 = vector.broadcast %mul3A_369 : f32 to vector<16xf32>
        %mul3A_371 = arith.mulf %mul3A_368, %mul3A_370 : vector<16xf32>
        %min3A = arith.constant 1.638300e+04 : f32
        %min3A_372 = vector.broadcast %min3A : f32 to vector<16xf32>
        %min3A_373 = arith.minimumf %mul3A_371, %min3A_372 : vector<16xf32>
        %convert_element_type3A_374 = arith.fptosi %min3A_373 : vector<16xf32> to vector<16xi32>
        %min3A_375 = arith.constant 16382 : i32
        %min3A_376 = vector.broadcast %min3A_375 : i32 to vector<16xi32>
        %min3A_377 = arith.minsi %convert_element_type3A_374, %min3A_376 : vector<16xi32>
        %convert_element_type3A_378 = arith.sitofp %min3A_377 : vector<16xi32> to vector<16xf32>
        %sub3A_379 = arith.subf %min3A_373, %convert_element_type3A_378 : vector<16xf32>
        %gather3A = tpu.vector_load_idx %arg19[%broadcast_in_dim3A_1, %min3A_377] : memref<4x16384xf32, #tpu.memory_space<vmem>>[vector<16xi32>, vector<16xi32>], vector<16xf32>,
        %gather3A_380 = tpu.vector_load_idx %arg19[%broadcast_in_dim3A_3, %min3A_377] : memref<4x16384xf32, #tpu.memory_space<vmem>>[vector<16xi32>, vector<16xi32>], vector<16xf32>,
        %gather3A_381 = tpu.vector_load_idx %arg19[%broadcast_in_dim3A_5, %min3A_377] : memref<4x16384xf32, #tpu.memory_space<vmem>>[vector<16xi32>, vector<16xi32>], vector<16xf32>,
        %add3A_382 = arith.constant 1 : i32
        %add3A_383 = vector.broadcast %add3A_382 : i32 to vector<16xi32>
        %add3A_384 = arith.addi %min3A_377, %add3A_383 : vector<16xi32>
        %gather3A_385 = tpu.vector_load_idx %arg19[%broadcast_in_dim3A_1, %add3A_384] : memref<4x16384xf32, #tpu.memory_space<vmem>>[vector<16xi32>, vector<16xi32>], vector<16xf32>,
        %gather3A_386 = tpu.vector_load_idx %arg19[%broadcast_in_dim3A_3, %add3A_384] : memref<4x16384xf32, #tpu.memory_space<vmem>>[vector<16xi32>, vector<16xi32>], vector<16xf32>,
        %gather3A_387 = tpu.vector_load_idx %arg19[%broadcast_in_dim3A_5, %add3A_384] : memref<4x16384xf32, #tpu.memory_space<vmem>>[vector<16xi32>, vector<16xi32>], vector<16xf32>,
        %sub3A_388 = arith.subf %gather3A_385, %gather3A : vector<16xf32>
        %mul3A_389 = arith.mulf %sub3A_379, %sub3A_388 : vector<16xf32>
        %add3A_390 = arith.addf %gather3A, %mul3A_389 : vector<16xf32>
        %sub3A_391 = arith.subf %gather3A_386, %gather3A_380 : vector<16xf32>
        %mul3A_392 = arith.mulf %sub3A_379, %sub3A_391 : vector<16xf32>
        %add3A_393 = arith.addf %gather3A_380, %mul3A_392 : vector<16xf32>
        %sub3A_394 = arith.subf %gather3A_387, %gather3A_381 : vector<16xf32>
        %mul3A_395 = arith.mulf %sub3A_379, %sub3A_394 : vector<16xf32>
        %add3A_396 = arith.addf %gather3A_381, %mul3A_395 : vector<16xf32>
        %add3A_397 = vector.broadcast %mul3A_320 : i32 to vector<16xi32>
        %add3A_398 = arith.addi %iota3A, %add3A_397 : vector<16xi32>
        %gather3A_399 = tpu.vector_load_idx %arg17[%add3A_398, %broadcast_in_dim3A_1] : memref<1024x16xf32, #tpu.memory_space<vmem>>[vector<16xi32>, vector<16xi32>], vector<16xf32>,
        %gather3A_400 = tpu.vector_load_idx %arg17[%add3A_398, %broadcast_in_dim3A_3] : memref<1024x16xf32, #tpu.memory_space<vmem>>[vector<16xi32>, vector<16xi32>], vector<16xf32>,
        %gather3A_401 = tpu.vector_load_idx %arg17[%add3A_398, %broadcast_in_dim3A_5] : memref<1024x16xf32, #tpu.memory_space<vmem>>[vector<16xi32>, vector<16xi32>], vector<16xf32>,
        %broadcast_in_dim3A_402 = arith.constant 3 : i32
        %broadcast_in_dim3A_403 = vector.broadcast %broadcast_in_dim3A_402 : i32 to vector<16xi32>
        %gather3A_404 = tpu.vector_load_idx %arg17[%add3A_398, %broadcast_in_dim3A_403] : memref<1024x16xf32, #tpu.memory_space<vmem>>[vector<16xi32>, vector<16xi32>], vector<16xf32>,
        %broadcast_in_dim3A_405 = arith.constant 4 : i32
        %broadcast_in_dim3A_406 = vector.broadcast %broadcast_in_dim3A_405 : i32 to vector<16xi32>
        %gather3A_407 = tpu.vector_load_idx %arg17[%add3A_398, %broadcast_in_dim3A_406] : memref<1024x16xf32, #tpu.memory_space<vmem>>[vector<16xi32>, vector<16xi32>], vector<16xf32>,
        %broadcast_in_dim3A_408 = arith.constant 5 : i32
        %broadcast_in_dim3A_409 = vector.broadcast %broadcast_in_dim3A_408 : i32 to vector<16xi32>
        %gather3A_410 = tpu.vector_load_idx %arg17[%add3A_398, %broadcast_in_dim3A_409] : memref<1024x16xf32, #tpu.memory_space<vmem>>[vector<16xi32>, vector<16xi32>], vector<16xf32>,
        %broadcast_in_dim3A_411 = arith.constant 6 : i32
        %broadcast_in_dim3A_412 = vector.broadcast %broadcast_in_dim3A_411 : i32 to vector<16xi32>
        %gather3A_413 = tpu.vector_load_idx %arg17[%add3A_398, %broadcast_in_dim3A_412] : memref<1024x16xf32, #tpu.memory_space<vmem>>[vector<16xi32>, vector<16xi32>], vector<16xf32>,
        %broadcast_in_dim3A_414 = arith.constant 7 : i32
        %broadcast_in_dim3A_415 = vector.broadcast %broadcast_in_dim3A_414 : i32 to vector<16xi32>
        %gather3A_416 = tpu.vector_load_idx %arg17[%add3A_398, %broadcast_in_dim3A_415] : memref<1024x16xf32, #tpu.memory_space<vmem>>[vector<16xi32>, vector<16xi32>], vector<16xf32>,
        %broadcast_in_dim3A_417 = arith.constant 8 : i32
        %broadcast_in_dim3A_418 = vector.broadcast %broadcast_in_dim3A_417 : i32 to vector<16xi32>
        %gather3A_419 = tpu.vector_load_idx %arg17[%add3A_398, %broadcast_in_dim3A_418] : memref<1024x16xf32, #tpu.memory_space<vmem>>[vector<16xi32>, vector<16xi32>], vector<16xf32>,
        %mul3A_420 = arith.mulf %gather3A_400, %mul3A_365 : vector<16xf32>
        %mul3A_421 = arith.mulf %gather3A_401, %mul3A_366 : vector<16xf32>
        %add3A_422 = arith.addf %mul3A_420, %mul3A_421 : vector<16xf32>
        %mul3A_423 = arith.mulf %gather3A_404, %mul3A_367 : vector<16xf32>
        %add3A_424 = arith.addf %add3A_422, %mul3A_423 : vector<16xf32>
        %mul3A_425 = arith.mulf %mul3A_365, %mul3A_365 : vector<16xf32>
        %mul3A_426 = arith.mulf %mul3A_366, %mul3A_366 : vector<16xf32>
        %mul3A_427 = arith.mulf %mul3A_367, %mul3A_367 : vector<16xf32>
        %mul3A_428 = arith.mulf %mul3A_365, %mul3A_367 : vector<16xf32>
        %mul3A_429 = arith.mulf %mul3A_428, %gather3A_407 : vector<16xf32>
        %mul3A_430 = arith.mulf %mul3A_365, %mul3A_366 : vector<16xf32>
        %mul3A_431 = arith.mulf %mul3A_430, %gather3A_410 : vector<16xf32>
        %add3A_432 = arith.addf %mul3A_429, %mul3A_431 : vector<16xf32>
        %mul3A_433 = arith.mulf %mul3A_366, %mul3A_367 : vector<16xf32>
        %mul3A_434 = arith.mulf %mul3A_433, %gather3A_416 : vector<16xf32>
        %add3A_435 = arith.addf %add3A_432, %mul3A_434 : vector<16xf32>
        %mul3A_436 = arith.constant 1.73205078 : f32
        %mul3A_437 = vector.broadcast %mul3A_436 : f32 to vector<16xf32>
        %mul3A_438 = arith.mulf %mul3A_437, %add3A_435 : vector<16xf32>
        %add3A_439 = arith.addf %mul3A_425, %mul3A_427 : vector<16xf32>
        %mul3A_440 = arith.constant 5.000000e-01 : f32
        %mul3A_441 = vector.broadcast %mul3A_440 : f32 to vector<16xf32>
        %mul3A_442 = arith.mulf %mul3A_441, %add3A_439 : vector<16xf32>
        %sub3A_443 = arith.subf %mul3A_426, %mul3A_442 : vector<16xf32>
        %mul3A_444 = arith.mulf %sub3A_443, %gather3A_413 : vector<16xf32>
        %add3A_445 = arith.addf %mul3A_438, %mul3A_444 : vector<16xf32>
        %sub3A_446 = arith.subf %mul3A_427, %mul3A_425 : vector<16xf32>
        %mul3A_447 = arith.constant 0.866025388 : f32
        %mul3A_448 = vector.broadcast %mul3A_447 : f32 to vector<16xf32>
        %mul3A_449 = arith.mulf %mul3A_448, %sub3A_446 : vector<16xf32>
        %mul3A_450 = arith.mulf %mul3A_449, %gather3A_419 : vector<16xf32>
        %add3A_451 = arith.addf %add3A_445, %mul3A_450 : vector<16xf32>
        %mul3A_452 = arith.mulf %add3A_390, %gather3A_399 : vector<16xf32>
        %mul3A_453 = arith.mulf %add3A_393, %add3A_424 : vector<16xf32>
        %add3A_454 = arith.addf %mul3A_452, %mul3A_453 : vector<16xf32>
        %mul3A_455 = arith.mulf %add3A_396, %add3A_451 : vector<16xf32>
        %add3A_456 = arith.addf %add3A_454, %mul3A_455 : vector<16xf32>
        %add3A_457 = arith.addf %scan3A_318, %add3A_456 : vector<16xf32>
        scf.yield %add3A_457 : vector<16xf32>
      }
      %scan3A_219 = arith.constant 64 : i32
      %mul3A_220 = arith.constant 2 : i32
      %mul3A_221 = arith.muli %scan3A_124, %mul3A_220 : i32
      %add3A_222 = arith.constant 1 : i32
      %add3A_223 = arith.addi %mul3A_221, %add3A_222 : i32
      %add3A_224 = arith.constant 1 : i32
      %add3A_225 = arith.addi %add3A_223, %add3A_224 : i32
      %lt3A_226 = arith.constant 98 : i32
      %lt3A_227 = arith.cmpi slt, %add3A_225, %lt3A_226 : i32
      %convert_element_type3A_228 = arith.extui %lt3A_227 : i1 to i32
      %cond3A_229 = arith.constant 0 : i32
      %cond3A_230 = arith.cmpi ne, %convert_element_type3A_228, %cond3A_229 : i32
      scf.if %cond3A_230 {
        %add3A_317 = arith.constant 1 : i32
        %add3A_318 = arith.addi %add3A_223, %add3A_317 : i32
        %mul3A_319 = arith.constant 32 : i32
        %mul3A_320 = arith.muli %add3A_318, %mul3A_319 : i32
        %add3A_321 = arith.addi %add3A, %mul3A_320 : i32
        %mul3A_322 = arith.constant 1024 : i32
        %mul3A_323 = arith.muli %add3A_321, %mul3A_322 : i32
        %mul3A_324 = arith.constant 8 : i32
        %mul3A_325 = arith.muli %add3A_321, %mul3A_324 : i32
        %dma_start3A_326 = arith.constant 0 : i32
        %dma_start3A_327 = tpu.memref_slice %arg3[%mul3A_325, %dma_start3A_326] : memref<25088x128xi32, #tpu.memory_space<hbm>> -> memref<8x128xi32, #tpu.memory_space<hbm>>
        %dma_start3A_328 = arith.constant 0 : i32
        %dma_start3A_329 = tpu.memref_slice %arg3[%mul3A_325, %dma_start3A_328] : memref<25088x128xi32, #tpu.memory_space<hbm>> -> memref<8x128xi32, #tpu.memory_space<hbm>>
        tpu.enqueue_dma source(%dma_start3A_329 : memref<8x128xi32, #tpu.memory_space<hbm>>) target(%arg9 : memref<8x128xi32, #tpu.memory_space<vmem>>) target_semaphore(%arg21 : memref<!tpu.dma_semaphore, #tpu.memory_space<semaphore_mem>>)
        %dma_start3A_330 = tpu.memref_slice %arg4[%mul3A_323] : memref<3211264xf32, #tpu.memory_space<hbm>> -> memref<1024xf32, #tpu.memory_space<hbm>>
        %dma_start3A_331 = tpu.memref_slice %arg4[%mul3A_323] : memref<3211264xf32, #tpu.memory_space<hbm>> -> memref<1024xf32, #tpu.memory_space<hbm>>
        tpu.enqueue_dma source(%dma_start3A_331 : memref<1024xf32, #tpu.memory_space<hbm>>) target(%arg11 : memref<1024xf32, #tpu.memory_space<vmem>>) target_semaphore(%arg21 : memref<!tpu.dma_semaphore, #tpu.memory_space<semaphore_mem>>)
        %dma_start3A_332 = tpu.memref_slice %arg5[%mul3A_323] : memref<3211264xf32, #tpu.memory_space<hbm>> -> memref<1024xf32, #tpu.memory_space<hbm>>
        %dma_start3A_333 = tpu.memref_slice %arg5[%mul3A_323] : memref<3211264xf32, #tpu.memory_space<hbm>> -> memref<1024xf32, #tpu.memory_space<hbm>>
        tpu.enqueue_dma source(%dma_start3A_333 : memref<1024xf32, #tpu.memory_space<hbm>>) target(%arg13 : memref<1024xf32, #tpu.memory_space<vmem>>) target_semaphore(%arg21 : memref<!tpu.dma_semaphore, #tpu.memory_space<semaphore_mem>>)
        %dma_start3A_334 = tpu.memref_slice %arg6[%mul3A_323] : memref<3211264xf32, #tpu.memory_space<hbm>> -> memref<1024xf32, #tpu.memory_space<hbm>>
        %dma_start3A_335 = tpu.memref_slice %arg6[%mul3A_323] : memref<3211264xf32, #tpu.memory_space<hbm>> -> memref<1024xf32, #tpu.memory_space<hbm>>
        tpu.enqueue_dma source(%dma_start3A_335 : memref<1024xf32, #tpu.memory_space<hbm>>) target(%arg15 : memref<1024xf32, #tpu.memory_space<vmem>>) target_semaphore(%arg21 : memref<!tpu.dma_semaphore, #tpu.memory_space<semaphore_mem>>)
        %add3A_336 = arith.constant 1 : i32
        %add3A_337 = arith.addi %add3A_223, %add3A_336 : i32
        %mul3A_338 = arith.constant 32 : i32
        %mul3A_339 = arith.muli %add3A_337, %mul3A_338 : i32
        %add3A_340 = arith.addi %add3A, %mul3A_339 : i32
        %mul3A_341 = arith.constant 1024 : i32
        %mul3A_342 = arith.muli %add3A_340, %mul3A_341 : i32
        %mul3A_343 = arith.constant 8 : i32
        %mul3A_344 = arith.muli %add3A_340, %mul3A_343 : i32
        %dma_wait3A_345 = arith.constant 0 : i32
        %dma_wait3A_346 = tpu.memref_slice %arg3[%mul3A_344, %dma_wait3A_345] : memref<25088x128xi32, #tpu.memory_space<hbm>> -> memref<8x128xi32, #tpu.memory_space<hbm>>
        %dma_wait3A_347 = arith.constant 0 : i32
        %dma_wait3A_348 = tpu.memref_slice %arg3[%mul3A_344, %dma_wait3A_347] : memref<25088x128xi32, #tpu.memory_space<hbm>> -> memref<8x128xi32, #tpu.memory_space<hbm>>
        tpu.wait_dma2 semaphore(%arg21 : memref<!tpu.dma_semaphore, #tpu.memory_space<semaphore_mem>>) src(%dma_wait3A_348 : memref<8x128xi32, #tpu.memory_space<hbm>>) dst(%arg9 : memref<8x128xi32, #tpu.memory_space<vmem>>)
        %dma_wait3A_349 = tpu.memref_slice %arg4[%mul3A_342] : memref<3211264xf32, #tpu.memory_space<hbm>> -> memref<1024xf32, #tpu.memory_space<hbm>>
        %dma_wait3A_350 = tpu.memref_slice %arg4[%mul3A_342] : memref<3211264xf32, #tpu.memory_space<hbm>> -> memref<1024xf32, #tpu.memory_space<hbm>>
        tpu.wait_dma2 semaphore(%arg21 : memref<!tpu.dma_semaphore, #tpu.memory_space<semaphore_mem>>) src(%dma_wait3A_350 : memref<1024xf32, #tpu.memory_space<hbm>>) dst(%arg11 : memref<1024xf32, #tpu.memory_space<vmem>>)
        %dma_wait3A_351 = tpu.memref_slice %arg5[%mul3A_342] : memref<3211264xf32, #tpu.memory_space<hbm>> -> memref<1024xf32, #tpu.memory_space<hbm>>
        %dma_wait3A_352 = tpu.memref_slice %arg5[%mul3A_342] : memref<3211264xf32, #tpu.memory_space<hbm>> -> memref<1024xf32, #tpu.memory_space<hbm>>
        tpu.wait_dma2 semaphore(%arg21 : memref<!tpu.dma_semaphore, #tpu.memory_space<semaphore_mem>>) src(%dma_wait3A_352 : memref<1024xf32, #tpu.memory_space<hbm>>) dst(%arg13 : memref<1024xf32, #tpu.memory_space<vmem>>)
        %dma_wait3A_353 = tpu.memref_slice %arg6[%mul3A_342] : memref<3211264xf32, #tpu.memory_space<hbm>> -> memref<1024xf32, #tpu.memory_space<hbm>>
        %dma_wait3A_354 = tpu.memref_slice %arg6[%mul3A_342] : memref<3211264xf32, #tpu.memory_space<hbm>> -> memref<1024xf32, #tpu.memory_space<hbm>>
        tpu.wait_dma2 semaphore(%arg21 : memref<!tpu.dma_semaphore, #tpu.memory_space<semaphore_mem>>) src(%dma_wait3A_354 : memref<1024xf32, #tpu.memory_space<hbm>>) dst(%arg15 : memref<1024xf32, #tpu.memory_space<vmem>>)
        %dma_start3A_355 = arith.constant 0 : i32
        %dma_start3A_356 = arith.constant 0 : i32
        %dma_start3A_357 = arith.constant 0 : i32
        %dma_start3A_358 = tpu.memref_slice %arg17[%dma_start3A_356, %dma_start3A_357] : memref<1024x16xf32, #tpu.memory_space<vmem>> -> memref<128x16xf32, #tpu.memory_space<vmem>>
        %dma_start3A_359 = arith.constant 0 : i32
        %dma_start3A_360 = tpu.memref_slice %arg9[%dma_start3A_355, %dma_start3A_359] : memref<8x128xi32, #tpu.memory_space<vmem>> -> memref<1x128xi32, #tpu.memory_space<vmem>>
        %dma_start3A_361 = tpu.memref_squeeze %dma_start3A_360 : memref<1x128xi32, #tpu.memory_space<vmem>> -> memref<128xi32, #tpu.memory_space<vmem>>
        %dma_start3A_362 = arith.constant 0 : i32
        %dma_start3A_363 = arith.constant 0 : i32
        %dma_start3A_364 = tpu.memref_slice %arg2[%dma_start3A_362, %dma_start3A_363] : memref<100000x16xf32, #tpu.memory_space<hbm>> -> memref<100000x16xf32, #tpu.memory_space<hbm>>
        tpu.enqueue_indirect_dma source(%dma_start3A_364 : memref<100000x16xf32, #tpu.memory_space<hbm>>) target(%dma_start3A_358 : memref<128x16xf32, #tpu.memory_space<vmem>>) offsets(%dma_start3A_361 : memref<128xi32, #tpu.memory_space<vmem>>) semaphore(%arg23 : memref<!tpu.dma_semaphore, #tpu.memory_space<semaphore_mem>>)
        %dma_start3A_365 = arith.constant 1 : i32
        %dma_start3A_366 = arith.constant 128 : i32
        %dma_start3A_367 = arith.constant 0 : i32
        %dma_start3A_368 = tpu.memref_slice %arg17[%dma_start3A_366, %dma_start3A_367] : memref<1024x16xf32, #tpu.memory_space<vmem>> -> memref<128x16xf32, #tpu.memory_space<vmem>>
        %dma_start3A_369 = arith.constant 0 : i32
        %dma_start3A_370 = tpu.memref_slice %arg9[%dma_start3A_365, %dma_start3A_369] : memref<8x128xi32, #tpu.memory_space<vmem>> -> memref<1x128xi32, #tpu.memory_space<vmem>>
        %dma_start3A_371 = tpu.memref_squeeze %dma_start3A_370 : memref<1x128xi32, #tpu.memory_space<vmem>> -> memref<128xi32, #tpu.memory_space<vmem>>
        %dma_start3A_372 = arith.constant 0 : i32
        %dma_start3A_373 = arith.constant 0 : i32
        %dma_start3A_374 = tpu.memref_slice %arg2[%dma_start3A_372, %dma_start3A_373] : memref<100000x16xf32, #tpu.memory_space<hbm>> -> memref<100000x16xf32, #tpu.memory_space<hbm>>
        tpu.enqueue_indirect_dma source(%dma_start3A_374 : memref<100000x16xf32, #tpu.memory_space<hbm>>) target(%dma_start3A_368 : memref<128x16xf32, #tpu.memory_space<vmem>>) offsets(%dma_start3A_371 : memref<128xi32, #tpu.memory_space<vmem>>) semaphore(%arg23 : memref<!tpu.dma_semaphore, #tpu.memory_space<semaphore_mem>>)
        %dma_start3A_375 = arith.constant 2 : i32
        %dma_start3A_376 = arith.constant 256 : i32
        %dma_start3A_377 = arith.constant 0 : i32
        %dma_start3A_378 = tpu.memref_slice %arg17[%dma_start3A_376, %dma_start3A_377] : memref<1024x16xf32, #tpu.memory_space<vmem>> -> memref<128x16xf32, #tpu.memory_space<vmem>>
        %dma_start3A_379 = arith.constant 0 : i32
        %dma_start3A_380 = tpu.memref_slice %arg9[%dma_start3A_375, %dma_start3A_379] : memref<8x128xi32, #tpu.memory_space<vmem>> -> memref<1x128xi32, #tpu.memory_space<vmem>>
        %dma_start3A_381 = tpu.memref_squeeze %dma_start3A_380 : memref<1x128xi32, #tpu.memory_space<vmem>> -> memref<128xi32, #tpu.memory_space<vmem>>
        %dma_start3A_382 = arith.constant 0 : i32
        %dma_start3A_383 = arith.constant 0 : i32
        %dma_start3A_384 = tpu.memref_slice %arg2[%dma_start3A_382, %dma_start3A_383] : memref<100000x16xf32, #tpu.memory_space<hbm>> -> memref<100000x16xf32, #tpu.memory_space<hbm>>
        tpu.enqueue_indirect_dma source(%dma_start3A_384 : memref<100000x16xf32, #tpu.memory_space<hbm>>) target(%dma_start3A_378 : memref<128x16xf32, #tpu.memory_space<vmem>>) offsets(%dma_start3A_381 : memref<128xi32, #tpu.memory_space<vmem>>) semaphore(%arg23 : memref<!tpu.dma_semaphore, #tpu.memory_space<semaphore_mem>>)
        %dma_start3A_385 = arith.constant 3 : i32
        %dma_start3A_386 = arith.constant 384 : i32
        %dma_start3A_387 = arith.constant 0 : i32
        %dma_start3A_388 = tpu.memref_slice %arg17[%dma_start3A_386, %dma_start3A_387] : memref<1024x16xf32, #tpu.memory_space<vmem>> -> memref<128x16xf32, #tpu.memory_space<vmem>>
        %dma_start3A_389 = arith.constant 0 : i32
        %dma_start3A_390 = tpu.memref_slice %arg9[%dma_start3A_385, %dma_start3A_389] : memref<8x128xi32, #tpu.memory_space<vmem>> -> memref<1x128xi32, #tpu.memory_space<vmem>>
        %dma_start3A_391 = tpu.memref_squeeze %dma_start3A_390 : memref<1x128xi32, #tpu.memory_space<vmem>> -> memref<128xi32, #tpu.memory_space<vmem>>
        %dma_start3A_392 = arith.constant 0 : i32
        %dma_start3A_393 = arith.constant 0 : i32
        %dma_start3A_394 = tpu.memref_slice %arg2[%dma_start3A_392, %dma_start3A_393] : memref<100000x16xf32, #tpu.memory_space<hbm>> -> memref<100000x16xf32, #tpu.memory_space<hbm>>
        tpu.enqueue_indirect_dma source(%dma_start3A_394 : memref<100000x16xf32, #tpu.memory_space<hbm>>) target(%dma_start3A_388 : memref<128x16xf32, #tpu.memory_space<vmem>>) offsets(%dma_start3A_391 : memref<128xi32, #tpu.memory_space<vmem>>) semaphore(%arg23 : memref<!tpu.dma_semaphore, #tpu.memory_space<semaphore_mem>>)
        %dma_start3A_395 = arith.constant 4 : i32
        %dma_start3A_396 = arith.constant 512 : i32
        %dma_start3A_397 = arith.constant 0 : i32
        %dma_start3A_398 = tpu.memref_slice %arg17[%dma_start3A_396, %dma_start3A_397] : memref<1024x16xf32, #tpu.memory_space<vmem>> -> memref<128x16xf32, #tpu.memory_space<vmem>>
        %dma_start3A_399 = arith.constant 0 : i32
        %dma_start3A_400 = tpu.memref_slice %arg9[%dma_start3A_395, %dma_start3A_399] : memref<8x128xi32, #tpu.memory_space<vmem>> -> memref<1x128xi32, #tpu.memory_space<vmem>>
        %dma_start3A_401 = tpu.memref_squeeze %dma_start3A_400 : memref<1x128xi32, #tpu.memory_space<vmem>> -> memref<128xi32, #tpu.memory_space<vmem>>
        %dma_start3A_402 = arith.constant 0 : i32
        %dma_start3A_403 = arith.constant 0 : i32
        %dma_start3A_404 = tpu.memref_slice %arg2[%dma_start3A_402, %dma_start3A_403] : memref<100000x16xf32, #tpu.memory_space<hbm>> -> memref<100000x16xf32, #tpu.memory_space<hbm>>
        tpu.enqueue_indirect_dma source(%dma_start3A_404 : memref<100000x16xf32, #tpu.memory_space<hbm>>) target(%dma_start3A_398 : memref<128x16xf32, #tpu.memory_space<vmem>>) offsets(%dma_start3A_401 : memref<128xi32, #tpu.memory_space<vmem>>) semaphore(%arg23 : memref<!tpu.dma_semaphore, #tpu.memory_space<semaphore_mem>>)
        %dma_start3A_405 = arith.constant 5 : i32
        %dma_start3A_406 = arith.constant 640 : i32
        %dma_start3A_407 = arith.constant 0 : i32
        %dma_start3A_408 = tpu.memref_slice %arg17[%dma_start3A_406, %dma_start3A_407] : memref<1024x16xf32, #tpu.memory_space<vmem>> -> memref<128x16xf32, #tpu.memory_space<vmem>>
        %dma_start3A_409 = arith.constant 0 : i32
        %dma_start3A_410 = tpu.memref_slice %arg9[%dma_start3A_405, %dma_start3A_409] : memref<8x128xi32, #tpu.memory_space<vmem>> -> memref<1x128xi32, #tpu.memory_space<vmem>>
        %dma_start3A_411 = tpu.memref_squeeze %dma_start3A_410 : memref<1x128xi32, #tpu.memory_space<vmem>> -> memref<128xi32, #tpu.memory_space<vmem>>
        %dma_start3A_412 = arith.constant 0 : i32
        %dma_start3A_413 = arith.constant 0 : i32
        %dma_start3A_414 = tpu.memref_slice %arg2[%dma_start3A_412, %dma_start3A_413] : memref<100000x16xf32, #tpu.memory_space<hbm>> -> memref<100000x16xf32, #tpu.memory_space<hbm>>
        tpu.enqueue_indirect_dma source(%dma_start3A_414 : memref<100000x16xf32, #tpu.memory_space<hbm>>) target(%dma_start3A_408 : memref<128x16xf32, #tpu.memory_space<vmem>>) offsets(%dma_start3A_411 : memref<128xi32, #tpu.memory_space<vmem>>) semaphore(%arg23 : memref<!tpu.dma_semaphore, #tpu.memory_space<semaphore_mem>>)
        %dma_start3A_415 = arith.constant 6 : i32
        %dma_start3A_416 = arith.constant 768 : i32
        %dma_start3A_417 = arith.constant 0 : i32
        %dma_start3A_418 = tpu.memref_slice %arg17[%dma_start3A_416, %dma_start3A_417] : memref<1024x16xf32, #tpu.memory_space<vmem>> -> memref<128x16xf32, #tpu.memory_space<vmem>>
        %dma_start3A_419 = arith.constant 0 : i32
        %dma_start3A_420 = tpu.memref_slice %arg9[%dma_start3A_415, %dma_start3A_419] : memref<8x128xi32, #tpu.memory_space<vmem>> -> memref<1x128xi32, #tpu.memory_space<vmem>>
        %dma_start3A_421 = tpu.memref_squeeze %dma_start3A_420 : memref<1x128xi32, #tpu.memory_space<vmem>> -> memref<128xi32, #tpu.memory_space<vmem>>
        %dma_start3A_422 = arith.constant 0 : i32
        %dma_start3A_423 = arith.constant 0 : i32
        %dma_start3A_424 = tpu.memref_slice %arg2[%dma_start3A_422, %dma_start3A_423] : memref<100000x16xf32, #tpu.memory_space<hbm>> -> memref<100000x16xf32, #tpu.memory_space<hbm>>
        tpu.enqueue_indirect_dma source(%dma_start3A_424 : memref<100000x16xf32, #tpu.memory_space<hbm>>) target(%dma_start3A_418 : memref<128x16xf32, #tpu.memory_space<vmem>>) offsets(%dma_start3A_421 : memref<128xi32, #tpu.memory_space<vmem>>) semaphore(%arg23 : memref<!tpu.dma_semaphore, #tpu.memory_space<semaphore_mem>>)
        %dma_start3A_425 = arith.constant 7 : i32
        %dma_start3A_426 = arith.constant 896 : i32
        %dma_start3A_427 = arith.constant 0 : i32
        %dma_start3A_428 = tpu.memref_slice %arg17[%dma_start3A_426, %dma_start3A_427] : memref<1024x16xf32, #tpu.memory_space<vmem>> -> memref<128x16xf32, #tpu.memory_space<vmem>>
        %dma_start3A_429 = arith.constant 0 : i32
        %dma_start3A_430 = tpu.memref_slice %arg9[%dma_start3A_425, %dma_start3A_429] : memref<8x128xi32, #tpu.memory_space<vmem>> -> memref<1x128xi32, #tpu.memory_space<vmem>>
        %dma_start3A_431 = tpu.memref_squeeze %dma_start3A_430 : memref<1x128xi32, #tpu.memory_space<vmem>> -> memref<128xi32, #tpu.memory_space<vmem>>
        %dma_start3A_432 = arith.constant 0 : i32
        %dma_start3A_433 = arith.constant 0 : i32
        %dma_start3A_434 = tpu.memref_slice %arg2[%dma_start3A_432, %dma_start3A_433] : memref<100000x16xf32, #tpu.memory_space<hbm>> -> memref<100000x16xf32, #tpu.memory_space<hbm>>
        tpu.enqueue_indirect_dma source(%dma_start3A_434 : memref<100000x16xf32, #tpu.memory_space<hbm>>) target(%dma_start3A_428 : memref<128x16xf32, #tpu.memory_space<vmem>>) offsets(%dma_start3A_431 : memref<128xi32, #tpu.memory_space<vmem>>) semaphore(%arg23 : memref<!tpu.dma_semaphore, #tpu.memory_space<semaphore_mem>>)
      } else {
      }
      %dma_wait3A_231 = arith.constant 0 : i32
      %dma_wait3A_232 = arith.constant 0 : i32
      %dma_wait3A_233 = arith.constant 0 : i32
      %dma_wait3A_234 = tpu.memref_slice %arg18[%dma_wait3A_232, %dma_wait3A_233] : memref<1024x16xf32, #tpu.memory_space<vmem>> -> memref<128x16xf32, #tpu.memory_space<vmem>>
      %dma_wait3A_235 = arith.constant 0 : i32
      %dma_wait3A_236 = tpu.memref_slice %arg10[%dma_wait3A_231, %dma_wait3A_235] : memref<8x128xi32, #tpu.memory_space<vmem>> -> memref<1x128xi32, #tpu.memory_space<vmem>>
      %dma_wait3A_237 = tpu.memref_squeeze %dma_wait3A_236 : memref<1x128xi32, #tpu.memory_space<vmem>> -> memref<128xi32, #tpu.memory_space<vmem>>
      %dma_wait3A_238 = arith.constant 0 : i32
      %dma_wait3A_239 = arith.constant 0 : i32
      %dma_wait3A_240 = tpu.memref_slice %arg2[%dma_wait3A_238, %dma_wait3A_239] : memref<100000x16xf32, #tpu.memory_space<hbm>> -> memref<100000x16xf32, #tpu.memory_space<hbm>>
      tpu.wait_indirect_dma semaphore(%arg24 : memref<!tpu.dma_semaphore, #tpu.memory_space<semaphore_mem>>) src(%dma_wait3A_240 : memref<100000x16xf32, #tpu.memory_space<hbm>>) dst(%dma_wait3A_234 : memref<128x16xf32, #tpu.memory_space<vmem>>)
      %dma_wait3A_241 = arith.constant 1 : i32
      %dma_wait3A_242 = arith.constant 128 : i32
      %dma_wait3A_243 = arith.constant 0 : i32
      %dma_wait3A_244 = tpu.memref_slice %arg18[%dma_wait3A_242, %dma_wait3A_243] : memref<1024x16xf32, #tpu.memory_space<vmem>> -> memref<128x16xf32, #tpu.memory_space<vmem>>
      %dma_wait3A_245 = arith.constant 0 : i32
      %dma_wait3A_246 = tpu.memref_slice %arg10[%dma_wait3A_241, %dma_wait3A_245] : memref<8x128xi32, #tpu.memory_space<vmem>> -> memref<1x128xi32, #tpu.memory_space<vmem>>
      %dma_wait3A_247 = tpu.memref_squeeze %dma_wait3A_246 : memref<1x128xi32, #tpu.memory_space<vmem>> -> memref<128xi32, #tpu.memory_space<vmem>>
      %dma_wait3A_248 = arith.constant 0 : i32
      %dma_wait3A_249 = arith.constant 0 : i32
      %dma_wait3A_250 = tpu.memref_slice %arg2[%dma_wait3A_248, %dma_wait3A_249] : memref<100000x16xf32, #tpu.memory_space<hbm>> -> memref<100000x16xf32, #tpu.memory_space<hbm>>
      tpu.wait_indirect_dma semaphore(%arg24 : memref<!tpu.dma_semaphore, #tpu.memory_space<semaphore_mem>>) src(%dma_wait3A_250 : memref<100000x16xf32, #tpu.memory_space<hbm>>) dst(%dma_wait3A_244 : memref<128x16xf32, #tpu.memory_space<vmem>>)
      %dma_wait3A_251 = arith.constant 2 : i32
      %dma_wait3A_252 = arith.constant 256 : i32
      %dma_wait3A_253 = arith.constant 0 : i32
      %dma_wait3A_254 = tpu.memref_slice %arg18[%dma_wait3A_252, %dma_wait3A_253] : memref<1024x16xf32, #tpu.memory_space<vmem>> -> memref<128x16xf32, #tpu.memory_space<vmem>>
      %dma_wait3A_255 = arith.constant 0 : i32
      %dma_wait3A_256 = tpu.memref_slice %arg10[%dma_wait3A_251, %dma_wait3A_255] : memref<8x128xi32, #tpu.memory_space<vmem>> -> memref<1x128xi32, #tpu.memory_space<vmem>>
      %dma_wait3A_257 = tpu.memref_squeeze %dma_wait3A_256 : memref<1x128xi32, #tpu.memory_space<vmem>> -> memref<128xi32, #tpu.memory_space<vmem>>
      %dma_wait3A_258 = arith.constant 0 : i32
      %dma_wait3A_259 = arith.constant 0 : i32
      %dma_wait3A_260 = tpu.memref_slice %arg2[%dma_wait3A_258, %dma_wait3A_259] : memref<100000x16xf32, #tpu.memory_space<hbm>> -> memref<100000x16xf32, #tpu.memory_space<hbm>>
      tpu.wait_indirect_dma semaphore(%arg24 : memref<!tpu.dma_semaphore, #tpu.memory_space<semaphore_mem>>) src(%dma_wait3A_260 : memref<100000x16xf32, #tpu.memory_space<hbm>>) dst(%dma_wait3A_254 : memref<128x16xf32, #tpu.memory_space<vmem>>)
      %dma_wait3A_261 = arith.constant 3 : i32
      %dma_wait3A_262 = arith.constant 384 : i32
      %dma_wait3A_263 = arith.constant 0 : i32
      %dma_wait3A_264 = tpu.memref_slice %arg18[%dma_wait3A_262, %dma_wait3A_263] : memref<1024x16xf32, #tpu.memory_space<vmem>> -> memref<128x16xf32, #tpu.memory_space<vmem>>
      %dma_wait3A_265 = arith.constant 0 : i32
      %dma_wait3A_266 = tpu.memref_slice %arg10[%dma_wait3A_261, %dma_wait3A_265] : memref<8x128xi32, #tpu.memory_space<vmem>> -> memref<1x128xi32, #tpu.memory_space<vmem>>
      %dma_wait3A_267 = tpu.memref_squeeze %dma_wait3A_266 : memref<1x128xi32, #tpu.memory_space<vmem>> -> memref<128xi32, #tpu.memory_space<vmem>>
      %dma_wait3A_268 = arith.constant 0 : i32
      %dma_wait3A_269 = arith.constant 0 : i32
      %dma_wait3A_270 = tpu.memref_slice %arg2[%dma_wait3A_268, %dma_wait3A_269] : memref<100000x16xf32, #tpu.memory_space<hbm>> -> memref<100000x16xf32, #tpu.memory_space<hbm>>
      tpu.wait_indirect_dma semaphore(%arg24 : memref<!tpu.dma_semaphore, #tpu.memory_space<semaphore_mem>>) src(%dma_wait3A_270 : memref<100000x16xf32, #tpu.memory_space<hbm>>) dst(%dma_wait3A_264 : memref<128x16xf32, #tpu.memory_space<vmem>>)
      %dma_wait3A_271 = arith.constant 4 : i32
      %dma_wait3A_272 = arith.constant 512 : i32
      %dma_wait3A_273 = arith.constant 0 : i32
      %dma_wait3A_274 = tpu.memref_slice %arg18[%dma_wait3A_272, %dma_wait3A_273] : memref<1024x16xf32, #tpu.memory_space<vmem>> -> memref<128x16xf32, #tpu.memory_space<vmem>>
      %dma_wait3A_275 = arith.constant 0 : i32
      %dma_wait3A_276 = tpu.memref_slice %arg10[%dma_wait3A_271, %dma_wait3A_275] : memref<8x128xi32, #tpu.memory_space<vmem>> -> memref<1x128xi32, #tpu.memory_space<vmem>>
      %dma_wait3A_277 = tpu.memref_squeeze %dma_wait3A_276 : memref<1x128xi32, #tpu.memory_space<vmem>> -> memref<128xi32, #tpu.memory_space<vmem>>
      %dma_wait3A_278 = arith.constant 0 : i32
      %dma_wait3A_279 = arith.constant 0 : i32
      %dma_wait3A_280 = tpu.memref_slice %arg2[%dma_wait3A_278, %dma_wait3A_279] : memref<100000x16xf32, #tpu.memory_space<hbm>> -> memref<100000x16xf32, #tpu.memory_space<hbm>>
      tpu.wait_indirect_dma semaphore(%arg24 : memref<!tpu.dma_semaphore, #tpu.memory_space<semaphore_mem>>) src(%dma_wait3A_280 : memref<100000x16xf32, #tpu.memory_space<hbm>>) dst(%dma_wait3A_274 : memref<128x16xf32, #tpu.memory_space<vmem>>)
      %dma_wait3A_281 = arith.constant 5 : i32
      %dma_wait3A_282 = arith.constant 640 : i32
      %dma_wait3A_283 = arith.constant 0 : i32
      %dma_wait3A_284 = tpu.memref_slice %arg18[%dma_wait3A_282, %dma_wait3A_283] : memref<1024x16xf32, #tpu.memory_space<vmem>> -> memref<128x16xf32, #tpu.memory_space<vmem>>
      %dma_wait3A_285 = arith.constant 0 : i32
      %dma_wait3A_286 = tpu.memref_slice %arg10[%dma_wait3A_281, %dma_wait3A_285] : memref<8x128xi32, #tpu.memory_space<vmem>> -> memref<1x128xi32, #tpu.memory_space<vmem>>
      %dma_wait3A_287 = tpu.memref_squeeze %dma_wait3A_286 : memref<1x128xi32, #tpu.memory_space<vmem>> -> memref<128xi32, #tpu.memory_space<vmem>>
      %dma_wait3A_288 = arith.constant 0 : i32
      %dma_wait3A_289 = arith.constant 0 : i32
      %dma_wait3A_290 = tpu.memref_slice %arg2[%dma_wait3A_288, %dma_wait3A_289] : memref<100000x16xf32, #tpu.memory_space<hbm>> -> memref<100000x16xf32, #tpu.memory_space<hbm>>
      tpu.wait_indirect_dma semaphore(%arg24 : memref<!tpu.dma_semaphore, #tpu.memory_space<semaphore_mem>>) src(%dma_wait3A_290 : memref<100000x16xf32, #tpu.memory_space<hbm>>) dst(%dma_wait3A_284 : memref<128x16xf32, #tpu.memory_space<vmem>>)
      %dma_wait3A_291 = arith.constant 6 : i32
      %dma_wait3A_292 = arith.constant 768 : i32
      %dma_wait3A_293 = arith.constant 0 : i32
      %dma_wait3A_294 = tpu.memref_slice %arg18[%dma_wait3A_292, %dma_wait3A_293] : memref<1024x16xf32, #tpu.memory_space<vmem>> -> memref<128x16xf32, #tpu.memory_space<vmem>>
      %dma_wait3A_295 = arith.constant 0 : i32
      %dma_wait3A_296 = tpu.memref_slice %arg10[%dma_wait3A_291, %dma_wait3A_295] : memref<8x128xi32, #tpu.memory_space<vmem>> -> memref<1x128xi32, #tpu.memory_space<vmem>>
      %dma_wait3A_297 = tpu.memref_squeeze %dma_wait3A_296 : memref<1x128xi32, #tpu.memory_space<vmem>> -> memref<128xi32, #tpu.memory_space<vmem>>
      %dma_wait3A_298 = arith.constant 0 : i32
      %dma_wait3A_299 = arith.constant 0 : i32
      %dma_wait3A_300 = tpu.memref_slice %arg2[%dma_wait3A_298, %dma_wait3A_299] : memref<100000x16xf32, #tpu.memory_space<hbm>> -> memref<100000x16xf32, #tpu.memory_space<hbm>>
      tpu.wait_indirect_dma semaphore(%arg24 : memref<!tpu.dma_semaphore, #tpu.memory_space<semaphore_mem>>) src(%dma_wait3A_300 : memref<100000x16xf32, #tpu.memory_space<hbm>>) dst(%dma_wait3A_294 : memref<128x16xf32, #tpu.memory_space<vmem>>)
      %dma_wait3A_301 = arith.constant 7 : i32
      %dma_wait3A_302 = arith.constant 896 : i32
      %dma_wait3A_303 = arith.constant 0 : i32
      %dma_wait3A_304 = tpu.memref_slice %arg18[%dma_wait3A_302, %dma_wait3A_303] : memref<1024x16xf32, #tpu.memory_space<vmem>> -> memref<128x16xf32, #tpu.memory_space<vmem>>
      %dma_wait3A_305 = arith.constant 0 : i32
      %dma_wait3A_306 = tpu.memref_slice %arg10[%dma_wait3A_301, %dma_wait3A_305] : memref<8x128xi32, #tpu.memory_space<vmem>> -> memref<1x128xi32, #tpu.memory_space<vmem>>
      %dma_wait3A_307 = tpu.memref_squeeze %dma_wait3A_306 : memref<1x128xi32, #tpu.memory_space<vmem>> -> memref<128xi32, #tpu.memory_space<vmem>>
      %dma_wait3A_308 = arith.constant 0 : i32
      %dma_wait3A_309 = arith.constant 0 : i32
      %dma_wait3A_310 = tpu.memref_slice %arg2[%dma_wait3A_308, %dma_wait3A_309] : memref<100000x16xf32, #tpu.memory_space<hbm>> -> memref<100000x16xf32, #tpu.memory_space<hbm>>
      tpu.wait_indirect_dma semaphore(%arg24 : memref<!tpu.dma_semaphore, #tpu.memory_space<semaphore_mem>>) src(%dma_wait3A_310 : memref<100000x16xf32, #tpu.memory_space<hbm>>) dst(%dma_wait3A_304 : memref<128x16xf32, #tpu.memory_space<vmem>>)
      %scan3A_311 = arith.constant 0 : i32
      %scan3A_312 = arith.constant 64 : i32
      %scan3A_313 = arith.addi %scan3A_311, %scan3A_312 : i32
      %scan3A_314 = arith.constant 1 : i32
      %scan3A_315 = scf.for %scan3A_317 = %scan3A_311 to %scan3A_313 step %scan3A_314 iter_args(%scan3A_318 = %scan3A_218) -> (vector<16xf32>)  : i32 {
        %mul3A_319 = arith.constant 16 : i32
        %mul3A_320 = arith.muli %scan3A_317, %mul3A_319 : i32
        %get3A = arith.index_cast %mul3A_320 : i32 to index
        %get3A_321 = tpu.vector_load %arg12[%get3A] {strides = array<i32>} : memref<1024xf32, #tpu.memory_space<vmem>>, vector<16xf32>,
        %get3A_322 = arith.index_cast %mul3A_320 : i32 to index
        %get3A_323 = tpu.vector_load %arg14[%get3A_322] {strides = array<i32>} : memref<1024xf32, #tpu.memory_space<vmem>>, vector<16xf32>,
        %get3A_324 = arith.index_cast %mul3A_320 : i32 to index
        %get3A_325 = tpu.vector_load %arg16[%get3A_324] {strides = array<i32>} : memref<1024xf32, #tpu.memory_space<vmem>>, vector<16xf32>,
        %mul3A_326 = arith.mulf %get3A_321, %get3A_321 : vector<16xf32>
        %mul3A_327 = arith.mulf %get3A_323, %get3A_323 : vector<16xf32>
        %add3A_328 = arith.addf %mul3A_326, %mul3A_327 : vector<16xf32>
        %mul3A_329 = arith.mulf %get3A_325, %get3A_325 : vector<16xf32>
        %add3A_330 = arith.addf %add3A_328, %mul3A_329 : vector<16xf32>
        %max3A = arith.constant 9.99999996E-13 : f32
        %max3A_331 = vector.broadcast %max3A : f32 to vector<16xf32>
        %max3A_332 = arith.maximumf %add3A_330, %max3A_331 : vector<16xf32>
        %bitcast_convert_type3A = tpu.bitcast %max3A_332 : vector<16xf32> -> vector<16xi32>
        %shift_right_arithmetic3A = arith.constant 1 : i32
        %shift_right_arithmetic3A_333 = vector.broadcast %shift_right_arithmetic3A : i32 to vector<16xi32>
        %shift_right_arithmetic3A_334 = arith.shrsi %bitcast_convert_type3A, %shift_right_arithmetic3A_333 : vector<16xi32>
        %sub3A = arith.constant 1597463007 : i32
        %sub3A_335 = vector.broadcast %sub3A : i32 to vector<16xi32>
        %sub3A_336 = arith.subi %sub3A_335, %shift_right_arithmetic3A_334 : vector<16xi32>
        %bitcast_convert_type3A_337 = tpu.bitcast %sub3A_336 : vector<16xi32> -> vector<16xf32>
        %mul3A_338 = arith.constant 5.000000e-01 : f32
        %mul3A_339 = vector.broadcast %mul3A_338 : f32 to vector<16xf32>
        %mul3A_340 = arith.mulf %mul3A_339, %max3A_332 : vector<16xf32>
        %mul3A_341 = arith.mulf %mul3A_340, %bitcast_convert_type3A_337 : vector<16xf32>
        %mul3A_342 = arith.mulf %mul3A_341, %bitcast_convert_type3A_337 : vector<16xf32>
        %sub3A_343 = arith.constant 1.500000e+00 : f32
        %sub3A_344 = vector.broadcast %sub3A_343 : f32 to vector<16xf32>
        %sub3A_345 = arith.subf %sub3A_344, %mul3A_342 : vector<16xf32>
        %mul3A_346 = arith.mulf %bitcast_convert_type3A_337, %sub3A_345 : vector<16xf32>
        %mul3A_347 = arith.constant 5.000000e-01 : f32
        %mul3A_348 = vector.broadcast %mul3A_347 : f32 to vector<16xf32>
        %mul3A_349 = arith.mulf %mul3A_348, %max3A_332 : vector<16xf32>
        %mul3A_350 = arith.mulf %mul3A_349, %mul3A_346 : vector<16xf32>
        %mul3A_351 = arith.mulf %mul3A_350, %mul3A_346 : vector<16xf32>
        %sub3A_352 = arith.constant 1.500000e+00 : f32
        %sub3A_353 = vector.broadcast %sub3A_352 : f32 to vector<16xf32>
        %sub3A_354 = arith.subf %sub3A_353, %mul3A_351 : vector<16xf32>
        %mul3A_355 = arith.mulf %mul3A_346, %sub3A_354 : vector<16xf32>
        %mul3A_356 = arith.constant 5.000000e-01 : f32
        %mul3A_357 = vector.broadcast %mul3A_356 : f32 to vector<16xf32>
        %mul3A_358 = arith.mulf %mul3A_357, %max3A_332 : vector<16xf32>
        %mul3A_359 = arith.mulf %mul3A_358, %mul3A_355 : vector<16xf32>
        %mul3A_360 = arith.mulf %mul3A_359, %mul3A_355 : vector<16xf32>
        %sub3A_361 = arith.constant 1.500000e+00 : f32
        %sub3A_362 = vector.broadcast %sub3A_361 : f32 to vector<16xf32>
        %sub3A_363 = arith.subf %sub3A_362, %mul3A_360 : vector<16xf32>
        %mul3A_364 = arith.mulf %mul3A_355, %sub3A_363 : vector<16xf32>
        %mul3A_365 = arith.mulf %get3A_321, %mul3A_364 : vector<16xf32>
        %mul3A_366 = arith.mulf %get3A_323, %mul3A_364 : vector<16xf32>
        %mul3A_367 = arith.mulf %get3A_325, %mul3A_364 : vector<16xf32>
        %mul3A_368 = arith.mulf %max3A_332, %mul3A_364 : vector<16xf32>
        %mul3A_369 = arith.constant 5.461000e+03 : f32
        %mul3A_370 = vector.broadcast %mul3A_369 : f32 to vector<16xf32>
        %mul3A_371 = arith.mulf %mul3A_368, %mul3A_370 : vector<16xf32>
        %min3A = arith.constant 1.638300e+04 : f32
        %min3A_372 = vector.broadcast %min3A : f32 to vector<16xf32>
        %min3A_373 = arith.minimumf %mul3A_371, %min3A_372 : vector<16xf32>
        %convert_element_type3A_374 = arith.fptosi %min3A_373 : vector<16xf32> to vector<16xi32>
        %min3A_375 = arith.constant 16382 : i32
        %min3A_376 = vector.broadcast %min3A_375 : i32 to vector<16xi32>
        %min3A_377 = arith.minsi %convert_element_type3A_374, %min3A_376 : vector<16xi32>
        %convert_element_type3A_378 = arith.sitofp %min3A_377 : vector<16xi32> to vector<16xf32>
        %sub3A_379 = arith.subf %min3A_373, %convert_element_type3A_378 : vector<16xf32>
        %gather3A = tpu.vector_load_idx %arg19[%broadcast_in_dim3A_1, %min3A_377] : memref<4x16384xf32, #tpu.memory_space<vmem>>[vector<16xi32>, vector<16xi32>], vector<16xf32>,
        %gather3A_380 = tpu.vector_load_idx %arg19[%broadcast_in_dim3A_3, %min3A_377] : memref<4x16384xf32, #tpu.memory_space<vmem>>[vector<16xi32>, vector<16xi32>], vector<16xf32>,
        %gather3A_381 = tpu.vector_load_idx %arg19[%broadcast_in_dim3A_5, %min3A_377] : memref<4x16384xf32, #tpu.memory_space<vmem>>[vector<16xi32>, vector<16xi32>], vector<16xf32>,
        %add3A_382 = arith.constant 1 : i32
        %add3A_383 = vector.broadcast %add3A_382 : i32 to vector<16xi32>
        %add3A_384 = arith.addi %min3A_377, %add3A_383 : vector<16xi32>
        %gather3A_385 = tpu.vector_load_idx %arg19[%broadcast_in_dim3A_1, %add3A_384] : memref<4x16384xf32, #tpu.memory_space<vmem>>[vector<16xi32>, vector<16xi32>], vector<16xf32>,
        %gather3A_386 = tpu.vector_load_idx %arg19[%broadcast_in_dim3A_3, %add3A_384] : memref<4x16384xf32, #tpu.memory_space<vmem>>[vector<16xi32>, vector<16xi32>], vector<16xf32>,
        %gather3A_387 = tpu.vector_load_idx %arg19[%broadcast_in_dim3A_5, %add3A_384] : memref<4x16384xf32, #tpu.memory_space<vmem>>[vector<16xi32>, vector<16xi32>], vector<16xf32>,
        %sub3A_388 = arith.subf %gather3A_385, %gather3A : vector<16xf32>
        %mul3A_389 = arith.mulf %sub3A_379, %sub3A_388 : vector<16xf32>
        %add3A_390 = arith.addf %gather3A, %mul3A_389 : vector<16xf32>
        %sub3A_391 = arith.subf %gather3A_386, %gather3A_380 : vector<16xf32>
        %mul3A_392 = arith.mulf %sub3A_379, %sub3A_391 : vector<16xf32>
        %add3A_393 = arith.addf %gather3A_380, %mul3A_392 : vector<16xf32>
        %sub3A_394 = arith.subf %gather3A_387, %gather3A_381 : vector<16xf32>
        %mul3A_395 = arith.mulf %sub3A_379, %sub3A_394 : vector<16xf32>
        %add3A_396 = arith.addf %gather3A_381, %mul3A_395 : vector<16xf32>
        %add3A_397 = vector.broadcast %mul3A_320 : i32 to vector<16xi32>
        %add3A_398 = arith.addi %iota3A, %add3A_397 : vector<16xi32>
        %gather3A_399 = tpu.vector_load_idx %arg18[%add3A_398, %broadcast_in_dim3A_1] : memref<1024x16xf32, #tpu.memory_space<vmem>>[vector<16xi32>, vector<16xi32>], vector<16xf32>,
        %gather3A_400 = tpu.vector_load_idx %arg18[%add3A_398, %broadcast_in_dim3A_3] : memref<1024x16xf32, #tpu.memory_space<vmem>>[vector<16xi32>, vector<16xi32>], vector<16xf32>,
        %gather3A_401 = tpu.vector_load_idx %arg18[%add3A_398, %broadcast_in_dim3A_5] : memref<1024x16xf32, #tpu.memory_space<vmem>>[vector<16xi32>, vector<16xi32>], vector<16xf32>,
        %broadcast_in_dim3A_402 = arith.constant 3 : i32
        %broadcast_in_dim3A_403 = vector.broadcast %broadcast_in_dim3A_402 : i32 to vector<16xi32>
        %gather3A_404 = tpu.vector_load_idx %arg18[%add3A_398, %broadcast_in_dim3A_403] : memref<1024x16xf32, #tpu.memory_space<vmem>>[vector<16xi32>, vector<16xi32>], vector<16xf32>,
        %broadcast_in_dim3A_405 = arith.constant 4 : i32
        %broadcast_in_dim3A_406 = vector.broadcast %broadcast_in_dim3A_405 : i32 to vector<16xi32>
        %gather3A_407 = tpu.vector_load_idx %arg18[%add3A_398, %broadcast_in_dim3A_406] : memref<1024x16xf32, #tpu.memory_space<vmem>>[vector<16xi32>, vector<16xi32>], vector<16xf32>,
        %broadcast_in_dim3A_408 = arith.constant 5 : i32
        %broadcast_in_dim3A_409 = vector.broadcast %broadcast_in_dim3A_408 : i32 to vector<16xi32>
        %gather3A_410 = tpu.vector_load_idx %arg18[%add3A_398, %broadcast_in_dim3A_409] : memref<1024x16xf32, #tpu.memory_space<vmem>>[vector<16xi32>, vector<16xi32>], vector<16xf32>,
        %broadcast_in_dim3A_411 = arith.constant 6 : i32
        %broadcast_in_dim3A_412 = vector.broadcast %broadcast_in_dim3A_411 : i32 to vector<16xi32>
        %gather3A_413 = tpu.vector_load_idx %arg18[%add3A_398, %broadcast_in_dim3A_412] : memref<1024x16xf32, #tpu.memory_space<vmem>>[vector<16xi32>, vector<16xi32>], vector<16xf32>,
        %broadcast_in_dim3A_414 = arith.constant 7 : i32
        %broadcast_in_dim3A_415 = vector.broadcast %broadcast_in_dim3A_414 : i32 to vector<16xi32>
        %gather3A_416 = tpu.vector_load_idx %arg18[%add3A_398, %broadcast_in_dim3A_415] : memref<1024x16xf32, #tpu.memory_space<vmem>>[vector<16xi32>, vector<16xi32>], vector<16xf32>,
        %broadcast_in_dim3A_417 = arith.constant 8 : i32
        %broadcast_in_dim3A_418 = vector.broadcast %broadcast_in_dim3A_417 : i32 to vector<16xi32>
        %gather3A_419 = tpu.vector_load_idx %arg18[%add3A_398, %broadcast_in_dim3A_418] : memref<1024x16xf32, #tpu.memory_space<vmem>>[vector<16xi32>, vector<16xi32>], vector<16xf32>,
        %mul3A_420 = arith.mulf %gather3A_400, %mul3A_365 : vector<16xf32>
        %mul3A_421 = arith.mulf %gather3A_401, %mul3A_366 : vector<16xf32>
        %add3A_422 = arith.addf %mul3A_420, %mul3A_421 : vector<16xf32>
        %mul3A_423 = arith.mulf %gather3A_404, %mul3A_367 : vector<16xf32>
        %add3A_424 = arith.addf %add3A_422, %mul3A_423 : vector<16xf32>
        %mul3A_425 = arith.mulf %mul3A_365, %mul3A_365 : vector<16xf32>
        %mul3A_426 = arith.mulf %mul3A_366, %mul3A_366 : vector<16xf32>
        %mul3A_427 = arith.mulf %mul3A_367, %mul3A_367 : vector<16xf32>
        %mul3A_428 = arith.mulf %mul3A_365, %mul3A_367 : vector<16xf32>
        %mul3A_429 = arith.mulf %mul3A_428, %gather3A_407 : vector<16xf32>
        %mul3A_430 = arith.mulf %mul3A_365, %mul3A_366 : vector<16xf32>
        %mul3A_431 = arith.mulf %mul3A_430, %gather3A_410 : vector<16xf32>
        %add3A_432 = arith.addf %mul3A_429, %mul3A_431 : vector<16xf32>
        %mul3A_433 = arith.mulf %mul3A_366, %mul3A_367 : vector<16xf32>
        %mul3A_434 = arith.mulf %mul3A_433, %gather3A_416 : vector<16xf32>
        %add3A_435 = arith.addf %add3A_432, %mul3A_434 : vector<16xf32>
        %mul3A_436 = arith.constant 1.73205078 : f32
        %mul3A_437 = vector.broadcast %mul3A_436 : f32 to vector<16xf32>
        %mul3A_438 = arith.mulf %mul3A_437, %add3A_435 : vector<16xf32>
        %add3A_439 = arith.addf %mul3A_425, %mul3A_427 : vector<16xf32>
        %mul3A_440 = arith.constant 5.000000e-01 : f32
        %mul3A_441 = vector.broadcast %mul3A_440 : f32 to vector<16xf32>
        %mul3A_442 = arith.mulf %mul3A_441, %add3A_439 : vector<16xf32>
        %sub3A_443 = arith.subf %mul3A_426, %mul3A_442 : vector<16xf32>
        %mul3A_444 = arith.mulf %sub3A_443, %gather3A_413 : vector<16xf32>
        %add3A_445 = arith.addf %mul3A_438, %mul3A_444 : vector<16xf32>
        %sub3A_446 = arith.subf %mul3A_427, %mul3A_425 : vector<16xf32>
        %mul3A_447 = arith.constant 0.866025388 : f32
        %mul3A_448 = vector.broadcast %mul3A_447 : f32 to vector<16xf32>
        %mul3A_449 = arith.mulf %mul3A_448, %sub3A_446 : vector<16xf32>
        %mul3A_450 = arith.mulf %mul3A_449, %gather3A_419 : vector<16xf32>
        %add3A_451 = arith.addf %add3A_445, %mul3A_450 : vector<16xf32>
        %mul3A_452 = arith.mulf %add3A_390, %gather3A_399 : vector<16xf32>
        %mul3A_453 = arith.mulf %add3A_393, %add3A_424 : vector<16xf32>
        %add3A_454 = arith.addf %mul3A_452, %mul3A_453 : vector<16xf32>
        %mul3A_455 = arith.mulf %add3A_396, %add3A_451 : vector<16xf32>
        %add3A_456 = arith.addf %add3A_454, %mul3A_455 : vector<16xf32>
        %add3A_457 = arith.addf %scan3A_318, %add3A_456 : vector<16xf32>
        scf.yield %add3A_457 : vector<16xf32>
      }
      %scan3A_316 = arith.constant 64 : i32
      scf.yield %scan3A_315 : vector<16xf32>
    }
    %scan3A_122 = arith.constant 49 : i32
    %swap3A = arith.constant 0 : index
    %swap3A_123 = tpu.vector_load %arg20[%swap3A] {strides = array<i32>} : memref<16xf32, #tpu.memory_space<vmem>>, vector<16xf32>,
    tpu.vector_store %arg20[%swap3A], %scan3A_121 {strides = array<i32>} : memref<16xf32, #tpu.memory_space<vmem>>, vector<16xf32>,
    "tpu.region"() ({
      %run_scoped3A = tpu.sem_alloc : memref<!tpu.dma_semaphore, #tpu.memory_space<semaphore_mem>>
      %dma_start3A_124 = arith.constant 0 : i32
      %dma_start3A_125 = tpu.memref_slice %arg8[%add3A, %dma_start3A_124] : memref<32x16xf32, #tpu.memory_space<hbm>> -> memref<1x16xf32, #tpu.memory_space<hbm>>
      %dma_start3A_126 = tpu.memref_squeeze %dma_start3A_125 : memref<1x16xf32, #tpu.memory_space<hbm>> -> memref<16xf32, #tpu.memory_space<hbm>>
      %dma_start3A_127 = arith.constant 0 : i32
      %dma_start3A_128 = tpu.memref_slice %arg8[%add3A, %dma_start3A_127] : memref<32x16xf32, #tpu.memory_space<hbm>> -> memref<1x16xf32, #tpu.memory_space<hbm>>
      %dma_start3A_129 = tpu.memref_squeeze %dma_start3A_128 : memref<1x16xf32, #tpu.memory_space<hbm>> -> memref<16xf32, #tpu.memory_space<hbm>>
      tpu.enqueue_dma source(%arg20 : memref<16xf32, #tpu.memory_space<vmem>>) target(%dma_start3A_129 : memref<16xf32, #tpu.memory_space<hbm>>) target_semaphore(%run_scoped3A : memref<!tpu.dma_semaphore, #tpu.memory_space<semaphore_mem>>)
      %dma_wait3A_130 = arith.constant 0 : i32
      %dma_wait3A_131 = tpu.memref_slice %arg8[%add3A, %dma_wait3A_130] : memref<32x16xf32, #tpu.memory_space<hbm>> -> memref<1x16xf32, #tpu.memory_space<hbm>>
      %dma_wait3A_132 = tpu.memref_squeeze %dma_wait3A_131 : memref<1x16xf32, #tpu.memory_space<hbm>> -> memref<16xf32, #tpu.memory_space<hbm>>
      %dma_wait3A_133 = arith.constant 0 : i32
      %dma_wait3A_134 = tpu.memref_slice %arg8[%add3A, %dma_wait3A_133] : memref<32x16xf32, #tpu.memory_space<hbm>> -> memref<1x16xf32, #tpu.memory_space<hbm>>
      %dma_wait3A_135 = tpu.memref_squeeze %dma_wait3A_134 : memref<1x16xf32, #tpu.memory_space<hbm>> -> memref<16xf32, #tpu.memory_space<hbm>>
      tpu.wait_dma2 semaphore(%run_scoped3A : memref<!tpu.dma_semaphore, #tpu.memory_space<semaphore_mem>>) src(%arg20 : memref<16xf32, #tpu.memory_space<vmem>>) dst(%dma_wait3A_135 : memref<16xf32, #tpu.memory_space<hbm>>)
      tpu.yield
    }) : () -> ()
    return
  }
}

module attributes {stable_mosaic.version = 14 : i64} {
  func.func @_table_body(%arg0: memref<160xf32, #tpu.memory_space<smem>>, %arg1: memref<48xf32, #tpu.memory_space<smem>>, %arg2: memref<4x128x128xf32, #tpu.memory_space<vmem>>) attributes {dimension_semantics = [], scalar_prefetch = 0 : i64, scratch_operands = 0 : i64, tpu.core_type = #tpu.core_type<tc>} {
    %iota3A = tpu.iota {dimensions = array<i32: 0>} : vector<128x128xi32>
    %iota3A_0 = tpu.iota {dimensions = array<i32: 1>} : vector<128x128xi32>
    %mul3A = arith.constant 128 : i32
    %mul3A_1 = vector.broadcast %mul3A : i32 to vector<128x128xi32>
    %mul3A_2 = arith.muli %iota3A, %mul3A_1 : vector<128x128xi32>
    %add3A = arith.addi %mul3A_2, %iota3A_0 : vector<128x128xi32>
    %convert_element_type3A = arith.sitofp %add3A : vector<128x128xi32> to vector<128x128xf32>
    %mul3A_3 = arith.constant 6.71427697E-4 : f32
    %mul3A_4 = vector.broadcast %mul3A_3 : f32 to vector<128x128xf32>
    %mul3A_5 = arith.mulf %convert_element_type3A, %mul3A_4 : vector<128x128xf32>
    %sub3A = arith.constant 1.000000e+00 : f32
    %sub3A_6 = vector.broadcast %sub3A : f32 to vector<128x128xf32>
    %sub3A_7 = arith.subf %mul3A_5, %sub3A_6 : vector<128x128xf32>
    %gt3A = arith.constant -1.000000e+00 : f32
    %gt3A_8 = vector.broadcast %gt3A : f32 to vector<128x128xf32>
    %gt3A_9 = arith.cmpf ogt, %sub3A_7, %gt3A_8 : vector<128x128xf32>
    %lt3A = arith.constant 1.000000e+00 : f32
    %lt3A_10 = vector.broadcast %lt3A : f32 to vector<128x128xf32>
    %lt3A_11 = arith.cmpf olt, %sub3A_7, %lt3A_10 : vector<128x128xf32>
    %and3A = arith.andi %gt3A_9, %lt3A_11 : vector<128x128xi1>
    %mul3A_12 = arith.mulf %sub3A_7, %sub3A_7 : vector<128x128xf32>
    %sub3A_13 = arith.constant 1.000000e+00 : f32
    %sub3A_14 = vector.broadcast %sub3A_13 : f32 to vector<128x128xf32>
    %sub3A_15 = arith.subf %sub3A_14, %mul3A_12 : vector<128x128xf32>
    %jit3A = arith.constant 1.000000e+00 : f32
    %broadcast_in_dim3A = vector.broadcast %jit3A : f32 to vector<128x128xf32>
    %select_n3A = arith.select %and3A, %sub3A_15, %broadcast_in_dim3A : vector<128x128xi1>, vector<128x128xf32>
    %div3A = arith.constant -2.000000e+00 : f32
    %div3A_16 = vector.broadcast %div3A : f32 to vector<128x128xf32>
    %div3A_17 = arith.divf %div3A_16, %select_n3A : vector<128x128xf32>
    %exp3A = math.exp %div3A_17 : vector<128x128xf32>
    %mul3A_18 = arith.constant 8.43357276 : f32
    %mul3A_19 = vector.broadcast %mul3A_18 : f32 to vector<128x128xf32>
    %mul3A_20 = arith.mulf %mul3A_19, %exp3A : vector<128x128xf32>
    %jit3A_21 = arith.constant 0.000000e+00 : f32
    %broadcast_in_dim3A_22 = vector.broadcast %jit3A_21 : f32 to vector<128x128xf32>
    %select_n3A_23 = arith.select %and3A, %mul3A_20, %broadcast_in_dim3A_22 : vector<128x128xi1>, vector<128x128xf32>
    %sub3A_24 = arith.constant 2.000000e+00 : f32
    %sub3A_25 = vector.broadcast %sub3A_24 : f32 to vector<128x128xf32>
    %sub3A_26 = arith.subf %mul3A_5, %sub3A_25 : vector<128x128xf32>
    %gt3A_27 = arith.constant -1.000000e+00 : f32
    %gt3A_28 = vector.broadcast %gt3A_27 : f32 to vector<128x128xf32>
    %gt3A_29 = arith.cmpf ogt, %sub3A_26, %gt3A_28 : vector<128x128xf32>
    %lt3A_30 = arith.constant 1.000000e+00 : f32
    %lt3A_31 = vector.broadcast %lt3A_30 : f32 to vector<128x128xf32>
    %lt3A_32 = arith.cmpf olt, %sub3A_26, %lt3A_31 : vector<128x128xf32>
    %and3A_33 = arith.andi %gt3A_29, %lt3A_32 : vector<128x128xi1>
    %mul3A_34 = arith.mulf %sub3A_26, %sub3A_26 : vector<128x128xf32>
    %sub3A_35 = arith.constant 1.000000e+00 : f32
    %sub3A_36 = vector.broadcast %sub3A_35 : f32 to vector<128x128xf32>
    %sub3A_37 = arith.subf %sub3A_36, %mul3A_34 : vector<128x128xf32>
    %jit3A_38 = arith.constant 1.000000e+00 : f32
    %broadcast_in_dim3A_39 = vector.broadcast %jit3A_38 : f32 to vector<128x128xf32>
    %select_n3A_40 = arith.select %and3A_33, %sub3A_37, %broadcast_in_dim3A_39 : vector<128x128xi1>, vector<128x128xf32>
    %div3A_41 = arith.constant -2.000000e+00 : f32
    %div3A_42 = vector.broadcast %div3A_41 : f32 to vector<128x128xf32>
    %div3A_43 = arith.divf %div3A_42, %select_n3A_40 : vector<128x128xf32>
    %exp3A_44 = math.exp %div3A_43 : vector<128x128xf32>
    %mul3A_45 = arith.constant 8.43357276 : f32
    %mul3A_46 = vector.broadcast %mul3A_45 : f32 to vector<128x128xf32>
    %mul3A_47 = arith.mulf %mul3A_46, %exp3A_44 : vector<128x128xf32>
    %jit3A_48 = arith.constant 0.000000e+00 : f32
    %broadcast_in_dim3A_49 = vector.broadcast %jit3A_48 : f32 to vector<128x128xf32>
    %select_n3A_50 = arith.select %and3A_33, %mul3A_47, %broadcast_in_dim3A_49 : vector<128x128xi1>, vector<128x128xf32>
    %sub3A_51 = arith.constant 3.000000e+00 : f32
    %sub3A_52 = vector.broadcast %sub3A_51 : f32 to vector<128x128xf32>
    %sub3A_53 = arith.subf %mul3A_5, %sub3A_52 : vector<128x128xf32>
    %gt3A_54 = arith.constant -1.000000e+00 : f32
    %gt3A_55 = vector.broadcast %gt3A_54 : f32 to vector<128x128xf32>
    %gt3A_56 = arith.cmpf ogt, %sub3A_53, %gt3A_55 : vector<128x128xf32>
    %lt3A_57 = arith.constant 1.000000e+00 : f32
    %lt3A_58 = vector.broadcast %lt3A_57 : f32 to vector<128x128xf32>
    %lt3A_59 = arith.cmpf olt, %sub3A_53, %lt3A_58 : vector<128x128xf32>
    %and3A_60 = arith.andi %gt3A_56, %lt3A_59 : vector<128x128xi1>
    %mul3A_61 = arith.mulf %sub3A_53, %sub3A_53 : vector<128x128xf32>
    %sub3A_62 = arith.constant 1.000000e+00 : f32
    %sub3A_63 = vector.broadcast %sub3A_62 : f32 to vector<128x128xf32>
    %sub3A_64 = arith.subf %sub3A_63, %mul3A_61 : vector<128x128xf32>
    %jit3A_65 = arith.constant 1.000000e+00 : f32
    %broadcast_in_dim3A_66 = vector.broadcast %jit3A_65 : f32 to vector<128x128xf32>
    %select_n3A_67 = arith.select %and3A_60, %sub3A_64, %broadcast_in_dim3A_66 : vector<128x128xi1>, vector<128x128xf32>
    %div3A_68 = arith.constant -2.000000e+00 : f32
    %div3A_69 = vector.broadcast %div3A_68 : f32 to vector<128x128xf32>
    %div3A_70 = arith.divf %div3A_69, %select_n3A_67 : vector<128x128xf32>
    %exp3A_71 = math.exp %div3A_70 : vector<128x128xf32>
    %mul3A_72 = arith.constant 8.43357276 : f32
    %mul3A_73 = vector.broadcast %mul3A_72 : f32 to vector<128x128xf32>
    %mul3A_74 = arith.mulf %mul3A_73, %exp3A_71 : vector<128x128xf32>
    %jit3A_75 = arith.constant 0.000000e+00 : f32
    %broadcast_in_dim3A_76 = vector.broadcast %jit3A_75 : f32 to vector<128x128xf32>
    %select_n3A_77 = arith.select %and3A_60, %mul3A_74, %broadcast_in_dim3A_76 : vector<128x128xi1>, vector<128x128xf32>
    %sub3A_78 = arith.constant 4.000000e+00 : f32
    %sub3A_79 = vector.broadcast %sub3A_78 : f32 to vector<128x128xf32>
    %sub3A_80 = arith.subf %mul3A_5, %sub3A_79 : vector<128x128xf32>
    %gt3A_81 = arith.constant -1.000000e+00 : f32
    %gt3A_82 = vector.broadcast %gt3A_81 : f32 to vector<128x128xf32>
    %gt3A_83 = arith.cmpf ogt, %sub3A_80, %gt3A_82 : vector<128x128xf32>
    %lt3A_84 = arith.constant 1.000000e+00 : f32
    %lt3A_85 = vector.broadcast %lt3A_84 : f32 to vector<128x128xf32>
    %lt3A_86 = arith.cmpf olt, %sub3A_80, %lt3A_85 : vector<128x128xf32>
    %and3A_87 = arith.andi %gt3A_83, %lt3A_86 : vector<128x128xi1>
    %mul3A_88 = arith.mulf %sub3A_80, %sub3A_80 : vector<128x128xf32>
    %sub3A_89 = arith.constant 1.000000e+00 : f32
    %sub3A_90 = vector.broadcast %sub3A_89 : f32 to vector<128x128xf32>
    %sub3A_91 = arith.subf %sub3A_90, %mul3A_88 : vector<128x128xf32>
    %jit3A_92 = arith.constant 1.000000e+00 : f32
    %broadcast_in_dim3A_93 = vector.broadcast %jit3A_92 : f32 to vector<128x128xf32>
    %select_n3A_94 = arith.select %and3A_87, %sub3A_91, %broadcast_in_dim3A_93 : vector<128x128xi1>, vector<128x128xf32>
    %div3A_95 = arith.constant -2.000000e+00 : f32
    %div3A_96 = vector.broadcast %div3A_95 : f32 to vector<128x128xf32>
    %div3A_97 = arith.divf %div3A_96, %select_n3A_94 : vector<128x128xf32>
    %exp3A_98 = math.exp %div3A_97 : vector<128x128xf32>
    %mul3A_99 = arith.constant 8.43357276 : f32
    %mul3A_100 = vector.broadcast %mul3A_99 : f32 to vector<128x128xf32>
    %mul3A_101 = arith.mulf %mul3A_100, %exp3A_98 : vector<128x128xf32>
    %jit3A_102 = arith.constant 0.000000e+00 : f32
    %broadcast_in_dim3A_103 = vector.broadcast %jit3A_102 : f32 to vector<128x128xf32>
    %select_n3A_104 = arith.select %and3A_87, %mul3A_101, %broadcast_in_dim3A_103 : vector<128x128xi1>, vector<128x128xf32>
    %sub3A_105 = arith.constant 5.000000e+00 : f32
    %sub3A_106 = vector.broadcast %sub3A_105 : f32 to vector<128x128xf32>
    %sub3A_107 = arith.subf %mul3A_5, %sub3A_106 : vector<128x128xf32>
    %gt3A_108 = arith.constant -1.000000e+00 : f32
    %gt3A_109 = vector.broadcast %gt3A_108 : f32 to vector<128x128xf32>
    %gt3A_110 = arith.cmpf ogt, %sub3A_107, %gt3A_109 : vector<128x128xf32>
    %lt3A_111 = arith.constant 1.000000e+00 : f32
    %lt3A_112 = vector.broadcast %lt3A_111 : f32 to vector<128x128xf32>
    %lt3A_113 = arith.cmpf olt, %sub3A_107, %lt3A_112 : vector<128x128xf32>
    %and3A_114 = arith.andi %gt3A_110, %lt3A_113 : vector<128x128xi1>
    %mul3A_115 = arith.mulf %sub3A_107, %sub3A_107 : vector<128x128xf32>
    %sub3A_116 = arith.constant 1.000000e+00 : f32
    %sub3A_117 = vector.broadcast %sub3A_116 : f32 to vector<128x128xf32>
    %sub3A_118 = arith.subf %sub3A_117, %mul3A_115 : vector<128x128xf32>
    %jit3A_119 = arith.constant 1.000000e+00 : f32
    %broadcast_in_dim3A_120 = vector.broadcast %jit3A_119 : f32 to vector<128x128xf32>
    %select_n3A_121 = arith.select %and3A_114, %sub3A_118, %broadcast_in_dim3A_120 : vector<128x128xi1>, vector<128x128xf32>
    %div3A_122 = arith.constant -2.000000e+00 : f32
    %div3A_123 = vector.broadcast %div3A_122 : f32 to vector<128x128xf32>
    %div3A_124 = arith.divf %div3A_123, %select_n3A_121 : vector<128x128xf32>
    %exp3A_125 = math.exp %div3A_124 : vector<128x128xf32>
    %mul3A_126 = arith.constant 8.43357276 : f32
    %mul3A_127 = vector.broadcast %mul3A_126 : f32 to vector<128x128xf32>
    %mul3A_128 = arith.mulf %mul3A_127, %exp3A_125 : vector<128x128xf32>
    %jit3A_129 = arith.constant 0.000000e+00 : f32
    %broadcast_in_dim3A_130 = vector.broadcast %jit3A_129 : f32 to vector<128x128xf32>
    %select_n3A_131 = arith.select %and3A_114, %mul3A_128, %broadcast_in_dim3A_130 : vector<128x128xi1>, vector<128x128xf32>
    %sub3A_132 = arith.constant 6.000000e+00 : f32
    %sub3A_133 = vector.broadcast %sub3A_132 : f32 to vector<128x128xf32>
    %sub3A_134 = arith.subf %mul3A_5, %sub3A_133 : vector<128x128xf32>
    %gt3A_135 = arith.constant -1.000000e+00 : f32
    %gt3A_136 = vector.broadcast %gt3A_135 : f32 to vector<128x128xf32>
    %gt3A_137 = arith.cmpf ogt, %sub3A_134, %gt3A_136 : vector<128x128xf32>
    %lt3A_138 = arith.constant 1.000000e+00 : f32
    %lt3A_139 = vector.broadcast %lt3A_138 : f32 to vector<128x128xf32>
    %lt3A_140 = arith.cmpf olt, %sub3A_134, %lt3A_139 : vector<128x128xf32>
    %and3A_141 = arith.andi %gt3A_137, %lt3A_140 : vector<128x128xi1>
    %mul3A_142 = arith.mulf %sub3A_134, %sub3A_134 : vector<128x128xf32>
    %sub3A_143 = arith.constant 1.000000e+00 : f32
    %sub3A_144 = vector.broadcast %sub3A_143 : f32 to vector<128x128xf32>
    %sub3A_145 = arith.subf %sub3A_144, %mul3A_142 : vector<128x128xf32>
    %jit3A_146 = arith.constant 1.000000e+00 : f32
    %broadcast_in_dim3A_147 = vector.broadcast %jit3A_146 : f32 to vector<128x128xf32>
    %select_n3A_148 = arith.select %and3A_141, %sub3A_145, %broadcast_in_dim3A_147 : vector<128x128xi1>, vector<128x128xf32>
    %div3A_149 = arith.constant -2.000000e+00 : f32
    %div3A_150 = vector.broadcast %div3A_149 : f32 to vector<128x128xf32>
    %div3A_151 = arith.divf %div3A_150, %select_n3A_148 : vector<128x128xf32>
    %exp3A_152 = math.exp %div3A_151 : vector<128x128xf32>
    %mul3A_153 = arith.constant 8.43357276 : f32
    %mul3A_154 = vector.broadcast %mul3A_153 : f32 to vector<128x128xf32>
    %mul3A_155 = arith.mulf %mul3A_154, %exp3A_152 : vector<128x128xf32>
    %jit3A_156 = arith.constant 0.000000e+00 : f32
    %broadcast_in_dim3A_157 = vector.broadcast %jit3A_156 : f32 to vector<128x128xf32>
    %select_n3A_158 = arith.select %and3A_141, %mul3A_155, %broadcast_in_dim3A_157 : vector<128x128xi1>, vector<128x128xf32>
    %sub3A_159 = arith.constant 7.000000e+00 : f32
    %sub3A_160 = vector.broadcast %sub3A_159 : f32 to vector<128x128xf32>
    %sub3A_161 = arith.subf %mul3A_5, %sub3A_160 : vector<128x128xf32>
    %gt3A_162 = arith.constant -1.000000e+00 : f32
    %gt3A_163 = vector.broadcast %gt3A_162 : f32 to vector<128x128xf32>
    %gt3A_164 = arith.cmpf ogt, %sub3A_161, %gt3A_163 : vector<128x128xf32>
    %lt3A_165 = arith.constant 1.000000e+00 : f32
    %lt3A_166 = vector.broadcast %lt3A_165 : f32 to vector<128x128xf32>
    %lt3A_167 = arith.cmpf olt, %sub3A_161, %lt3A_166 : vector<128x128xf32>
    %and3A_168 = arith.andi %gt3A_164, %lt3A_167 : vector<128x128xi1>
    %mul3A_169 = arith.mulf %sub3A_161, %sub3A_161 : vector<128x128xf32>
    %sub3A_170 = arith.constant 1.000000e+00 : f32
    %sub3A_171 = vector.broadcast %sub3A_170 : f32 to vector<128x128xf32>
    %sub3A_172 = arith.subf %sub3A_171, %mul3A_169 : vector<128x128xf32>
    %jit3A_173 = arith.constant 1.000000e+00 : f32
    %broadcast_in_dim3A_174 = vector.broadcast %jit3A_173 : f32 to vector<128x128xf32>
    %select_n3A_175 = arith.select %and3A_168, %sub3A_172, %broadcast_in_dim3A_174 : vector<128x128xi1>, vector<128x128xf32>
    %div3A_176 = arith.constant -2.000000e+00 : f32
    %div3A_177 = vector.broadcast %div3A_176 : f32 to vector<128x128xf32>
    %div3A_178 = arith.divf %div3A_177, %select_n3A_175 : vector<128x128xf32>
    %exp3A_179 = math.exp %div3A_178 : vector<128x128xf32>
    %mul3A_180 = arith.constant 8.43357276 : f32
    %mul3A_181 = vector.broadcast %mul3A_180 : f32 to vector<128x128xf32>
    %mul3A_182 = arith.mulf %mul3A_181, %exp3A_179 : vector<128x128xf32>
    %jit3A_183 = arith.constant 0.000000e+00 : f32
    %broadcast_in_dim3A_184 = vector.broadcast %jit3A_183 : f32 to vector<128x128xf32>
    %select_n3A_185 = arith.select %and3A_168, %mul3A_182, %broadcast_in_dim3A_184 : vector<128x128xi1>, vector<128x128xf32>
    %sub3A_186 = arith.constant 8.000000e+00 : f32
    %sub3A_187 = vector.broadcast %sub3A_186 : f32 to vector<128x128xf32>
    %sub3A_188 = arith.subf %mul3A_5, %sub3A_187 : vector<128x128xf32>
    %gt3A_189 = arith.constant -1.000000e+00 : f32
    %gt3A_190 = vector.broadcast %gt3A_189 : f32 to vector<128x128xf32>
    %gt3A_191 = arith.cmpf ogt, %sub3A_188, %gt3A_190 : vector<128x128xf32>
    %lt3A_192 = arith.constant 1.000000e+00 : f32
    %lt3A_193 = vector.broadcast %lt3A_192 : f32 to vector<128x128xf32>
    %lt3A_194 = arith.cmpf olt, %sub3A_188, %lt3A_193 : vector<128x128xf32>
    %and3A_195 = arith.andi %gt3A_191, %lt3A_194 : vector<128x128xi1>
    %mul3A_196 = arith.mulf %sub3A_188, %sub3A_188 : vector<128x128xf32>
    %sub3A_197 = arith.constant 1.000000e+00 : f32
    %sub3A_198 = vector.broadcast %sub3A_197 : f32 to vector<128x128xf32>
    %sub3A_199 = arith.subf %sub3A_198, %mul3A_196 : vector<128x128xf32>
    %jit3A_200 = arith.constant 1.000000e+00 : f32
    %broadcast_in_dim3A_201 = vector.broadcast %jit3A_200 : f32 to vector<128x128xf32>
    %select_n3A_202 = arith.select %and3A_195, %sub3A_199, %broadcast_in_dim3A_201 : vector<128x128xi1>, vector<128x128xf32>
    %div3A_203 = arith.constant -2.000000e+00 : f32
    %div3A_204 = vector.broadcast %div3A_203 : f32 to vector<128x128xf32>
    %div3A_205 = arith.divf %div3A_204, %select_n3A_202 : vector<128x128xf32>
    %exp3A_206 = math.exp %div3A_205 : vector<128x128xf32>
    %mul3A_207 = arith.constant 8.43357276 : f32
    %mul3A_208 = vector.broadcast %mul3A_207 : f32 to vector<128x128xf32>
    %mul3A_209 = arith.mulf %mul3A_208, %exp3A_206 : vector<128x128xf32>
    %jit3A_210 = arith.constant 0.000000e+00 : f32
    %broadcast_in_dim3A_211 = vector.broadcast %jit3A_210 : f32 to vector<128x128xf32>
    %select_n3A_212 = arith.select %and3A_195, %mul3A_209, %broadcast_in_dim3A_211 : vector<128x128xi1>, vector<128x128xf32>
    %sub3A_213 = arith.constant 9.000000e+00 : f32
    %sub3A_214 = vector.broadcast %sub3A_213 : f32 to vector<128x128xf32>
    %sub3A_215 = arith.subf %mul3A_5, %sub3A_214 : vector<128x128xf32>
    %gt3A_216 = arith.constant -1.000000e+00 : f32
    %gt3A_217 = vector.broadcast %gt3A_216 : f32 to vector<128x128xf32>
    %gt3A_218 = arith.cmpf ogt, %sub3A_215, %gt3A_217 : vector<128x128xf32>
    %lt3A_219 = arith.constant 1.000000e+00 : f32
    %lt3A_220 = vector.broadcast %lt3A_219 : f32 to vector<128x128xf32>
    %lt3A_221 = arith.cmpf olt, %sub3A_215, %lt3A_220 : vector<128x128xf32>
    %and3A_222 = arith.andi %gt3A_218, %lt3A_221 : vector<128x128xi1>
    %mul3A_223 = arith.mulf %sub3A_215, %sub3A_215 : vector<128x128xf32>
    %sub3A_224 = arith.constant 1.000000e+00 : f32
    %sub3A_225 = vector.broadcast %sub3A_224 : f32 to vector<128x128xf32>
    %sub3A_226 = arith.subf %sub3A_225, %mul3A_223 : vector<128x128xf32>
    %jit3A_227 = arith.constant 1.000000e+00 : f32
    %broadcast_in_dim3A_228 = vector.broadcast %jit3A_227 : f32 to vector<128x128xf32>
    %select_n3A_229 = arith.select %and3A_222, %sub3A_226, %broadcast_in_dim3A_228 : vector<128x128xi1>, vector<128x128xf32>
    %div3A_230 = arith.constant -2.000000e+00 : f32
    %div3A_231 = vector.broadcast %div3A_230 : f32 to vector<128x128xf32>
    %div3A_232 = arith.divf %div3A_231, %select_n3A_229 : vector<128x128xf32>
    %exp3A_233 = math.exp %div3A_232 : vector<128x128xf32>
    %mul3A_234 = arith.constant 8.43357276 : f32
    %mul3A_235 = vector.broadcast %mul3A_234 : f32 to vector<128x128xf32>
    %mul3A_236 = arith.mulf %mul3A_235, %exp3A_233 : vector<128x128xf32>
    %jit3A_237 = arith.constant 0.000000e+00 : f32
    %broadcast_in_dim3A_238 = vector.broadcast %jit3A_237 : f32 to vector<128x128xf32>
    %select_n3A_239 = arith.select %and3A_222, %mul3A_236, %broadcast_in_dim3A_238 : vector<128x128xi1>, vector<128x128xf32>
    %sub3A_240 = arith.constant 1.000000e+01 : f32
    %sub3A_241 = vector.broadcast %sub3A_240 : f32 to vector<128x128xf32>
    %sub3A_242 = arith.subf %mul3A_5, %sub3A_241 : vector<128x128xf32>
    %gt3A_243 = arith.constant -1.000000e+00 : f32
    %gt3A_244 = vector.broadcast %gt3A_243 : f32 to vector<128x128xf32>
    %gt3A_245 = arith.cmpf ogt, %sub3A_242, %gt3A_244 : vector<128x128xf32>
    %lt3A_246 = arith.constant 1.000000e+00 : f32
    %lt3A_247 = vector.broadcast %lt3A_246 : f32 to vector<128x128xf32>
    %lt3A_248 = arith.cmpf olt, %sub3A_242, %lt3A_247 : vector<128x128xf32>
    %and3A_249 = arith.andi %gt3A_245, %lt3A_248 : vector<128x128xi1>
    %mul3A_250 = arith.mulf %sub3A_242, %sub3A_242 : vector<128x128xf32>
    %sub3A_251 = arith.constant 1.000000e+00 : f32
    %sub3A_252 = vector.broadcast %sub3A_251 : f32 to vector<128x128xf32>
    %sub3A_253 = arith.subf %sub3A_252, %mul3A_250 : vector<128x128xf32>
    %jit3A_254 = arith.constant 1.000000e+00 : f32
    %broadcast_in_dim3A_255 = vector.broadcast %jit3A_254 : f32 to vector<128x128xf32>
    %select_n3A_256 = arith.select %and3A_249, %sub3A_253, %broadcast_in_dim3A_255 : vector<128x128xi1>, vector<128x128xf32>
    %div3A_257 = arith.constant -2.000000e+00 : f32
    %div3A_258 = vector.broadcast %div3A_257 : f32 to vector<128x128xf32>
    %div3A_259 = arith.divf %div3A_258, %select_n3A_256 : vector<128x128xf32>
    %exp3A_260 = math.exp %div3A_259 : vector<128x128xf32>
    %mul3A_261 = arith.constant 8.43357276 : f32
    %mul3A_262 = vector.broadcast %mul3A_261 : f32 to vector<128x128xf32>
    %mul3A_263 = arith.mulf %mul3A_262, %exp3A_260 : vector<128x128xf32>
    %jit3A_264 = arith.constant 0.000000e+00 : f32
    %broadcast_in_dim3A_265 = vector.broadcast %jit3A_264 : f32 to vector<128x128xf32>
    %select_n3A_266 = arith.select %and3A_249, %mul3A_263, %broadcast_in_dim3A_265 : vector<128x128xi1>, vector<128x128xf32>
    %get3A = arith.constant 0 : index
    %get3A_267 = memref.load %arg0[%get3A] : memref<160xf32, #tpu.memory_space<smem>>
    %mul3A_268 = vector.broadcast %get3A_267 : f32 to vector<128x128xf32>
    %mul3A_269 = arith.mulf %select_n3A_23, %mul3A_268 : vector<128x128xf32>
    %get3A_270 = arith.constant 16 : index
    %get3A_271 = memref.load %arg0[%get3A_270] : memref<160xf32, #tpu.memory_space<smem>>
    %mul3A_272 = vector.broadcast %get3A_271 : f32 to vector<128x128xf32>
    %mul3A_273 = arith.mulf %select_n3A_50, %mul3A_272 : vector<128x128xf32>
    %add3A_274 = arith.addf %mul3A_269, %mul3A_273 : vector<128x128xf32>
    %get3A_275 = arith.constant 32 : index
    %get3A_276 = memref.load %arg0[%get3A_275] : memref<160xf32, #tpu.memory_space<smem>>
    %mul3A_277 = vector.broadcast %get3A_276 : f32 to vector<128x128xf32>
    %mul3A_278 = arith.mulf %select_n3A_77, %mul3A_277 : vector<128x128xf32>
    %add3A_279 = arith.addf %add3A_274, %mul3A_278 : vector<128x128xf32>
    %get3A_280 = arith.constant 48 : index
    %get3A_281 = memref.load %arg0[%get3A_280] : memref<160xf32, #tpu.memory_space<smem>>
    %mul3A_282 = vector.broadcast %get3A_281 : f32 to vector<128x128xf32>
    %mul3A_283 = arith.mulf %select_n3A_104, %mul3A_282 : vector<128x128xf32>
    %add3A_284 = arith.addf %add3A_279, %mul3A_283 : vector<128x128xf32>
    %get3A_285 = arith.constant 64 : index
    %get3A_286 = memref.load %arg0[%get3A_285] : memref<160xf32, #tpu.memory_space<smem>>
    %mul3A_287 = vector.broadcast %get3A_286 : f32 to vector<128x128xf32>
    %mul3A_288 = arith.mulf %select_n3A_131, %mul3A_287 : vector<128x128xf32>
    %add3A_289 = arith.addf %add3A_284, %mul3A_288 : vector<128x128xf32>
    %get3A_290 = arith.constant 80 : index
    %get3A_291 = memref.load %arg0[%get3A_290] : memref<160xf32, #tpu.memory_space<smem>>
    %mul3A_292 = vector.broadcast %get3A_291 : f32 to vector<128x128xf32>
    %mul3A_293 = arith.mulf %select_n3A_158, %mul3A_292 : vector<128x128xf32>
    %add3A_294 = arith.addf %add3A_289, %mul3A_293 : vector<128x128xf32>
    %get3A_295 = arith.constant 96 : index
    %get3A_296 = memref.load %arg0[%get3A_295] : memref<160xf32, #tpu.memory_space<smem>>
    %mul3A_297 = vector.broadcast %get3A_296 : f32 to vector<128x128xf32>
    %mul3A_298 = arith.mulf %select_n3A_185, %mul3A_297 : vector<128x128xf32>
    %add3A_299 = arith.addf %add3A_294, %mul3A_298 : vector<128x128xf32>
    %get3A_300 = arith.constant 112 : index
    %get3A_301 = memref.load %arg0[%get3A_300] : memref<160xf32, #tpu.memory_space<smem>>
    %mul3A_302 = vector.broadcast %get3A_301 : f32 to vector<128x128xf32>
    %mul3A_303 = arith.mulf %select_n3A_212, %mul3A_302 : vector<128x128xf32>
    %add3A_304 = arith.addf %add3A_299, %mul3A_303 : vector<128x128xf32>
    %get3A_305 = arith.constant 128 : index
    %get3A_306 = memref.load %arg0[%get3A_305] : memref<160xf32, #tpu.memory_space<smem>>
    %mul3A_307 = vector.broadcast %get3A_306 : f32 to vector<128x128xf32>
    %mul3A_308 = arith.mulf %select_n3A_239, %mul3A_307 : vector<128x128xf32>
    %add3A_309 = arith.addf %add3A_304, %mul3A_308 : vector<128x128xf32>
    %get3A_310 = arith.constant 144 : index
    %get3A_311 = memref.load %arg0[%get3A_310] : memref<160xf32, #tpu.memory_space<smem>>
    %mul3A_312 = vector.broadcast %get3A_311 : f32 to vector<128x128xf32>
    %mul3A_313 = arith.mulf %select_n3A_266, %mul3A_312 : vector<128x128xf32>
    %add3A_314 = arith.addf %add3A_309, %mul3A_313 : vector<128x128xf32>
    %max3A = arith.constant 0.000000e+00 : f32
    %max3A_315 = vector.broadcast %max3A : f32 to vector<128x128xf32>
    %max3A_316 = arith.maximumf %add3A_314, %max3A_315 : vector<128x128xf32>
    %get3A_317 = arith.constant 1 : index
    %get3A_318 = memref.load %arg0[%get3A_317] : memref<160xf32, #tpu.memory_space<smem>>
    %mul3A_319 = vector.broadcast %get3A_318 : f32 to vector<128x128xf32>
    %mul3A_320 = arith.mulf %select_n3A_23, %mul3A_319 : vector<128x128xf32>
    %get3A_321 = arith.constant 17 : index
    %get3A_322 = memref.load %arg0[%get3A_321] : memref<160xf32, #tpu.memory_space<smem>>
    %mul3A_323 = vector.broadcast %get3A_322 : f32 to vector<128x128xf32>
    %mul3A_324 = arith.mulf %select_n3A_50, %mul3A_323 : vector<128x128xf32>
    %add3A_325 = arith.addf %mul3A_320, %mul3A_324 : vector<128x128xf32>
    %get3A_326 = arith.constant 33 : index
    %get3A_327 = memref.load %arg0[%get3A_326] : memref<160xf32, #tpu.memory_space<smem>>
    %mul3A_328 = vector.broadcast %get3A_327 : f32 to vector<128x128xf32>
    %mul3A_329 = arith.mulf %select_n3A_77, %mul3A_328 : vector<128x128xf32>
    %add3A_330 = arith.addf %add3A_325, %mul3A_329 : vector<128x128xf32>
    %get3A_331 = arith.constant 49 : index
    %get3A_332 = memref.load %arg0[%get3A_331] : memref<160xf32, #tpu.memory_space<smem>>
    %mul3A_333 = vector.broadcast %get3A_332 : f32 to vector<128x128xf32>
    %mul3A_334 = arith.mulf %select_n3A_104, %mul3A_333 : vector<128x128xf32>
    %add3A_335 = arith.addf %add3A_330, %mul3A_334 : vector<128x128xf32>
    %get3A_336 = arith.constant 65 : index
    %get3A_337 = memref.load %arg0[%get3A_336] : memref<160xf32, #tpu.memory_space<smem>>
    %mul3A_338 = vector.broadcast %get3A_337 : f32 to vector<128x128xf32>
    %mul3A_339 = arith.mulf %select_n3A_131, %mul3A_338 : vector<128x128xf32>
    %add3A_340 = arith.addf %add3A_335, %mul3A_339 : vector<128x128xf32>
    %get3A_341 = arith.constant 81 : index
    %get3A_342 = memref.load %arg0[%get3A_341] : memref<160xf32, #tpu.memory_space<smem>>
    %mul3A_343 = vector.broadcast %get3A_342 : f32 to vector<128x128xf32>
    %mul3A_344 = arith.mulf %select_n3A_158, %mul3A_343 : vector<128x128xf32>
    %add3A_345 = arith.addf %add3A_340, %mul3A_344 : vector<128x128xf32>
    %get3A_346 = arith.constant 97 : index
    %get3A_347 = memref.load %arg0[%get3A_346] : memref<160xf32, #tpu.memory_space<smem>>
    %mul3A_348 = vector.broadcast %get3A_347 : f32 to vector<128x128xf32>
    %mul3A_349 = arith.mulf %select_n3A_185, %mul3A_348 : vector<128x128xf32>
    %add3A_350 = arith.addf %add3A_345, %mul3A_349 : vector<128x128xf32>
    %get3A_351 = arith.constant 113 : index
    %get3A_352 = memref.load %arg0[%get3A_351] : memref<160xf32, #tpu.memory_space<smem>>
    %mul3A_353 = vector.broadcast %get3A_352 : f32 to vector<128x128xf32>
    %mul3A_354 = arith.mulf %select_n3A_212, %mul3A_353 : vector<128x128xf32>
    %add3A_355 = arith.addf %add3A_350, %mul3A_354 : vector<128x128xf32>
    %get3A_356 = arith.constant 129 : index
    %get3A_357 = memref.load %arg0[%get3A_356] : memref<160xf32, #tpu.memory_space<smem>>
    %mul3A_358 = vector.broadcast %get3A_357 : f32 to vector<128x128xf32>
    %mul3A_359 = arith.mulf %select_n3A_239, %mul3A_358 : vector<128x128xf32>
    %add3A_360 = arith.addf %add3A_355, %mul3A_359 : vector<128x128xf32>
    %get3A_361 = arith.constant 145 : index
    %get3A_362 = memref.load %arg0[%get3A_361] : memref<160xf32, #tpu.memory_space<smem>>
    %mul3A_363 = vector.broadcast %get3A_362 : f32 to vector<128x128xf32>
    %mul3A_364 = arith.mulf %select_n3A_266, %mul3A_363 : vector<128x128xf32>
    %add3A_365 = arith.addf %add3A_360, %mul3A_364 : vector<128x128xf32>
    %max3A_366 = arith.constant 0.000000e+00 : f32
    %max3A_367 = vector.broadcast %max3A_366 : f32 to vector<128x128xf32>
    %max3A_368 = arith.maximumf %add3A_365, %max3A_367 : vector<128x128xf32>
    %get3A_369 = arith.constant 2 : index
    %get3A_370 = memref.load %arg0[%get3A_369] : memref<160xf32, #tpu.memory_space<smem>>
    %mul3A_371 = vector.broadcast %get3A_370 : f32 to vector<128x128xf32>
    %mul3A_372 = arith.mulf %select_n3A_23, %mul3A_371 : vector<128x128xf32>
    %get3A_373 = arith.constant 18 : index
    %get3A_374 = memref.load %arg0[%get3A_373] : memref<160xf32, #tpu.memory_space<smem>>
    %mul3A_375 = vector.broadcast %get3A_374 : f32 to vector<128x128xf32>
    %mul3A_376 = arith.mulf %select_n3A_50, %mul3A_375 : vector<128x128xf32>
    %add3A_377 = arith.addf %mul3A_372, %mul3A_376 : vector<128x128xf32>
    %get3A_378 = arith.constant 34 : index
    %get3A_379 = memref.load %arg0[%get3A_378] : memref<160xf32, #tpu.memory_space<smem>>
    %mul3A_380 = vector.broadcast %get3A_379 : f32 to vector<128x128xf32>
    %mul3A_381 = arith.mulf %select_n3A_77, %mul3A_380 : vector<128x128xf32>
    %add3A_382 = arith.addf %add3A_377, %mul3A_381 : vector<128x128xf32>
    %get3A_383 = arith.constant 50 : index
    %get3A_384 = memref.load %arg0[%get3A_383] : memref<160xf32, #tpu.memory_space<smem>>
    %mul3A_385 = vector.broadcast %get3A_384 : f32 to vector<128x128xf32>
    %mul3A_386 = arith.mulf %select_n3A_104, %mul3A_385 : vector<128x128xf32>
    %add3A_387 = arith.addf %add3A_382, %mul3A_386 : vector<128x128xf32>
    %get3A_388 = arith.constant 66 : index
    %get3A_389 = memref.load %arg0[%get3A_388] : memref<160xf32, #tpu.memory_space<smem>>
    %mul3A_390 = vector.broadcast %get3A_389 : f32 to vector<128x128xf32>
    %mul3A_391 = arith.mulf %select_n3A_131, %mul3A_390 : vector<128x128xf32>
    %add3A_392 = arith.addf %add3A_387, %mul3A_391 : vector<128x128xf32>
    %get3A_393 = arith.constant 82 : index
    %get3A_394 = memref.load %arg0[%get3A_393] : memref<160xf32, #tpu.memory_space<smem>>
    %mul3A_395 = vector.broadcast %get3A_394 : f32 to vector<128x128xf32>
    %mul3A_396 = arith.mulf %select_n3A_158, %mul3A_395 : vector<128x128xf32>
    %add3A_397 = arith.addf %add3A_392, %mul3A_396 : vector<128x128xf32>
    %get3A_398 = arith.constant 98 : index
    %get3A_399 = memref.load %arg0[%get3A_398] : memref<160xf32, #tpu.memory_space<smem>>
    %mul3A_400 = vector.broadcast %get3A_399 : f32 to vector<128x128xf32>
    %mul3A_401 = arith.mulf %select_n3A_185, %mul3A_400 : vector<128x128xf32>
    %add3A_402 = arith.addf %add3A_397, %mul3A_401 : vector<128x128xf32>
    %get3A_403 = arith.constant 114 : index
    %get3A_404 = memref.load %arg0[%get3A_403] : memref<160xf32, #tpu.memory_space<smem>>
    %mul3A_405 = vector.broadcast %get3A_404 : f32 to vector<128x128xf32>
    %mul3A_406 = arith.mulf %select_n3A_212, %mul3A_405 : vector<128x128xf32>
    %add3A_407 = arith.addf %add3A_402, %mul3A_406 : vector<128x128xf32>
    %get3A_408 = arith.constant 130 : index
    %get3A_409 = memref.load %arg0[%get3A_408] : memref<160xf32, #tpu.memory_space<smem>>
    %mul3A_410 = vector.broadcast %get3A_409 : f32 to vector<128x128xf32>
    %mul3A_411 = arith.mulf %select_n3A_239, %mul3A_410 : vector<128x128xf32>
    %add3A_412 = arith.addf %add3A_407, %mul3A_411 : vector<128x128xf32>
    %get3A_413 = arith.constant 146 : index
    %get3A_414 = memref.load %arg0[%get3A_413] : memref<160xf32, #tpu.memory_space<smem>>
    %mul3A_415 = vector.broadcast %get3A_414 : f32 to vector<128x128xf32>
    %mul3A_416 = arith.mulf %select_n3A_266, %mul3A_415 : vector<128x128xf32>
    %add3A_417 = arith.addf %add3A_412, %mul3A_416 : vector<128x128xf32>
    %max3A_418 = arith.constant 0.000000e+00 : f32
    %max3A_419 = vector.broadcast %max3A_418 : f32 to vector<128x128xf32>
    %max3A_420 = arith.maximumf %add3A_417, %max3A_419 : vector<128x128xf32>
    %get3A_421 = arith.constant 3 : index
    %get3A_422 = memref.load %arg0[%get3A_421] : memref<160xf32, #tpu.memory_space<smem>>
    %mul3A_423 = vector.broadcast %get3A_422 : f32 to vector<128x128xf32>
    %mul3A_424 = arith.mulf %select_n3A_23, %mul3A_423 : vector<128x128xf32>
    %get3A_425 = arith.constant 19 : index
    %get3A_426 = memref.load %arg0[%get3A_425] : memref<160xf32, #tpu.memory_space<smem>>
    %mul3A_427 = vector.broadcast %get3A_426 : f32 to vector<128x128xf32>
    %mul3A_428 = arith.mulf %select_n3A_50, %mul3A_427 : vector<128x128xf32>
    %add3A_429 = arith.addf %mul3A_424, %mul3A_428 : vector<128x128xf32>
    %get3A_430 = arith.constant 35 : index
    %get3A_431 = memref.load %arg0[%get3A_430] : memref<160xf32, #tpu.memory_space<smem>>
    %mul3A_432 = vector.broadcast %get3A_431 : f32 to vector<128x128xf32>
    %mul3A_433 = arith.mulf %select_n3A_77, %mul3A_432 : vector<128x128xf32>
    %add3A_434 = arith.addf %add3A_429, %mul3A_433 : vector<128x128xf32>
    %get3A_435 = arith.constant 51 : index
    %get3A_436 = memref.load %arg0[%get3A_435] : memref<160xf32, #tpu.memory_space<smem>>
    %mul3A_437 = vector.broadcast %get3A_436 : f32 to vector<128x128xf32>
    %mul3A_438 = arith.mulf %select_n3A_104, %mul3A_437 : vector<128x128xf32>
    %add3A_439 = arith.addf %add3A_434, %mul3A_438 : vector<128x128xf32>
    %get3A_440 = arith.constant 67 : index
    %get3A_441 = memref.load %arg0[%get3A_440] : memref<160xf32, #tpu.memory_space<smem>>
    %mul3A_442 = vector.broadcast %get3A_441 : f32 to vector<128x128xf32>
    %mul3A_443 = arith.mulf %select_n3A_131, %mul3A_442 : vector<128x128xf32>
    %add3A_444 = arith.addf %add3A_439, %mul3A_443 : vector<128x128xf32>
    %get3A_445 = arith.constant 83 : index
    %get3A_446 = memref.load %arg0[%get3A_445] : memref<160xf32, #tpu.memory_space<smem>>
    %mul3A_447 = vector.broadcast %get3A_446 : f32 to vector<128x128xf32>
    %mul3A_448 = arith.mulf %select_n3A_158, %mul3A_447 : vector<128x128xf32>
    %add3A_449 = arith.addf %add3A_444, %mul3A_448 : vector<128x128xf32>
    %get3A_450 = arith.constant 99 : index
    %get3A_451 = memref.load %arg0[%get3A_450] : memref<160xf32, #tpu.memory_space<smem>>
    %mul3A_452 = vector.broadcast %get3A_451 : f32 to vector<128x128xf32>
    %mul3A_453 = arith.mulf %select_n3A_185, %mul3A_452 : vector<128x128xf32>
    %add3A_454 = arith.addf %add3A_449, %mul3A_453 : vector<128x128xf32>
    %get3A_455 = arith.constant 115 : index
    %get3A_456 = memref.load %arg0[%get3A_455] : memref<160xf32, #tpu.memory_space<smem>>
    %mul3A_457 = vector.broadcast %get3A_456 : f32 to vector<128x128xf32>
    %mul3A_458 = arith.mulf %select_n3A_212, %mul3A_457 : vector<128x128xf32>
    %add3A_459 = arith.addf %add3A_454, %mul3A_458 : vector<128x128xf32>
    %get3A_460 = arith.constant 131 : index
    %get3A_461 = memref.load %arg0[%get3A_460] : memref<160xf32, #tpu.memory_space<smem>>
    %mul3A_462 = vector.broadcast %get3A_461 : f32 to vector<128x128xf32>
    %mul3A_463 = arith.mulf %select_n3A_239, %mul3A_462 : vector<128x128xf32>
    %add3A_464 = arith.addf %add3A_459, %mul3A_463 : vector<128x128xf32>
    %get3A_465 = arith.constant 147 : index
    %get3A_466 = memref.load %arg0[%get3A_465] : memref<160xf32, #tpu.memory_space<smem>>
    %mul3A_467 = vector.broadcast %get3A_466 : f32 to vector<128x128xf32>
    %mul3A_468 = arith.mulf %select_n3A_266, %mul3A_467 : vector<128x128xf32>
    %add3A_469 = arith.addf %add3A_464, %mul3A_468 : vector<128x128xf32>
    %max3A_470 = arith.constant 0.000000e+00 : f32
    %max3A_471 = vector.broadcast %max3A_470 : f32 to vector<128x128xf32>
    %max3A_472 = arith.maximumf %add3A_469, %max3A_471 : vector<128x128xf32>
    %get3A_473 = arith.constant 4 : index
    %get3A_474 = memref.load %arg0[%get3A_473] : memref<160xf32, #tpu.memory_space<smem>>
    %mul3A_475 = vector.broadcast %get3A_474 : f32 to vector<128x128xf32>
    %mul3A_476 = arith.mulf %select_n3A_23, %mul3A_475 : vector<128x128xf32>
    %get3A_477 = arith.constant 20 : index
    %get3A_478 = memref.load %arg0[%get3A_477] : memref<160xf32, #tpu.memory_space<smem>>
    %mul3A_479 = vector.broadcast %get3A_478 : f32 to vector<128x128xf32>
    %mul3A_480 = arith.mulf %select_n3A_50, %mul3A_479 : vector<128x128xf32>
    %add3A_481 = arith.addf %mul3A_476, %mul3A_480 : vector<128x128xf32>
    %get3A_482 = arith.constant 36 : index
    %get3A_483 = memref.load %arg0[%get3A_482] : memref<160xf32, #tpu.memory_space<smem>>
    %mul3A_484 = vector.broadcast %get3A_483 : f32 to vector<128x128xf32>
    %mul3A_485 = arith.mulf %select_n3A_77, %mul3A_484 : vector<128x128xf32>
    %add3A_486 = arith.addf %add3A_481, %mul3A_485 : vector<128x128xf32>
    %get3A_487 = arith.constant 52 : index
    %get3A_488 = memref.load %arg0[%get3A_487] : memref<160xf32, #tpu.memory_space<smem>>
    %mul3A_489 = vector.broadcast %get3A_488 : f32 to vector<128x128xf32>
    %mul3A_490 = arith.mulf %select_n3A_104, %mul3A_489 : vector<128x128xf32>
    %add3A_491 = arith.addf %add3A_486, %mul3A_490 : vector<128x128xf32>
    %get3A_492 = arith.constant 68 : index
    %get3A_493 = memref.load %arg0[%get3A_492] : memref<160xf32, #tpu.memory_space<smem>>
    %mul3A_494 = vector.broadcast %get3A_493 : f32 to vector<128x128xf32>
    %mul3A_495 = arith.mulf %select_n3A_131, %mul3A_494 : vector<128x128xf32>
    %add3A_496 = arith.addf %add3A_491, %mul3A_495 : vector<128x128xf32>
    %get3A_497 = arith.constant 84 : index
    %get3A_498 = memref.load %arg0[%get3A_497] : memref<160xf32, #tpu.memory_space<smem>>
    %mul3A_499 = vector.broadcast %get3A_498 : f32 to vector<128x128xf32>
    %mul3A_500 = arith.mulf %select_n3A_158, %mul3A_499 : vector<128x128xf32>
    %add3A_501 = arith.addf %add3A_496, %mul3A_500 : vector<128x128xf32>
    %get3A_502 = arith.constant 100 : index
    %get3A_503 = memref.load %arg0[%get3A_502] : memref<160xf32, #tpu.memory_space<smem>>
    %mul3A_504 = vector.broadcast %get3A_503 : f32 to vector<128x128xf32>
    %mul3A_505 = arith.mulf %select_n3A_185, %mul3A_504 : vector<128x128xf32>
    %add3A_506 = arith.addf %add3A_501, %mul3A_505 : vector<128x128xf32>
    %get3A_507 = arith.constant 116 : index
    %get3A_508 = memref.load %arg0[%get3A_507] : memref<160xf32, #tpu.memory_space<smem>>
    %mul3A_509 = vector.broadcast %get3A_508 : f32 to vector<128x128xf32>
    %mul3A_510 = arith.mulf %select_n3A_212, %mul3A_509 : vector<128x128xf32>
    %add3A_511 = arith.addf %add3A_506, %mul3A_510 : vector<128x128xf32>
    %get3A_512 = arith.constant 132 : index
    %get3A_513 = memref.load %arg0[%get3A_512] : memref<160xf32, #tpu.memory_space<smem>>
    %mul3A_514 = vector.broadcast %get3A_513 : f32 to vector<128x128xf32>
    %mul3A_515 = arith.mulf %select_n3A_239, %mul3A_514 : vector<128x128xf32>
    %add3A_516 = arith.addf %add3A_511, %mul3A_515 : vector<128x128xf32>
    %get3A_517 = arith.constant 148 : index
    %get3A_518 = memref.load %arg0[%get3A_517] : memref<160xf32, #tpu.memory_space<smem>>
    %mul3A_519 = vector.broadcast %get3A_518 : f32 to vector<128x128xf32>
    %mul3A_520 = arith.mulf %select_n3A_266, %mul3A_519 : vector<128x128xf32>
    %add3A_521 = arith.addf %add3A_516, %mul3A_520 : vector<128x128xf32>
    %max3A_522 = arith.constant 0.000000e+00 : f32
    %max3A_523 = vector.broadcast %max3A_522 : f32 to vector<128x128xf32>
    %max3A_524 = arith.maximumf %add3A_521, %max3A_523 : vector<128x128xf32>
    %get3A_525 = arith.constant 5 : index
    %get3A_526 = memref.load %arg0[%get3A_525] : memref<160xf32, #tpu.memory_space<smem>>
    %mul3A_527 = vector.broadcast %get3A_526 : f32 to vector<128x128xf32>
    %mul3A_528 = arith.mulf %select_n3A_23, %mul3A_527 : vector<128x128xf32>
    %get3A_529 = arith.constant 21 : index
    %get3A_530 = memref.load %arg0[%get3A_529] : memref<160xf32, #tpu.memory_space<smem>>
    %mul3A_531 = vector.broadcast %get3A_530 : f32 to vector<128x128xf32>
    %mul3A_532 = arith.mulf %select_n3A_50, %mul3A_531 : vector<128x128xf32>
    %add3A_533 = arith.addf %mul3A_528, %mul3A_532 : vector<128x128xf32>
    %get3A_534 = arith.constant 37 : index
    %get3A_535 = memref.load %arg0[%get3A_534] : memref<160xf32, #tpu.memory_space<smem>>
    %mul3A_536 = vector.broadcast %get3A_535 : f32 to vector<128x128xf32>
    %mul3A_537 = arith.mulf %select_n3A_77, %mul3A_536 : vector<128x128xf32>
    %add3A_538 = arith.addf %add3A_533, %mul3A_537 : vector<128x128xf32>
    %get3A_539 = arith.constant 53 : index
    %get3A_540 = memref.load %arg0[%get3A_539] : memref<160xf32, #tpu.memory_space<smem>>
    %mul3A_541 = vector.broadcast %get3A_540 : f32 to vector<128x128xf32>
    %mul3A_542 = arith.mulf %select_n3A_104, %mul3A_541 : vector<128x128xf32>
    %add3A_543 = arith.addf %add3A_538, %mul3A_542 : vector<128x128xf32>
    %get3A_544 = arith.constant 69 : index
    %get3A_545 = memref.load %arg0[%get3A_544] : memref<160xf32, #tpu.memory_space<smem>>
    %mul3A_546 = vector.broadcast %get3A_545 : f32 to vector<128x128xf32>
    %mul3A_547 = arith.mulf %select_n3A_131, %mul3A_546 : vector<128x128xf32>
    %add3A_548 = arith.addf %add3A_543, %mul3A_547 : vector<128x128xf32>
    %get3A_549 = arith.constant 85 : index
    %get3A_550 = memref.load %arg0[%get3A_549] : memref<160xf32, #tpu.memory_space<smem>>
    %mul3A_551 = vector.broadcast %get3A_550 : f32 to vector<128x128xf32>
    %mul3A_552 = arith.mulf %select_n3A_158, %mul3A_551 : vector<128x128xf32>
    %add3A_553 = arith.addf %add3A_548, %mul3A_552 : vector<128x128xf32>
    %get3A_554 = arith.constant 101 : index
    %get3A_555 = memref.load %arg0[%get3A_554] : memref<160xf32, #tpu.memory_space<smem>>
    %mul3A_556 = vector.broadcast %get3A_555 : f32 to vector<128x128xf32>
    %mul3A_557 = arith.mulf %select_n3A_185, %mul3A_556 : vector<128x128xf32>
    %add3A_558 = arith.addf %add3A_553, %mul3A_557 : vector<128x128xf32>
    %get3A_559 = arith.constant 117 : index
    %get3A_560 = memref.load %arg0[%get3A_559] : memref<160xf32, #tpu.memory_space<smem>>
    %mul3A_561 = vector.broadcast %get3A_560 : f32 to vector<128x128xf32>
    %mul3A_562 = arith.mulf %select_n3A_212, %mul3A_561 : vector<128x128xf32>
    %add3A_563 = arith.addf %add3A_558, %mul3A_562 : vector<128x128xf32>
    %get3A_564 = arith.constant 133 : index
    %get3A_565 = memref.load %arg0[%get3A_564] : memref<160xf32, #tpu.memory_space<smem>>
    %mul3A_566 = vector.broadcast %get3A_565 : f32 to vector<128x128xf32>
    %mul3A_567 = arith.mulf %select_n3A_239, %mul3A_566 : vector<128x128xf32>
    %add3A_568 = arith.addf %add3A_563, %mul3A_567 : vector<128x128xf32>
    %get3A_569 = arith.constant 149 : index
    %get3A_570 = memref.load %arg0[%get3A_569] : memref<160xf32, #tpu.memory_space<smem>>
    %mul3A_571 = vector.broadcast %get3A_570 : f32 to vector<128x128xf32>
    %mul3A_572 = arith.mulf %select_n3A_266, %mul3A_571 : vector<128x128xf32>
    %add3A_573 = arith.addf %add3A_568, %mul3A_572 : vector<128x128xf32>
    %max3A_574 = arith.constant 0.000000e+00 : f32
    %max3A_575 = vector.broadcast %max3A_574 : f32 to vector<128x128xf32>
    %max3A_576 = arith.maximumf %add3A_573, %max3A_575 : vector<128x128xf32>
    %get3A_577 = arith.constant 6 : index
    %get3A_578 = memref.load %arg0[%get3A_577] : memref<160xf32, #tpu.memory_space<smem>>
    %mul3A_579 = vector.broadcast %get3A_578 : f32 to vector<128x128xf32>
    %mul3A_580 = arith.mulf %select_n3A_23, %mul3A_579 : vector<128x128xf32>
    %get3A_581 = arith.constant 22 : index
    %get3A_582 = memref.load %arg0[%get3A_581] : memref<160xf32, #tpu.memory_space<smem>>
    %mul3A_583 = vector.broadcast %get3A_582 : f32 to vector<128x128xf32>
    %mul3A_584 = arith.mulf %select_n3A_50, %mul3A_583 : vector<128x128xf32>
    %add3A_585 = arith.addf %mul3A_580, %mul3A_584 : vector<128x128xf32>
    %get3A_586 = arith.constant 38 : index
    %get3A_587 = memref.load %arg0[%get3A_586] : memref<160xf32, #tpu.memory_space<smem>>
    %mul3A_588 = vector.broadcast %get3A_587 : f32 to vector<128x128xf32>
    %mul3A_589 = arith.mulf %select_n3A_77, %mul3A_588 : vector<128x128xf32>
    %add3A_590 = arith.addf %add3A_585, %mul3A_589 : vector<128x128xf32>
    %get3A_591 = arith.constant 54 : index
    %get3A_592 = memref.load %arg0[%get3A_591] : memref<160xf32, #tpu.memory_space<smem>>
    %mul3A_593 = vector.broadcast %get3A_592 : f32 to vector<128x128xf32>
    %mul3A_594 = arith.mulf %select_n3A_104, %mul3A_593 : vector<128x128xf32>
    %add3A_595 = arith.addf %add3A_590, %mul3A_594 : vector<128x128xf32>
    %get3A_596 = arith.constant 70 : index
    %get3A_597 = memref.load %arg0[%get3A_596] : memref<160xf32, #tpu.memory_space<smem>>
    %mul3A_598 = vector.broadcast %get3A_597 : f32 to vector<128x128xf32>
    %mul3A_599 = arith.mulf %select_n3A_131, %mul3A_598 : vector<128x128xf32>
    %add3A_600 = arith.addf %add3A_595, %mul3A_599 : vector<128x128xf32>
    %get3A_601 = arith.constant 86 : index
    %get3A_602 = memref.load %arg0[%get3A_601] : memref<160xf32, #tpu.memory_space<smem>>
    %mul3A_603 = vector.broadcast %get3A_602 : f32 to vector<128x128xf32>
    %mul3A_604 = arith.mulf %select_n3A_158, %mul3A_603 : vector<128x128xf32>
    %add3A_605 = arith.addf %add3A_600, %mul3A_604 : vector<128x128xf32>
    %get3A_606 = arith.constant 102 : index
    %get3A_607 = memref.load %arg0[%get3A_606] : memref<160xf32, #tpu.memory_space<smem>>
    %mul3A_608 = vector.broadcast %get3A_607 : f32 to vector<128x128xf32>
    %mul3A_609 = arith.mulf %select_n3A_185, %mul3A_608 : vector<128x128xf32>
    %add3A_610 = arith.addf %add3A_605, %mul3A_609 : vector<128x128xf32>
    %get3A_611 = arith.constant 118 : index
    %get3A_612 = memref.load %arg0[%get3A_611] : memref<160xf32, #tpu.memory_space<smem>>
    %mul3A_613 = vector.broadcast %get3A_612 : f32 to vector<128x128xf32>
    %mul3A_614 = arith.mulf %select_n3A_212, %mul3A_613 : vector<128x128xf32>
    %add3A_615 = arith.addf %add3A_610, %mul3A_614 : vector<128x128xf32>
    %get3A_616 = arith.constant 134 : index
    %get3A_617 = memref.load %arg0[%get3A_616] : memref<160xf32, #tpu.memory_space<smem>>
    %mul3A_618 = vector.broadcast %get3A_617 : f32 to vector<128x128xf32>
    %mul3A_619 = arith.mulf %select_n3A_239, %mul3A_618 : vector<128x128xf32>
    %add3A_620 = arith.addf %add3A_615, %mul3A_619 : vector<128x128xf32>
    %get3A_621 = arith.constant 150 : index
    %get3A_622 = memref.load %arg0[%get3A_621] : memref<160xf32, #tpu.memory_space<smem>>
    %mul3A_623 = vector.broadcast %get3A_622 : f32 to vector<128x128xf32>
    %mul3A_624 = arith.mulf %select_n3A_266, %mul3A_623 : vector<128x128xf32>
    %add3A_625 = arith.addf %add3A_620, %mul3A_624 : vector<128x128xf32>
    %max3A_626 = arith.constant 0.000000e+00 : f32
    %max3A_627 = vector.broadcast %max3A_626 : f32 to vector<128x128xf32>
    %max3A_628 = arith.maximumf %add3A_625, %max3A_627 : vector<128x128xf32>
    %get3A_629 = arith.constant 7 : index
    %get3A_630 = memref.load %arg0[%get3A_629] : memref<160xf32, #tpu.memory_space<smem>>
    %mul3A_631 = vector.broadcast %get3A_630 : f32 to vector<128x128xf32>
    %mul3A_632 = arith.mulf %select_n3A_23, %mul3A_631 : vector<128x128xf32>
    %get3A_633 = arith.constant 23 : index
    %get3A_634 = memref.load %arg0[%get3A_633] : memref<160xf32, #tpu.memory_space<smem>>
    %mul3A_635 = vector.broadcast %get3A_634 : f32 to vector<128x128xf32>
    %mul3A_636 = arith.mulf %select_n3A_50, %mul3A_635 : vector<128x128xf32>
    %add3A_637 = arith.addf %mul3A_632, %mul3A_636 : vector<128x128xf32>
    %get3A_638 = arith.constant 39 : index
    %get3A_639 = memref.load %arg0[%get3A_638] : memref<160xf32, #tpu.memory_space<smem>>
    %mul3A_640 = vector.broadcast %get3A_639 : f32 to vector<128x128xf32>
    %mul3A_641 = arith.mulf %select_n3A_77, %mul3A_640 : vector<128x128xf32>
    %add3A_642 = arith.addf %add3A_637, %mul3A_641 : vector<128x128xf32>
    %get3A_643 = arith.constant 55 : index
    %get3A_644 = memref.load %arg0[%get3A_643] : memref<160xf32, #tpu.memory_space<smem>>
    %mul3A_645 = vector.broadcast %get3A_644 : f32 to vector<128x128xf32>
    %mul3A_646 = arith.mulf %select_n3A_104, %mul3A_645 : vector<128x128xf32>
    %add3A_647 = arith.addf %add3A_642, %mul3A_646 : vector<128x128xf32>
    %get3A_648 = arith.constant 71 : index
    %get3A_649 = memref.load %arg0[%get3A_648] : memref<160xf32, #tpu.memory_space<smem>>
    %mul3A_650 = vector.broadcast %get3A_649 : f32 to vector<128x128xf32>
    %mul3A_651 = arith.mulf %select_n3A_131, %mul3A_650 : vector<128x128xf32>
    %add3A_652 = arith.addf %add3A_647, %mul3A_651 : vector<128x128xf32>
    %get3A_653 = arith.constant 87 : index
    %get3A_654 = memref.load %arg0[%get3A_653] : memref<160xf32, #tpu.memory_space<smem>>
    %mul3A_655 = vector.broadcast %get3A_654 : f32 to vector<128x128xf32>
    %mul3A_656 = arith.mulf %select_n3A_158, %mul3A_655 : vector<128x128xf32>
    %add3A_657 = arith.addf %add3A_652, %mul3A_656 : vector<128x128xf32>
    %get3A_658 = arith.constant 103 : index
    %get3A_659 = memref.load %arg0[%get3A_658] : memref<160xf32, #tpu.memory_space<smem>>
    %mul3A_660 = vector.broadcast %get3A_659 : f32 to vector<128x128xf32>
    %mul3A_661 = arith.mulf %select_n3A_185, %mul3A_660 : vector<128x128xf32>
    %add3A_662 = arith.addf %add3A_657, %mul3A_661 : vector<128x128xf32>
    %get3A_663 = arith.constant 119 : index
    %get3A_664 = memref.load %arg0[%get3A_663] : memref<160xf32, #tpu.memory_space<smem>>
    %mul3A_665 = vector.broadcast %get3A_664 : f32 to vector<128x128xf32>
    %mul3A_666 = arith.mulf %select_n3A_212, %mul3A_665 : vector<128x128xf32>
    %add3A_667 = arith.addf %add3A_662, %mul3A_666 : vector<128x128xf32>
    %get3A_668 = arith.constant 135 : index
    %get3A_669 = memref.load %arg0[%get3A_668] : memref<160xf32, #tpu.memory_space<smem>>
    %mul3A_670 = vector.broadcast %get3A_669 : f32 to vector<128x128xf32>
    %mul3A_671 = arith.mulf %select_n3A_239, %mul3A_670 : vector<128x128xf32>
    %add3A_672 = arith.addf %add3A_667, %mul3A_671 : vector<128x128xf32>
    %get3A_673 = arith.constant 151 : index
    %get3A_674 = memref.load %arg0[%get3A_673] : memref<160xf32, #tpu.memory_space<smem>>
    %mul3A_675 = vector.broadcast %get3A_674 : f32 to vector<128x128xf32>
    %mul3A_676 = arith.mulf %select_n3A_266, %mul3A_675 : vector<128x128xf32>
    %add3A_677 = arith.addf %add3A_672, %mul3A_676 : vector<128x128xf32>
    %max3A_678 = arith.constant 0.000000e+00 : f32
    %max3A_679 = vector.broadcast %max3A_678 : f32 to vector<128x128xf32>
    %max3A_680 = arith.maximumf %add3A_677, %max3A_679 : vector<128x128xf32>
    %get3A_681 = arith.constant 8 : index
    %get3A_682 = memref.load %arg0[%get3A_681] : memref<160xf32, #tpu.memory_space<smem>>
    %mul3A_683 = vector.broadcast %get3A_682 : f32 to vector<128x128xf32>
    %mul3A_684 = arith.mulf %select_n3A_23, %mul3A_683 : vector<128x128xf32>
    %get3A_685 = arith.constant 24 : index
    %get3A_686 = memref.load %arg0[%get3A_685] : memref<160xf32, #tpu.memory_space<smem>>
    %mul3A_687 = vector.broadcast %get3A_686 : f32 to vector<128x128xf32>
    %mul3A_688 = arith.mulf %select_n3A_50, %mul3A_687 : vector<128x128xf32>
    %add3A_689 = arith.addf %mul3A_684, %mul3A_688 : vector<128x128xf32>
    %get3A_690 = arith.constant 40 : index
    %get3A_691 = memref.load %arg0[%get3A_690] : memref<160xf32, #tpu.memory_space<smem>>
    %mul3A_692 = vector.broadcast %get3A_691 : f32 to vector<128x128xf32>
    %mul3A_693 = arith.mulf %select_n3A_77, %mul3A_692 : vector<128x128xf32>
    %add3A_694 = arith.addf %add3A_689, %mul3A_693 : vector<128x128xf32>
    %get3A_695 = arith.constant 56 : index
    %get3A_696 = memref.load %arg0[%get3A_695] : memref<160xf32, #tpu.memory_space<smem>>
    %mul3A_697 = vector.broadcast %get3A_696 : f32 to vector<128x128xf32>
    %mul3A_698 = arith.mulf %select_n3A_104, %mul3A_697 : vector<128x128xf32>
    %add3A_699 = arith.addf %add3A_694, %mul3A_698 : vector<128x128xf32>
    %get3A_700 = arith.constant 72 : index
    %get3A_701 = memref.load %arg0[%get3A_700] : memref<160xf32, #tpu.memory_space<smem>>
    %mul3A_702 = vector.broadcast %get3A_701 : f32 to vector<128x128xf32>
    %mul3A_703 = arith.mulf %select_n3A_131, %mul3A_702 : vector<128x128xf32>
    %add3A_704 = arith.addf %add3A_699, %mul3A_703 : vector<128x128xf32>
    %get3A_705 = arith.constant 88 : index
    %get3A_706 = memref.load %arg0[%get3A_705] : memref<160xf32, #tpu.memory_space<smem>>
    %mul3A_707 = vector.broadcast %get3A_706 : f32 to vector<128x128xf32>
    %mul3A_708 = arith.mulf %select_n3A_158, %mul3A_707 : vector<128x128xf32>
    %add3A_709 = arith.addf %add3A_704, %mul3A_708 : vector<128x128xf32>
    %get3A_710 = arith.constant 104 : index
    %get3A_711 = memref.load %arg0[%get3A_710] : memref<160xf32, #tpu.memory_space<smem>>
    %mul3A_712 = vector.broadcast %get3A_711 : f32 to vector<128x128xf32>
    %mul3A_713 = arith.mulf %select_n3A_185, %mul3A_712 : vector<128x128xf32>
    %add3A_714 = arith.addf %add3A_709, %mul3A_713 : vector<128x128xf32>
    %get3A_715 = arith.constant 120 : index
    %get3A_716 = memref.load %arg0[%get3A_715] : memref<160xf32, #tpu.memory_space<smem>>
    %mul3A_717 = vector.broadcast %get3A_716 : f32 to vector<128x128xf32>
    %mul3A_718 = arith.mulf %select_n3A_212, %mul3A_717 : vector<128x128xf32>
    %add3A_719 = arith.addf %add3A_714, %mul3A_718 : vector<128x128xf32>
    %get3A_720 = arith.constant 136 : index
    %get3A_721 = memref.load %arg0[%get3A_720] : memref<160xf32, #tpu.memory_space<smem>>
    %mul3A_722 = vector.broadcast %get3A_721 : f32 to vector<128x128xf32>
    %mul3A_723 = arith.mulf %select_n3A_239, %mul3A_722 : vector<128x128xf32>
    %add3A_724 = arith.addf %add3A_719, %mul3A_723 : vector<128x128xf32>
    %get3A_725 = arith.constant 152 : index
    %get3A_726 = memref.load %arg0[%get3A_725] : memref<160xf32, #tpu.memory_space<smem>>
    %mul3A_727 = vector.broadcast %get3A_726 : f32 to vector<128x128xf32>
    %mul3A_728 = arith.mulf %select_n3A_266, %mul3A_727 : vector<128x128xf32>
    %add3A_729 = arith.addf %add3A_724, %mul3A_728 : vector<128x128xf32>
    %max3A_730 = arith.constant 0.000000e+00 : f32
    %max3A_731 = vector.broadcast %max3A_730 : f32 to vector<128x128xf32>
    %max3A_732 = arith.maximumf %add3A_729, %max3A_731 : vector<128x128xf32>
    %get3A_733 = arith.constant 9 : index
    %get3A_734 = memref.load %arg0[%get3A_733] : memref<160xf32, #tpu.memory_space<smem>>
    %mul3A_735 = vector.broadcast %get3A_734 : f32 to vector<128x128xf32>
    %mul3A_736 = arith.mulf %select_n3A_23, %mul3A_735 : vector<128x128xf32>
    %get3A_737 = arith.constant 25 : index
    %get3A_738 = memref.load %arg0[%get3A_737] : memref<160xf32, #tpu.memory_space<smem>>
    %mul3A_739 = vector.broadcast %get3A_738 : f32 to vector<128x128xf32>
    %mul3A_740 = arith.mulf %select_n3A_50, %mul3A_739 : vector<128x128xf32>
    %add3A_741 = arith.addf %mul3A_736, %mul3A_740 : vector<128x128xf32>
    %get3A_742 = arith.constant 41 : index
    %get3A_743 = memref.load %arg0[%get3A_742] : memref<160xf32, #tpu.memory_space<smem>>
    %mul3A_744 = vector.broadcast %get3A_743 : f32 to vector<128x128xf32>
    %mul3A_745 = arith.mulf %select_n3A_77, %mul3A_744 : vector<128x128xf32>
    %add3A_746 = arith.addf %add3A_741, %mul3A_745 : vector<128x128xf32>
    %get3A_747 = arith.constant 57 : index
    %get3A_748 = memref.load %arg0[%get3A_747] : memref<160xf32, #tpu.memory_space<smem>>
    %mul3A_749 = vector.broadcast %get3A_748 : f32 to vector<128x128xf32>
    %mul3A_750 = arith.mulf %select_n3A_104, %mul3A_749 : vector<128x128xf32>
    %add3A_751 = arith.addf %add3A_746, %mul3A_750 : vector<128x128xf32>
    %get3A_752 = arith.constant 73 : index
    %get3A_753 = memref.load %arg0[%get3A_752] : memref<160xf32, #tpu.memory_space<smem>>
    %mul3A_754 = vector.broadcast %get3A_753 : f32 to vector<128x128xf32>
    %mul3A_755 = arith.mulf %select_n3A_131, %mul3A_754 : vector<128x128xf32>
    %add3A_756 = arith.addf %add3A_751, %mul3A_755 : vector<128x128xf32>
    %get3A_757 = arith.constant 89 : index
    %get3A_758 = memref.load %arg0[%get3A_757] : memref<160xf32, #tpu.memory_space<smem>>
    %mul3A_759 = vector.broadcast %get3A_758 : f32 to vector<128x128xf32>
    %mul3A_760 = arith.mulf %select_n3A_158, %mul3A_759 : vector<128x128xf32>
    %add3A_761 = arith.addf %add3A_756, %mul3A_760 : vector<128x128xf32>
    %get3A_762 = arith.constant 105 : index
    %get3A_763 = memref.load %arg0[%get3A_762] : memref<160xf32, #tpu.memory_space<smem>>
    %mul3A_764 = vector.broadcast %get3A_763 : f32 to vector<128x128xf32>
    %mul3A_765 = arith.mulf %select_n3A_185, %mul3A_764 : vector<128x128xf32>
    %add3A_766 = arith.addf %add3A_761, %mul3A_765 : vector<128x128xf32>
    %get3A_767 = arith.constant 121 : index
    %get3A_768 = memref.load %arg0[%get3A_767] : memref<160xf32, #tpu.memory_space<smem>>
    %mul3A_769 = vector.broadcast %get3A_768 : f32 to vector<128x128xf32>
    %mul3A_770 = arith.mulf %select_n3A_212, %mul3A_769 : vector<128x128xf32>
    %add3A_771 = arith.addf %add3A_766, %mul3A_770 : vector<128x128xf32>
    %get3A_772 = arith.constant 137 : index
    %get3A_773 = memref.load %arg0[%get3A_772] : memref<160xf32, #tpu.memory_space<smem>>
    %mul3A_774 = vector.broadcast %get3A_773 : f32 to vector<128x128xf32>
    %mul3A_775 = arith.mulf %select_n3A_239, %mul3A_774 : vector<128x128xf32>
    %add3A_776 = arith.addf %add3A_771, %mul3A_775 : vector<128x128xf32>
    %get3A_777 = arith.constant 153 : index
    %get3A_778 = memref.load %arg0[%get3A_777] : memref<160xf32, #tpu.memory_space<smem>>
    %mul3A_779 = vector.broadcast %get3A_778 : f32 to vector<128x128xf32>
    %mul3A_780 = arith.mulf %select_n3A_266, %mul3A_779 : vector<128x128xf32>
    %add3A_781 = arith.addf %add3A_776, %mul3A_780 : vector<128x128xf32>
    %max3A_782 = arith.constant 0.000000e+00 : f32
    %max3A_783 = vector.broadcast %max3A_782 : f32 to vector<128x128xf32>
    %max3A_784 = arith.maximumf %add3A_781, %max3A_783 : vector<128x128xf32>
    %get3A_785 = arith.constant 10 : index
    %get3A_786 = memref.load %arg0[%get3A_785] : memref<160xf32, #tpu.memory_space<smem>>
    %mul3A_787 = vector.broadcast %get3A_786 : f32 to vector<128x128xf32>
    %mul3A_788 = arith.mulf %select_n3A_23, %mul3A_787 : vector<128x128xf32>
    %get3A_789 = arith.constant 26 : index
    %get3A_790 = memref.load %arg0[%get3A_789] : memref<160xf32, #tpu.memory_space<smem>>
    %mul3A_791 = vector.broadcast %get3A_790 : f32 to vector<128x128xf32>
    %mul3A_792 = arith.mulf %select_n3A_50, %mul3A_791 : vector<128x128xf32>
    %add3A_793 = arith.addf %mul3A_788, %mul3A_792 : vector<128x128xf32>
    %get3A_794 = arith.constant 42 : index
    %get3A_795 = memref.load %arg0[%get3A_794] : memref<160xf32, #tpu.memory_space<smem>>
    %mul3A_796 = vector.broadcast %get3A_795 : f32 to vector<128x128xf32>
    %mul3A_797 = arith.mulf %select_n3A_77, %mul3A_796 : vector<128x128xf32>
    %add3A_798 = arith.addf %add3A_793, %mul3A_797 : vector<128x128xf32>
    %get3A_799 = arith.constant 58 : index
    %get3A_800 = memref.load %arg0[%get3A_799] : memref<160xf32, #tpu.memory_space<smem>>
    %mul3A_801 = vector.broadcast %get3A_800 : f32 to vector<128x128xf32>
    %mul3A_802 = arith.mulf %select_n3A_104, %mul3A_801 : vector<128x128xf32>
    %add3A_803 = arith.addf %add3A_798, %mul3A_802 : vector<128x128xf32>
    %get3A_804 = arith.constant 74 : index
    %get3A_805 = memref.load %arg0[%get3A_804] : memref<160xf32, #tpu.memory_space<smem>>
    %mul3A_806 = vector.broadcast %get3A_805 : f32 to vector<128x128xf32>
    %mul3A_807 = arith.mulf %select_n3A_131, %mul3A_806 : vector<128x128xf32>
    %add3A_808 = arith.addf %add3A_803, %mul3A_807 : vector<128x128xf32>
    %get3A_809 = arith.constant 90 : index
    %get3A_810 = memref.load %arg0[%get3A_809] : memref<160xf32, #tpu.memory_space<smem>>
    %mul3A_811 = vector.broadcast %get3A_810 : f32 to vector<128x128xf32>
    %mul3A_812 = arith.mulf %select_n3A_158, %mul3A_811 : vector<128x128xf32>
    %add3A_813 = arith.addf %add3A_808, %mul3A_812 : vector<128x128xf32>
    %get3A_814 = arith.constant 106 : index
    %get3A_815 = memref.load %arg0[%get3A_814] : memref<160xf32, #tpu.memory_space<smem>>
    %mul3A_816 = vector.broadcast %get3A_815 : f32 to vector<128x128xf32>
    %mul3A_817 = arith.mulf %select_n3A_185, %mul3A_816 : vector<128x128xf32>
    %add3A_818 = arith.addf %add3A_813, %mul3A_817 : vector<128x128xf32>
    %get3A_819 = arith.constant 122 : index
    %get3A_820 = memref.load %arg0[%get3A_819] : memref<160xf32, #tpu.memory_space<smem>>
    %mul3A_821 = vector.broadcast %get3A_820 : f32 to vector<128x128xf32>
    %mul3A_822 = arith.mulf %select_n3A_212, %mul3A_821 : vector<128x128xf32>
    %add3A_823 = arith.addf %add3A_818, %mul3A_822 : vector<128x128xf32>
    %get3A_824 = arith.constant 138 : index
    %get3A_825 = memref.load %arg0[%get3A_824] : memref<160xf32, #tpu.memory_space<smem>>
    %mul3A_826 = vector.broadcast %get3A_825 : f32 to vector<128x128xf32>
    %mul3A_827 = arith.mulf %select_n3A_239, %mul3A_826 : vector<128x128xf32>
    %add3A_828 = arith.addf %add3A_823, %mul3A_827 : vector<128x128xf32>
    %get3A_829 = arith.constant 154 : index
    %get3A_830 = memref.load %arg0[%get3A_829] : memref<160xf32, #tpu.memory_space<smem>>
    %mul3A_831 = vector.broadcast %get3A_830 : f32 to vector<128x128xf32>
    %mul3A_832 = arith.mulf %select_n3A_266, %mul3A_831 : vector<128x128xf32>
    %add3A_833 = arith.addf %add3A_828, %mul3A_832 : vector<128x128xf32>
    %max3A_834 = arith.constant 0.000000e+00 : f32
    %max3A_835 = vector.broadcast %max3A_834 : f32 to vector<128x128xf32>
    %max3A_836 = arith.maximumf %add3A_833, %max3A_835 : vector<128x128xf32>
    %get3A_837 = arith.constant 11 : index
    %get3A_838 = memref.load %arg0[%get3A_837] : memref<160xf32, #tpu.memory_space<smem>>
    %mul3A_839 = vector.broadcast %get3A_838 : f32 to vector<128x128xf32>
    %mul3A_840 = arith.mulf %select_n3A_23, %mul3A_839 : vector<128x128xf32>
    %get3A_841 = arith.constant 27 : index
    %get3A_842 = memref.load %arg0[%get3A_841] : memref<160xf32, #tpu.memory_space<smem>>
    %mul3A_843 = vector.broadcast %get3A_842 : f32 to vector<128x128xf32>
    %mul3A_844 = arith.mulf %select_n3A_50, %mul3A_843 : vector<128x128xf32>
    %add3A_845 = arith.addf %mul3A_840, %mul3A_844 : vector<128x128xf32>
    %get3A_846 = arith.constant 43 : index
    %get3A_847 = memref.load %arg0[%get3A_846] : memref<160xf32, #tpu.memory_space<smem>>
    %mul3A_848 = vector.broadcast %get3A_847 : f32 to vector<128x128xf32>
    %mul3A_849 = arith.mulf %select_n3A_77, %mul3A_848 : vector<128x128xf32>
    %add3A_850 = arith.addf %add3A_845, %mul3A_849 : vector<128x128xf32>
    %get3A_851 = arith.constant 59 : index
    %get3A_852 = memref.load %arg0[%get3A_851] : memref<160xf32, #tpu.memory_space<smem>>
    %mul3A_853 = vector.broadcast %get3A_852 : f32 to vector<128x128xf32>
    %mul3A_854 = arith.mulf %select_n3A_104, %mul3A_853 : vector<128x128xf32>
    %add3A_855 = arith.addf %add3A_850, %mul3A_854 : vector<128x128xf32>
    %get3A_856 = arith.constant 75 : index
    %get3A_857 = memref.load %arg0[%get3A_856] : memref<160xf32, #tpu.memory_space<smem>>
    %mul3A_858 = vector.broadcast %get3A_857 : f32 to vector<128x128xf32>
    %mul3A_859 = arith.mulf %select_n3A_131, %mul3A_858 : vector<128x128xf32>
    %add3A_860 = arith.addf %add3A_855, %mul3A_859 : vector<128x128xf32>
    %get3A_861 = arith.constant 91 : index
    %get3A_862 = memref.load %arg0[%get3A_861] : memref<160xf32, #tpu.memory_space<smem>>
    %mul3A_863 = vector.broadcast %get3A_862 : f32 to vector<128x128xf32>
    %mul3A_864 = arith.mulf %select_n3A_158, %mul3A_863 : vector<128x128xf32>
    %add3A_865 = arith.addf %add3A_860, %mul3A_864 : vector<128x128xf32>
    %get3A_866 = arith.constant 107 : index
    %get3A_867 = memref.load %arg0[%get3A_866] : memref<160xf32, #tpu.memory_space<smem>>
    %mul3A_868 = vector.broadcast %get3A_867 : f32 to vector<128x128xf32>
    %mul3A_869 = arith.mulf %select_n3A_185, %mul3A_868 : vector<128x128xf32>
    %add3A_870 = arith.addf %add3A_865, %mul3A_869 : vector<128x128xf32>
    %get3A_871 = arith.constant 123 : index
    %get3A_872 = memref.load %arg0[%get3A_871] : memref<160xf32, #tpu.memory_space<smem>>
    %mul3A_873 = vector.broadcast %get3A_872 : f32 to vector<128x128xf32>
    %mul3A_874 = arith.mulf %select_n3A_212, %mul3A_873 : vector<128x128xf32>
    %add3A_875 = arith.addf %add3A_870, %mul3A_874 : vector<128x128xf32>
    %get3A_876 = arith.constant 139 : index
    %get3A_877 = memref.load %arg0[%get3A_876] : memref<160xf32, #tpu.memory_space<smem>>
    %mul3A_878 = vector.broadcast %get3A_877 : f32 to vector<128x128xf32>
    %mul3A_879 = arith.mulf %select_n3A_239, %mul3A_878 : vector<128x128xf32>
    %add3A_880 = arith.addf %add3A_875, %mul3A_879 : vector<128x128xf32>
    %get3A_881 = arith.constant 155 : index
    %get3A_882 = memref.load %arg0[%get3A_881] : memref<160xf32, #tpu.memory_space<smem>>
    %mul3A_883 = vector.broadcast %get3A_882 : f32 to vector<128x128xf32>
    %mul3A_884 = arith.mulf %select_n3A_266, %mul3A_883 : vector<128x128xf32>
    %add3A_885 = arith.addf %add3A_880, %mul3A_884 : vector<128x128xf32>
    %max3A_886 = arith.constant 0.000000e+00 : f32
    %max3A_887 = vector.broadcast %max3A_886 : f32 to vector<128x128xf32>
    %max3A_888 = arith.maximumf %add3A_885, %max3A_887 : vector<128x128xf32>
    %get3A_889 = arith.constant 12 : index
    %get3A_890 = memref.load %arg0[%get3A_889] : memref<160xf32, #tpu.memory_space<smem>>
    %mul3A_891 = vector.broadcast %get3A_890 : f32 to vector<128x128xf32>
    %mul3A_892 = arith.mulf %select_n3A_23, %mul3A_891 : vector<128x128xf32>
    %get3A_893 = arith.constant 28 : index
    %get3A_894 = memref.load %arg0[%get3A_893] : memref<160xf32, #tpu.memory_space<smem>>
    %mul3A_895 = vector.broadcast %get3A_894 : f32 to vector<128x128xf32>
    %mul3A_896 = arith.mulf %select_n3A_50, %mul3A_895 : vector<128x128xf32>
    %add3A_897 = arith.addf %mul3A_892, %mul3A_896 : vector<128x128xf32>
    %get3A_898 = arith.constant 44 : index
    %get3A_899 = memref.load %arg0[%get3A_898] : memref<160xf32, #tpu.memory_space<smem>>
    %mul3A_900 = vector.broadcast %get3A_899 : f32 to vector<128x128xf32>
    %mul3A_901 = arith.mulf %select_n3A_77, %mul3A_900 : vector<128x128xf32>
    %add3A_902 = arith.addf %add3A_897, %mul3A_901 : vector<128x128xf32>
    %get3A_903 = arith.constant 60 : index
    %get3A_904 = memref.load %arg0[%get3A_903] : memref<160xf32, #tpu.memory_space<smem>>
    %mul3A_905 = vector.broadcast %get3A_904 : f32 to vector<128x128xf32>
    %mul3A_906 = arith.mulf %select_n3A_104, %mul3A_905 : vector<128x128xf32>
    %add3A_907 = arith.addf %add3A_902, %mul3A_906 : vector<128x128xf32>
    %get3A_908 = arith.constant 76 : index
    %get3A_909 = memref.load %arg0[%get3A_908] : memref<160xf32, #tpu.memory_space<smem>>
    %mul3A_910 = vector.broadcast %get3A_909 : f32 to vector<128x128xf32>
    %mul3A_911 = arith.mulf %select_n3A_131, %mul3A_910 : vector<128x128xf32>
    %add3A_912 = arith.addf %add3A_907, %mul3A_911 : vector<128x128xf32>
    %get3A_913 = arith.constant 92 : index
    %get3A_914 = memref.load %arg0[%get3A_913] : memref<160xf32, #tpu.memory_space<smem>>
    %mul3A_915 = vector.broadcast %get3A_914 : f32 to vector<128x128xf32>
    %mul3A_916 = arith.mulf %select_n3A_158, %mul3A_915 : vector<128x128xf32>
    %add3A_917 = arith.addf %add3A_912, %mul3A_916 : vector<128x128xf32>
    %get3A_918 = arith.constant 108 : index
    %get3A_919 = memref.load %arg0[%get3A_918] : memref<160xf32, #tpu.memory_space<smem>>
    %mul3A_920 = vector.broadcast %get3A_919 : f32 to vector<128x128xf32>
    %mul3A_921 = arith.mulf %select_n3A_185, %mul3A_920 : vector<128x128xf32>
    %add3A_922 = arith.addf %add3A_917, %mul3A_921 : vector<128x128xf32>
    %get3A_923 = arith.constant 124 : index
    %get3A_924 = memref.load %arg0[%get3A_923] : memref<160xf32, #tpu.memory_space<smem>>
    %mul3A_925 = vector.broadcast %get3A_924 : f32 to vector<128x128xf32>
    %mul3A_926 = arith.mulf %select_n3A_212, %mul3A_925 : vector<128x128xf32>
    %add3A_927 = arith.addf %add3A_922, %mul3A_926 : vector<128x128xf32>
    %get3A_928 = arith.constant 140 : index
    %get3A_929 = memref.load %arg0[%get3A_928] : memref<160xf32, #tpu.memory_space<smem>>
    %mul3A_930 = vector.broadcast %get3A_929 : f32 to vector<128x128xf32>
    %mul3A_931 = arith.mulf %select_n3A_239, %mul3A_930 : vector<128x128xf32>
    %add3A_932 = arith.addf %add3A_927, %mul3A_931 : vector<128x128xf32>
    %get3A_933 = arith.constant 156 : index
    %get3A_934 = memref.load %arg0[%get3A_933] : memref<160xf32, #tpu.memory_space<smem>>
    %mul3A_935 = vector.broadcast %get3A_934 : f32 to vector<128x128xf32>
    %mul3A_936 = arith.mulf %select_n3A_266, %mul3A_935 : vector<128x128xf32>
    %add3A_937 = arith.addf %add3A_932, %mul3A_936 : vector<128x128xf32>
    %max3A_938 = arith.constant 0.000000e+00 : f32
    %max3A_939 = vector.broadcast %max3A_938 : f32 to vector<128x128xf32>
    %max3A_940 = arith.maximumf %add3A_937, %max3A_939 : vector<128x128xf32>
    %get3A_941 = arith.constant 13 : index
    %get3A_942 = memref.load %arg0[%get3A_941] : memref<160xf32, #tpu.memory_space<smem>>
    %mul3A_943 = vector.broadcast %get3A_942 : f32 to vector<128x128xf32>
    %mul3A_944 = arith.mulf %select_n3A_23, %mul3A_943 : vector<128x128xf32>
    %get3A_945 = arith.constant 29 : index
    %get3A_946 = memref.load %arg0[%get3A_945] : memref<160xf32, #tpu.memory_space<smem>>
    %mul3A_947 = vector.broadcast %get3A_946 : f32 to vector<128x128xf32>
    %mul3A_948 = arith.mulf %select_n3A_50, %mul3A_947 : vector<128x128xf32>
    %add3A_949 = arith.addf %mul3A_944, %mul3A_948 : vector<128x128xf32>
    %get3A_950 = arith.constant 45 : index
    %get3A_951 = memref.load %arg0[%get3A_950] : memref<160xf32, #tpu.memory_space<smem>>
    %mul3A_952 = vector.broadcast %get3A_951 : f32 to vector<128x128xf32>
    %mul3A_953 = arith.mulf %select_n3A_77, %mul3A_952 : vector<128x128xf32>
    %add3A_954 = arith.addf %add3A_949, %mul3A_953 : vector<128x128xf32>
    %get3A_955 = arith.constant 61 : index
    %get3A_956 = memref.load %arg0[%get3A_955] : memref<160xf32, #tpu.memory_space<smem>>
    %mul3A_957 = vector.broadcast %get3A_956 : f32 to vector<128x128xf32>
    %mul3A_958 = arith.mulf %select_n3A_104, %mul3A_957 : vector<128x128xf32>
    %add3A_959 = arith.addf %add3A_954, %mul3A_958 : vector<128x128xf32>
    %get3A_960 = arith.constant 77 : index
    %get3A_961 = memref.load %arg0[%get3A_960] : memref<160xf32, #tpu.memory_space<smem>>
    %mul3A_962 = vector.broadcast %get3A_961 : f32 to vector<128x128xf32>
    %mul3A_963 = arith.mulf %select_n3A_131, %mul3A_962 : vector<128x128xf32>
    %add3A_964 = arith.addf %add3A_959, %mul3A_963 : vector<128x128xf32>
    %get3A_965 = arith.constant 93 : index
    %get3A_966 = memref.load %arg0[%get3A_965] : memref<160xf32, #tpu.memory_space<smem>>
    %mul3A_967 = vector.broadcast %get3A_966 : f32 to vector<128x128xf32>
    %mul3A_968 = arith.mulf %select_n3A_158, %mul3A_967 : vector<128x128xf32>
    %add3A_969 = arith.addf %add3A_964, %mul3A_968 : vector<128x128xf32>
    %get3A_970 = arith.constant 109 : index
    %get3A_971 = memref.load %arg0[%get3A_970] : memref<160xf32, #tpu.memory_space<smem>>
    %mul3A_972 = vector.broadcast %get3A_971 : f32 to vector<128x128xf32>
    %mul3A_973 = arith.mulf %select_n3A_185, %mul3A_972 : vector<128x128xf32>
    %add3A_974 = arith.addf %add3A_969, %mul3A_973 : vector<128x128xf32>
    %get3A_975 = arith.constant 125 : index
    %get3A_976 = memref.load %arg0[%get3A_975] : memref<160xf32, #tpu.memory_space<smem>>
    %mul3A_977 = vector.broadcast %get3A_976 : f32 to vector<128x128xf32>
    %mul3A_978 = arith.mulf %select_n3A_212, %mul3A_977 : vector<128x128xf32>
    %add3A_979 = arith.addf %add3A_974, %mul3A_978 : vector<128x128xf32>
    %get3A_980 = arith.constant 141 : index
    %get3A_981 = memref.load %arg0[%get3A_980] : memref<160xf32, #tpu.memory_space<smem>>
    %mul3A_982 = vector.broadcast %get3A_981 : f32 to vector<128x128xf32>
    %mul3A_983 = arith.mulf %select_n3A_239, %mul3A_982 : vector<128x128xf32>
    %add3A_984 = arith.addf %add3A_979, %mul3A_983 : vector<128x128xf32>
    %get3A_985 = arith.constant 157 : index
    %get3A_986 = memref.load %arg0[%get3A_985] : memref<160xf32, #tpu.memory_space<smem>>
    %mul3A_987 = vector.broadcast %get3A_986 : f32 to vector<128x128xf32>
    %mul3A_988 = arith.mulf %select_n3A_266, %mul3A_987 : vector<128x128xf32>
    %add3A_989 = arith.addf %add3A_984, %mul3A_988 : vector<128x128xf32>
    %max3A_990 = arith.constant 0.000000e+00 : f32
    %max3A_991 = vector.broadcast %max3A_990 : f32 to vector<128x128xf32>
    %max3A_992 = arith.maximumf %add3A_989, %max3A_991 : vector<128x128xf32>
    %get3A_993 = arith.constant 14 : index
    %get3A_994 = memref.load %arg0[%get3A_993] : memref<160xf32, #tpu.memory_space<smem>>
    %mul3A_995 = vector.broadcast %get3A_994 : f32 to vector<128x128xf32>
    %mul3A_996 = arith.mulf %select_n3A_23, %mul3A_995 : vector<128x128xf32>
    %get3A_997 = arith.constant 30 : index
    %get3A_998 = memref.load %arg0[%get3A_997] : memref<160xf32, #tpu.memory_space<smem>>
    %mul3A_999 = vector.broadcast %get3A_998 : f32 to vector<128x128xf32>
    %mul3A_1000 = arith.mulf %select_n3A_50, %mul3A_999 : vector<128x128xf32>
    %add3A_1001 = arith.addf %mul3A_996, %mul3A_1000 : vector<128x128xf32>
    %get3A_1002 = arith.constant 46 : index
    %get3A_1003 = memref.load %arg0[%get3A_1002] : memref<160xf32, #tpu.memory_space<smem>>
    %mul3A_1004 = vector.broadcast %get3A_1003 : f32 to vector<128x128xf32>
    %mul3A_1005 = arith.mulf %select_n3A_77, %mul3A_1004 : vector<128x128xf32>
    %add3A_1006 = arith.addf %add3A_1001, %mul3A_1005 : vector<128x128xf32>
    %get3A_1007 = arith.constant 62 : index
    %get3A_1008 = memref.load %arg0[%get3A_1007] : memref<160xf32, #tpu.memory_space<smem>>
    %mul3A_1009 = vector.broadcast %get3A_1008 : f32 to vector<128x128xf32>
    %mul3A_1010 = arith.mulf %select_n3A_104, %mul3A_1009 : vector<128x128xf32>
    %add3A_1011 = arith.addf %add3A_1006, %mul3A_1010 : vector<128x128xf32>
    %get3A_1012 = arith.constant 78 : index
    %get3A_1013 = memref.load %arg0[%get3A_1012] : memref<160xf32, #tpu.memory_space<smem>>
    %mul3A_1014 = vector.broadcast %get3A_1013 : f32 to vector<128x128xf32>
    %mul3A_1015 = arith.mulf %select_n3A_131, %mul3A_1014 : vector<128x128xf32>
    %add3A_1016 = arith.addf %add3A_1011, %mul3A_1015 : vector<128x128xf32>
    %get3A_1017 = arith.constant 94 : index
    %get3A_1018 = memref.load %arg0[%get3A_1017] : memref<160xf32, #tpu.memory_space<smem>>
    %mul3A_1019 = vector.broadcast %get3A_1018 : f32 to vector<128x128xf32>
    %mul3A_1020 = arith.mulf %select_n3A_158, %mul3A_1019 : vector<128x128xf32>
    %add3A_1021 = arith.addf %add3A_1016, %mul3A_1020 : vector<128x128xf32>
    %get3A_1022 = arith.constant 110 : index
    %get3A_1023 = memref.load %arg0[%get3A_1022] : memref<160xf32, #tpu.memory_space<smem>>
    %mul3A_1024 = vector.broadcast %get3A_1023 : f32 to vector<128x128xf32>
    %mul3A_1025 = arith.mulf %select_n3A_185, %mul3A_1024 : vector<128x128xf32>
    %add3A_1026 = arith.addf %add3A_1021, %mul3A_1025 : vector<128x128xf32>
    %get3A_1027 = arith.constant 126 : index
    %get3A_1028 = memref.load %arg0[%get3A_1027] : memref<160xf32, #tpu.memory_space<smem>>
    %mul3A_1029 = vector.broadcast %get3A_1028 : f32 to vector<128x128xf32>
    %mul3A_1030 = arith.mulf %select_n3A_212, %mul3A_1029 : vector<128x128xf32>
    %add3A_1031 = arith.addf %add3A_1026, %mul3A_1030 : vector<128x128xf32>
    %get3A_1032 = arith.constant 142 : index
    %get3A_1033 = memref.load %arg0[%get3A_1032] : memref<160xf32, #tpu.memory_space<smem>>
    %mul3A_1034 = vector.broadcast %get3A_1033 : f32 to vector<128x128xf32>
    %mul3A_1035 = arith.mulf %select_n3A_239, %mul3A_1034 : vector<128x128xf32>
    %add3A_1036 = arith.addf %add3A_1031, %mul3A_1035 : vector<128x128xf32>
    %get3A_1037 = arith.constant 158 : index
    %get3A_1038 = memref.load %arg0[%get3A_1037] : memref<160xf32, #tpu.memory_space<smem>>
    %mul3A_1039 = vector.broadcast %get3A_1038 : f32 to vector<128x128xf32>
    %mul3A_1040 = arith.mulf %select_n3A_266, %mul3A_1039 : vector<128x128xf32>
    %add3A_1041 = arith.addf %add3A_1036, %mul3A_1040 : vector<128x128xf32>
    %max3A_1042 = arith.constant 0.000000e+00 : f32
    %max3A_1043 = vector.broadcast %max3A_1042 : f32 to vector<128x128xf32>
    %max3A_1044 = arith.maximumf %add3A_1041, %max3A_1043 : vector<128x128xf32>
    %get3A_1045 = arith.constant 15 : index
    %get3A_1046 = memref.load %arg0[%get3A_1045] : memref<160xf32, #tpu.memory_space<smem>>
    %mul3A_1047 = vector.broadcast %get3A_1046 : f32 to vector<128x128xf32>
    %mul3A_1048 = arith.mulf %select_n3A_23, %mul3A_1047 : vector<128x128xf32>
    %get3A_1049 = arith.constant 31 : index
    %get3A_1050 = memref.load %arg0[%get3A_1049] : memref<160xf32, #tpu.memory_space<smem>>
    %mul3A_1051 = vector.broadcast %get3A_1050 : f32 to vector<128x128xf32>
    %mul3A_1052 = arith.mulf %select_n3A_50, %mul3A_1051 : vector<128x128xf32>
    %add3A_1053 = arith.addf %mul3A_1048, %mul3A_1052 : vector<128x128xf32>
    %get3A_1054 = arith.constant 47 : index
    %get3A_1055 = memref.load %arg0[%get3A_1054] : memref<160xf32, #tpu.memory_space<smem>>
    %mul3A_1056 = vector.broadcast %get3A_1055 : f32 to vector<128x128xf32>
    %mul3A_1057 = arith.mulf %select_n3A_77, %mul3A_1056 : vector<128x128xf32>
    %add3A_1058 = arith.addf %add3A_1053, %mul3A_1057 : vector<128x128xf32>
    %get3A_1059 = arith.constant 63 : index
    %get3A_1060 = memref.load %arg0[%get3A_1059] : memref<160xf32, #tpu.memory_space<smem>>
    %mul3A_1061 = vector.broadcast %get3A_1060 : f32 to vector<128x128xf32>
    %mul3A_1062 = arith.mulf %select_n3A_104, %mul3A_1061 : vector<128x128xf32>
    %add3A_1063 = arith.addf %add3A_1058, %mul3A_1062 : vector<128x128xf32>
    %get3A_1064 = arith.constant 79 : index
    %get3A_1065 = memref.load %arg0[%get3A_1064] : memref<160xf32, #tpu.memory_space<smem>>
    %mul3A_1066 = vector.broadcast %get3A_1065 : f32 to vector<128x128xf32>
    %mul3A_1067 = arith.mulf %select_n3A_131, %mul3A_1066 : vector<128x128xf32>
    %add3A_1068 = arith.addf %add3A_1063, %mul3A_1067 : vector<128x128xf32>
    %get3A_1069 = arith.constant 95 : index
    %get3A_1070 = memref.load %arg0[%get3A_1069] : memref<160xf32, #tpu.memory_space<smem>>
    %mul3A_1071 = vector.broadcast %get3A_1070 : f32 to vector<128x128xf32>
    %mul3A_1072 = arith.mulf %select_n3A_158, %mul3A_1071 : vector<128x128xf32>
    %add3A_1073 = arith.addf %add3A_1068, %mul3A_1072 : vector<128x128xf32>
    %get3A_1074 = arith.constant 111 : index
    %get3A_1075 = memref.load %arg0[%get3A_1074] : memref<160xf32, #tpu.memory_space<smem>>
    %mul3A_1076 = vector.broadcast %get3A_1075 : f32 to vector<128x128xf32>
    %mul3A_1077 = arith.mulf %select_n3A_185, %mul3A_1076 : vector<128x128xf32>
    %add3A_1078 = arith.addf %add3A_1073, %mul3A_1077 : vector<128x128xf32>
    %get3A_1079 = arith.constant 127 : index
    %get3A_1080 = memref.load %arg0[%get3A_1079] : memref<160xf32, #tpu.memory_space<smem>>
    %mul3A_1081 = vector.broadcast %get3A_1080 : f32 to vector<128x128xf32>
    %mul3A_1082 = arith.mulf %select_n3A_212, %mul3A_1081 : vector<128x128xf32>
    %add3A_1083 = arith.addf %add3A_1078, %mul3A_1082 : vector<128x128xf32>
    %get3A_1084 = arith.constant 143 : index
    %get3A_1085 = memref.load %arg0[%get3A_1084] : memref<160xf32, #tpu.memory_space<smem>>
    %mul3A_1086 = vector.broadcast %get3A_1085 : f32 to vector<128x128xf32>
    %mul3A_1087 = arith.mulf %select_n3A_239, %mul3A_1086 : vector<128x128xf32>
    %add3A_1088 = arith.addf %add3A_1083, %mul3A_1087 : vector<128x128xf32>
    %get3A_1089 = arith.constant 159 : index
    %get3A_1090 = memref.load %arg0[%get3A_1089] : memref<160xf32, #tpu.memory_space<smem>>
    %mul3A_1091 = vector.broadcast %get3A_1090 : f32 to vector<128x128xf32>
    %mul3A_1092 = arith.mulf %select_n3A_266, %mul3A_1091 : vector<128x128xf32>
    %add3A_1093 = arith.addf %add3A_1088, %mul3A_1092 : vector<128x128xf32>
    %max3A_1094 = arith.constant 0.000000e+00 : f32
    %max3A_1095 = vector.broadcast %max3A_1094 : f32 to vector<128x128xf32>
    %max3A_1096 = arith.maximumf %add3A_1093, %max3A_1095 : vector<128x128xf32>
    %get3A_1097 = arith.constant 0 : index
    %get3A_1098 = memref.load %arg1[%get3A_1097] : memref<48xf32, #tpu.memory_space<smem>>
    %mul3A_1099 = vector.broadcast %get3A_1098 : f32 to vector<128x128xf32>
    %mul3A_1100 = arith.mulf %max3A_316, %mul3A_1099 : vector<128x128xf32>
    %get3A_1101 = arith.constant 3 : index
    %get3A_1102 = memref.load %arg1[%get3A_1101] : memref<48xf32, #tpu.memory_space<smem>>
    %mul3A_1103 = vector.broadcast %get3A_1102 : f32 to vector<128x128xf32>
    %mul3A_1104 = arith.mulf %max3A_368, %mul3A_1103 : vector<128x128xf32>
    %add3A_1105 = arith.addf %mul3A_1100, %mul3A_1104 : vector<128x128xf32>
    %get3A_1106 = arith.constant 6 : index
    %get3A_1107 = memref.load %arg1[%get3A_1106] : memref<48xf32, #tpu.memory_space<smem>>
    %mul3A_1108 = vector.broadcast %get3A_1107 : f32 to vector<128x128xf32>
    %mul3A_1109 = arith.mulf %max3A_420, %mul3A_1108 : vector<128x128xf32>
    %add3A_1110 = arith.addf %add3A_1105, %mul3A_1109 : vector<128x128xf32>
    %get3A_1111 = arith.constant 9 : index
    %get3A_1112 = memref.load %arg1[%get3A_1111] : memref<48xf32, #tpu.memory_space<smem>>
    %mul3A_1113 = vector.broadcast %get3A_1112 : f32 to vector<128x128xf32>
    %mul3A_1114 = arith.mulf %max3A_472, %mul3A_1113 : vector<128x128xf32>
    %add3A_1115 = arith.addf %add3A_1110, %mul3A_1114 : vector<128x128xf32>
    %get3A_1116 = arith.constant 12 : index
    %get3A_1117 = memref.load %arg1[%get3A_1116] : memref<48xf32, #tpu.memory_space<smem>>
    %mul3A_1118 = vector.broadcast %get3A_1117 : f32 to vector<128x128xf32>
    %mul3A_1119 = arith.mulf %max3A_524, %mul3A_1118 : vector<128x128xf32>
    %add3A_1120 = arith.addf %add3A_1115, %mul3A_1119 : vector<128x128xf32>
    %get3A_1121 = arith.constant 15 : index
    %get3A_1122 = memref.load %arg1[%get3A_1121] : memref<48xf32, #tpu.memory_space<smem>>
    %mul3A_1123 = vector.broadcast %get3A_1122 : f32 to vector<128x128xf32>
    %mul3A_1124 = arith.mulf %max3A_576, %mul3A_1123 : vector<128x128xf32>
    %add3A_1125 = arith.addf %add3A_1120, %mul3A_1124 : vector<128x128xf32>
    %get3A_1126 = arith.constant 18 : index
    %get3A_1127 = memref.load %arg1[%get3A_1126] : memref<48xf32, #tpu.memory_space<smem>>
    %mul3A_1128 = vector.broadcast %get3A_1127 : f32 to vector<128x128xf32>
    %mul3A_1129 = arith.mulf %max3A_628, %mul3A_1128 : vector<128x128xf32>
    %add3A_1130 = arith.addf %add3A_1125, %mul3A_1129 : vector<128x128xf32>
    %get3A_1131 = arith.constant 21 : index
    %get3A_1132 = memref.load %arg1[%get3A_1131] : memref<48xf32, #tpu.memory_space<smem>>
    %mul3A_1133 = vector.broadcast %get3A_1132 : f32 to vector<128x128xf32>
    %mul3A_1134 = arith.mulf %max3A_680, %mul3A_1133 : vector<128x128xf32>
    %add3A_1135 = arith.addf %add3A_1130, %mul3A_1134 : vector<128x128xf32>
    %get3A_1136 = arith.constant 24 : index
    %get3A_1137 = memref.load %arg1[%get3A_1136] : memref<48xf32, #tpu.memory_space<smem>>
    %mul3A_1138 = vector.broadcast %get3A_1137 : f32 to vector<128x128xf32>
    %mul3A_1139 = arith.mulf %max3A_732, %mul3A_1138 : vector<128x128xf32>
    %add3A_1140 = arith.addf %add3A_1135, %mul3A_1139 : vector<128x128xf32>
    %get3A_1141 = arith.constant 27 : index
    %get3A_1142 = memref.load %arg1[%get3A_1141] : memref<48xf32, #tpu.memory_space<smem>>
    %mul3A_1143 = vector.broadcast %get3A_1142 : f32 to vector<128x128xf32>
    %mul3A_1144 = arith.mulf %max3A_784, %mul3A_1143 : vector<128x128xf32>
    %add3A_1145 = arith.addf %add3A_1140, %mul3A_1144 : vector<128x128xf32>
    %get3A_1146 = arith.constant 30 : index
    %get3A_1147 = memref.load %arg1[%get3A_1146] : memref<48xf32, #tpu.memory_space<smem>>
    %mul3A_1148 = vector.broadcast %get3A_1147 : f32 to vector<128x128xf32>
    %mul3A_1149 = arith.mulf %max3A_836, %mul3A_1148 : vector<128x128xf32>
    %add3A_1150 = arith.addf %add3A_1145, %mul3A_1149 : vector<128x128xf32>
    %get3A_1151 = arith.constant 33 : index
    %get3A_1152 = memref.load %arg1[%get3A_1151] : memref<48xf32, #tpu.memory_space<smem>>
    %mul3A_1153 = vector.broadcast %get3A_1152 : f32 to vector<128x128xf32>
    %mul3A_1154 = arith.mulf %max3A_888, %mul3A_1153 : vector<128x128xf32>
    %add3A_1155 = arith.addf %add3A_1150, %mul3A_1154 : vector<128x128xf32>
    %get3A_1156 = arith.constant 36 : index
    %get3A_1157 = memref.load %arg1[%get3A_1156] : memref<48xf32, #tpu.memory_space<smem>>
    %mul3A_1158 = vector.broadcast %get3A_1157 : f32 to vector<128x128xf32>
    %mul3A_1159 = arith.mulf %max3A_940, %mul3A_1158 : vector<128x128xf32>
    %add3A_1160 = arith.addf %add3A_1155, %mul3A_1159 : vector<128x128xf32>
    %get3A_1161 = arith.constant 39 : index
    %get3A_1162 = memref.load %arg1[%get3A_1161] : memref<48xf32, #tpu.memory_space<smem>>
    %mul3A_1163 = vector.broadcast %get3A_1162 : f32 to vector<128x128xf32>
    %mul3A_1164 = arith.mulf %max3A_992, %mul3A_1163 : vector<128x128xf32>
    %add3A_1165 = arith.addf %add3A_1160, %mul3A_1164 : vector<128x128xf32>
    %get3A_1166 = arith.constant 42 : index
    %get3A_1167 = memref.load %arg1[%get3A_1166] : memref<48xf32, #tpu.memory_space<smem>>
    %mul3A_1168 = vector.broadcast %get3A_1167 : f32 to vector<128x128xf32>
    %mul3A_1169 = arith.mulf %max3A_1044, %mul3A_1168 : vector<128x128xf32>
    %add3A_1170 = arith.addf %add3A_1165, %mul3A_1169 : vector<128x128xf32>
    %get3A_1171 = arith.constant 45 : index
    %get3A_1172 = memref.load %arg1[%get3A_1171] : memref<48xf32, #tpu.memory_space<smem>>
    %mul3A_1173 = vector.broadcast %get3A_1172 : f32 to vector<128x128xf32>
    %mul3A_1174 = arith.mulf %max3A_1096, %mul3A_1173 : vector<128x128xf32>
    %add3A_1175 = arith.addf %add3A_1170, %mul3A_1174 : vector<128x128xf32>
    %mul3A_1176 = arith.constant 0.0255155191 : f32
    %mul3A_1177 = vector.broadcast %mul3A_1176 : f32 to vector<128x128xf32>
    %mul3A_1178 = arith.mulf %add3A_1175, %mul3A_1177 : vector<128x128xf32>
    %swap3A = arith.constant 0 : index
    %swap3A_1179 = arith.constant 0 : index
    %swap3A_1180 = arith.constant 0 : index
    %swap3A_1181 = vector.load %arg2[%swap3A, %swap3A_1179, %swap3A_1180] : memref<4x128x128xf32, #tpu.memory_space<vmem>>, vector<1x128x128xf32>
    %swap3A_1182 = vector.shape_cast %swap3A_1181 : vector<1x128x128xf32> to vector<128x128xf32>
    %swap3A_1183 = vector.shape_cast %mul3A_1178 : vector<128x128xf32> to vector<1x128x128xf32>
    tpu.vector_store %arg2[%swap3A, %swap3A_1179, %swap3A_1180], %swap3A_1183 {strides = array<i32>} : memref<4x128x128xf32, #tpu.memory_space<vmem>>, vector<1x128x128xf32>,
    %get3A_1184 = arith.constant 1 : index
    %get3A_1185 = memref.load %arg1[%get3A_1184] : memref<48xf32, #tpu.memory_space<smem>>
    %mul3A_1186 = vector.broadcast %get3A_1185 : f32 to vector<128x128xf32>
    %mul3A_1187 = arith.mulf %max3A_316, %mul3A_1186 : vector<128x128xf32>
    %get3A_1188 = arith.constant 4 : index
    %get3A_1189 = memref.load %arg1[%get3A_1188] : memref<48xf32, #tpu.memory_space<smem>>
    %mul3A_1190 = vector.broadcast %get3A_1189 : f32 to vector<128x128xf32>
    %mul3A_1191 = arith.mulf %max3A_368, %mul3A_1190 : vector<128x128xf32>
    %add3A_1192 = arith.addf %mul3A_1187, %mul3A_1191 : vector<128x128xf32>
    %get3A_1193 = arith.constant 7 : index
    %get3A_1194 = memref.load %arg1[%get3A_1193] : memref<48xf32, #tpu.memory_space<smem>>
    %mul3A_1195 = vector.broadcast %get3A_1194 : f32 to vector<128x128xf32>
    %mul3A_1196 = arith.mulf %max3A_420, %mul3A_1195 : vector<128x128xf32>
    %add3A_1197 = arith.addf %add3A_1192, %mul3A_1196 : vector<128x128xf32>
    %get3A_1198 = arith.constant 10 : index
    %get3A_1199 = memref.load %arg1[%get3A_1198] : memref<48xf32, #tpu.memory_space<smem>>
    %mul3A_1200 = vector.broadcast %get3A_1199 : f32 to vector<128x128xf32>
    %mul3A_1201 = arith.mulf %max3A_472, %mul3A_1200 : vector<128x128xf32>
    %add3A_1202 = arith.addf %add3A_1197, %mul3A_1201 : vector<128x128xf32>
    %get3A_1203 = arith.constant 13 : index
    %get3A_1204 = memref.load %arg1[%get3A_1203] : memref<48xf32, #tpu.memory_space<smem>>
    %mul3A_1205 = vector.broadcast %get3A_1204 : f32 to vector<128x128xf32>
    %mul3A_1206 = arith.mulf %max3A_524, %mul3A_1205 : vector<128x128xf32>
    %add3A_1207 = arith.addf %add3A_1202, %mul3A_1206 : vector<128x128xf32>
    %get3A_1208 = arith.constant 16 : index
    %get3A_1209 = memref.load %arg1[%get3A_1208] : memref<48xf32, #tpu.memory_space<smem>>
    %mul3A_1210 = vector.broadcast %get3A_1209 : f32 to vector<128x128xf32>
    %mul3A_1211 = arith.mulf %max3A_576, %mul3A_1210 : vector<128x128xf32>
    %add3A_1212 = arith.addf %add3A_1207, %mul3A_1211 : vector<128x128xf32>
    %get3A_1213 = arith.constant 19 : index
    %get3A_1214 = memref.load %arg1[%get3A_1213] : memref<48xf32, #tpu.memory_space<smem>>
    %mul3A_1215 = vector.broadcast %get3A_1214 : f32 to vector<128x128xf32>
    %mul3A_1216 = arith.mulf %max3A_628, %mul3A_1215 : vector<128x128xf32>
    %add3A_1217 = arith.addf %add3A_1212, %mul3A_1216 : vector<128x128xf32>
    %get3A_1218 = arith.constant 22 : index
    %get3A_1219 = memref.load %arg1[%get3A_1218] : memref<48xf32, #tpu.memory_space<smem>>
    %mul3A_1220 = vector.broadcast %get3A_1219 : f32 to vector<128x128xf32>
    %mul3A_1221 = arith.mulf %max3A_680, %mul3A_1220 : vector<128x128xf32>
    %add3A_1222 = arith.addf %add3A_1217, %mul3A_1221 : vector<128x128xf32>
    %get3A_1223 = arith.constant 25 : index
    %get3A_1224 = memref.load %arg1[%get3A_1223] : memref<48xf32, #tpu.memory_space<smem>>
    %mul3A_1225 = vector.broadcast %get3A_1224 : f32 to vector<128x128xf32>
    %mul3A_1226 = arith.mulf %max3A_732, %mul3A_1225 : vector<128x128xf32>
    %add3A_1227 = arith.addf %add3A_1222, %mul3A_1226 : vector<128x128xf32>
    %get3A_1228 = arith.constant 28 : index
    %get3A_1229 = memref.load %arg1[%get3A_1228] : memref<48xf32, #tpu.memory_space<smem>>
    %mul3A_1230 = vector.broadcast %get3A_1229 : f32 to vector<128x128xf32>
    %mul3A_1231 = arith.mulf %max3A_784, %mul3A_1230 : vector<128x128xf32>
    %add3A_1232 = arith.addf %add3A_1227, %mul3A_1231 : vector<128x128xf32>
    %get3A_1233 = arith.constant 31 : index
    %get3A_1234 = memref.load %arg1[%get3A_1233] : memref<48xf32, #tpu.memory_space<smem>>
    %mul3A_1235 = vector.broadcast %get3A_1234 : f32 to vector<128x128xf32>
    %mul3A_1236 = arith.mulf %max3A_836, %mul3A_1235 : vector<128x128xf32>
    %add3A_1237 = arith.addf %add3A_1232, %mul3A_1236 : vector<128x128xf32>
    %get3A_1238 = arith.constant 34 : index
    %get3A_1239 = memref.load %arg1[%get3A_1238] : memref<48xf32, #tpu.memory_space<smem>>
    %mul3A_1240 = vector.broadcast %get3A_1239 : f32 to vector<128x128xf32>
    %mul3A_1241 = arith.mulf %max3A_888, %mul3A_1240 : vector<128x128xf32>
    %add3A_1242 = arith.addf %add3A_1237, %mul3A_1241 : vector<128x128xf32>
    %get3A_1243 = arith.constant 37 : index
    %get3A_1244 = memref.load %arg1[%get3A_1243] : memref<48xf32, #tpu.memory_space<smem>>
    %mul3A_1245 = vector.broadcast %get3A_1244 : f32 to vector<128x128xf32>
    %mul3A_1246 = arith.mulf %max3A_940, %mul3A_1245 : vector<128x128xf32>
    %add3A_1247 = arith.addf %add3A_1242, %mul3A_1246 : vector<128x128xf32>
    %get3A_1248 = arith.constant 40 : index
    %get3A_1249 = memref.load %arg1[%get3A_1248] : memref<48xf32, #tpu.memory_space<smem>>
    %mul3A_1250 = vector.broadcast %get3A_1249 : f32 to vector<128x128xf32>
    %mul3A_1251 = arith.mulf %max3A_992, %mul3A_1250 : vector<128x128xf32>
    %add3A_1252 = arith.addf %add3A_1247, %mul3A_1251 : vector<128x128xf32>
    %get3A_1253 = arith.constant 43 : index
    %get3A_1254 = memref.load %arg1[%get3A_1253] : memref<48xf32, #tpu.memory_space<smem>>
    %mul3A_1255 = vector.broadcast %get3A_1254 : f32 to vector<128x128xf32>
    %mul3A_1256 = arith.mulf %max3A_1044, %mul3A_1255 : vector<128x128xf32>
    %add3A_1257 = arith.addf %add3A_1252, %mul3A_1256 : vector<128x128xf32>
    %get3A_1258 = arith.constant 46 : index
    %get3A_1259 = memref.load %arg1[%get3A_1258] : memref<48xf32, #tpu.memory_space<smem>>
    %mul3A_1260 = vector.broadcast %get3A_1259 : f32 to vector<128x128xf32>
    %mul3A_1261 = arith.mulf %max3A_1096, %mul3A_1260 : vector<128x128xf32>
    %add3A_1262 = arith.addf %add3A_1257, %mul3A_1261 : vector<128x128xf32>
    %mul3A_1263 = arith.constant 0.0255155191 : f32
    %mul3A_1264 = vector.broadcast %mul3A_1263 : f32 to vector<128x128xf32>
    %mul3A_1265 = arith.mulf %add3A_1262, %mul3A_1264 : vector<128x128xf32>
    %swap3A_1266 = arith.constant 1 : index
    %swap3A_1267 = arith.constant 0 : index
    %swap3A_1268 = arith.constant 0 : index
    %swap3A_1269 = vector.load %arg2[%swap3A_1266, %swap3A_1267, %swap3A_1268] : memref<4x128x128xf32, #tpu.memory_space<vmem>>, vector<1x128x128xf32>
    %swap3A_1270 = vector.shape_cast %swap3A_1269 : vector<1x128x128xf32> to vector<128x128xf32>
    %swap3A_1271 = vector.shape_cast %mul3A_1265 : vector<128x128xf32> to vector<1x128x128xf32>
    tpu.vector_store %arg2[%swap3A_1266, %swap3A_1267, %swap3A_1268], %swap3A_1271 {strides = array<i32>} : memref<4x128x128xf32, #tpu.memory_space<vmem>>, vector<1x128x128xf32>,
    %get3A_1272 = arith.constant 2 : index
    %get3A_1273 = memref.load %arg1[%get3A_1272] : memref<48xf32, #tpu.memory_space<smem>>
    %mul3A_1274 = vector.broadcast %get3A_1273 : f32 to vector<128x128xf32>
    %mul3A_1275 = arith.mulf %max3A_316, %mul3A_1274 : vector<128x128xf32>
    %get3A_1276 = arith.constant 5 : index
    %get3A_1277 = memref.load %arg1[%get3A_1276] : memref<48xf32, #tpu.memory_space<smem>>
    %mul3A_1278 = vector.broadcast %get3A_1277 : f32 to vector<128x128xf32>
    %mul3A_1279 = arith.mulf %max3A_368, %mul3A_1278 : vector<128x128xf32>
    %add3A_1280 = arith.addf %mul3A_1275, %mul3A_1279 : vector<128x128xf32>
    %get3A_1281 = arith.constant 8 : index
    %get3A_1282 = memref.load %arg1[%get3A_1281] : memref<48xf32, #tpu.memory_space<smem>>
    %mul3A_1283 = vector.broadcast %get3A_1282 : f32 to vector<128x128xf32>
    %mul3A_1284 = arith.mulf %max3A_420, %mul3A_1283 : vector<128x128xf32>
    %add3A_1285 = arith.addf %add3A_1280, %mul3A_1284 : vector<128x128xf32>
    %get3A_1286 = arith.constant 11 : index
    %get3A_1287 = memref.load %arg1[%get3A_1286] : memref<48xf32, #tpu.memory_space<smem>>
    %mul3A_1288 = vector.broadcast %get3A_1287 : f32 to vector<128x128xf32>
    %mul3A_1289 = arith.mulf %max3A_472, %mul3A_1288 : vector<128x128xf32>
    %add3A_1290 = arith.addf %add3A_1285, %mul3A_1289 : vector<128x128xf32>
    %get3A_1291 = arith.constant 14 : index
    %get3A_1292 = memref.load %arg1[%get3A_1291] : memref<48xf32, #tpu.memory_space<smem>>
    %mul3A_1293 = vector.broadcast %get3A_1292 : f32 to vector<128x128xf32>
    %mul3A_1294 = arith.mulf %max3A_524, %mul3A_1293 : vector<128x128xf32>
    %add3A_1295 = arith.addf %add3A_1290, %mul3A_1294 : vector<128x128xf32>
    %get3A_1296 = arith.constant 17 : index
    %get3A_1297 = memref.load %arg1[%get3A_1296] : memref<48xf32, #tpu.memory_space<smem>>
    %mul3A_1298 = vector.broadcast %get3A_1297 : f32 to vector<128x128xf32>
    %mul3A_1299 = arith.mulf %max3A_576, %mul3A_1298 : vector<128x128xf32>
    %add3A_1300 = arith.addf %add3A_1295, %mul3A_1299 : vector<128x128xf32>
    %get3A_1301 = arith.constant 20 : index
    %get3A_1302 = memref.load %arg1[%get3A_1301] : memref<48xf32, #tpu.memory_space<smem>>
    %mul3A_1303 = vector.broadcast %get3A_1302 : f32 to vector<128x128xf32>
    %mul3A_1304 = arith.mulf %max3A_628, %mul3A_1303 : vector<128x128xf32>
    %add3A_1305 = arith.addf %add3A_1300, %mul3A_1304 : vector<128x128xf32>
    %get3A_1306 = arith.constant 23 : index
    %get3A_1307 = memref.load %arg1[%get3A_1306] : memref<48xf32, #tpu.memory_space<smem>>
    %mul3A_1308 = vector.broadcast %get3A_1307 : f32 to vector<128x128xf32>
    %mul3A_1309 = arith.mulf %max3A_680, %mul3A_1308 : vector<128x128xf32>
    %add3A_1310 = arith.addf %add3A_1305, %mul3A_1309 : vector<128x128xf32>
    %get3A_1311 = arith.constant 26 : index
    %get3A_1312 = memref.load %arg1[%get3A_1311] : memref<48xf32, #tpu.memory_space<smem>>
    %mul3A_1313 = vector.broadcast %get3A_1312 : f32 to vector<128x128xf32>
    %mul3A_1314 = arith.mulf %max3A_732, %mul3A_1313 : vector<128x128xf32>
    %add3A_1315 = arith.addf %add3A_1310, %mul3A_1314 : vector<128x128xf32>
    %get3A_1316 = arith.constant 29 : index
    %get3A_1317 = memref.load %arg1[%get3A_1316] : memref<48xf32, #tpu.memory_space<smem>>
    %mul3A_1318 = vector.broadcast %get3A_1317 : f32 to vector<128x128xf32>
    %mul3A_1319 = arith.mulf %max3A_784, %mul3A_1318 : vector<128x128xf32>
    %add3A_1320 = arith.addf %add3A_1315, %mul3A_1319 : vector<128x128xf32>
    %get3A_1321 = arith.constant 32 : index
    %get3A_1322 = memref.load %arg1[%get3A_1321] : memref<48xf32, #tpu.memory_space<smem>>
    %mul3A_1323 = vector.broadcast %get3A_1322 : f32 to vector<128x128xf32>
    %mul3A_1324 = arith.mulf %max3A_836, %mul3A_1323 : vector<128x128xf32>
    %add3A_1325 = arith.addf %add3A_1320, %mul3A_1324 : vector<128x128xf32>
    %get3A_1326 = arith.constant 35 : index
    %get3A_1327 = memref.load %arg1[%get3A_1326] : memref<48xf32, #tpu.memory_space<smem>>
    %mul3A_1328 = vector.broadcast %get3A_1327 : f32 to vector<128x128xf32>
    %mul3A_1329 = arith.mulf %max3A_888, %mul3A_1328 : vector<128x128xf32>
    %add3A_1330 = arith.addf %add3A_1325, %mul3A_1329 : vector<128x128xf32>
    %get3A_1331 = arith.constant 38 : index
    %get3A_1332 = memref.load %arg1[%get3A_1331] : memref<48xf32, #tpu.memory_space<smem>>
    %mul3A_1333 = vector.broadcast %get3A_1332 : f32 to vector<128x128xf32>
    %mul3A_1334 = arith.mulf %max3A_940, %mul3A_1333 : vector<128x128xf32>
    %add3A_1335 = arith.addf %add3A_1330, %mul3A_1334 : vector<128x128xf32>
    %get3A_1336 = arith.constant 41 : index
    %get3A_1337 = memref.load %arg1[%get3A_1336] : memref<48xf32, #tpu.memory_space<smem>>
    %mul3A_1338 = vector.broadcast %get3A_1337 : f32 to vector<128x128xf32>
    %mul3A_1339 = arith.mulf %max3A_992, %mul3A_1338 : vector<128x128xf32>
    %add3A_1340 = arith.addf %add3A_1335, %mul3A_1339 : vector<128x128xf32>
    %get3A_1341 = arith.constant 44 : index
    %get3A_1342 = memref.load %arg1[%get3A_1341] : memref<48xf32, #tpu.memory_space<smem>>
    %mul3A_1343 = vector.broadcast %get3A_1342 : f32 to vector<128x128xf32>
    %mul3A_1344 = arith.mulf %max3A_1044, %mul3A_1343 : vector<128x128xf32>
    %add3A_1345 = arith.addf %add3A_1340, %mul3A_1344 : vector<128x128xf32>
    %get3A_1346 = arith.constant 47 : index
    %get3A_1347 = memref.load %arg1[%get3A_1346] : memref<48xf32, #tpu.memory_space<smem>>
    %mul3A_1348 = vector.broadcast %get3A_1347 : f32 to vector<128x128xf32>
    %mul3A_1349 = arith.mulf %max3A_1096, %mul3A_1348 : vector<128x128xf32>
    %add3A_1350 = arith.addf %add3A_1345, %mul3A_1349 : vector<128x128xf32>
    %mul3A_1351 = arith.constant 0.0255155191 : f32
    %mul3A_1352 = vector.broadcast %mul3A_1351 : f32 to vector<128x128xf32>
    %mul3A_1353 = arith.mulf %add3A_1350, %mul3A_1352 : vector<128x128xf32>
    %swap3A_1354 = arith.constant 2 : index
    %swap3A_1355 = arith.constant 0 : index
    %swap3A_1356 = arith.constant 0 : index
    %swap3A_1357 = vector.load %arg2[%swap3A_1354, %swap3A_1355, %swap3A_1356] : memref<4x128x128xf32, #tpu.memory_space<vmem>>, vector<1x128x128xf32>
    %swap3A_1358 = vector.shape_cast %swap3A_1357 : vector<1x128x128xf32> to vector<128x128xf32>
    %swap3A_1359 = vector.shape_cast %mul3A_1353 : vector<128x128xf32> to vector<1x128x128xf32>
    tpu.vector_store %arg2[%swap3A_1354, %swap3A_1355, %swap3A_1356], %swap3A_1359 {strides = array<i32>} : memref<4x128x128xf32, #tpu.memory_space<vmem>>, vector<1x128x128xf32>,
    %broadcast_in_dim3A_1360 = arith.constant 0.000000e+00 : f32
    %broadcast_in_dim3A_1361 = vector.broadcast %broadcast_in_dim3A_1360 : f32 to vector<128x128xf32>
    %swap3A_1362 = arith.constant 3 : index
    %swap3A_1363 = arith.constant 0 : index
    %swap3A_1364 = arith.constant 0 : index
    %swap3A_1365 = vector.load %arg2[%swap3A_1362, %swap3A_1363, %swap3A_1364] : memref<4x128x128xf32, #tpu.memory_space<vmem>>, vector<1x128x128xf32>
    %swap3A_1366 = vector.shape_cast %swap3A_1365 : vector<1x128x128xf32> to vector<128x128xf32>
    %swap3A_1367 = vector.shape_cast %broadcast_in_dim3A_1361 : vector<128x128xf32> to vector<1x128x128xf32>
    tpu.vector_store %arg2[%swap3A_1362, %swap3A_1363, %swap3A_1364], %swap3A_1367 {strides = array<i32>} : memref<4x128x128xf32, #tpu.memory_space<vmem>>, vector<1x128x128xf32>,
    return
  }
}

</mosaic_0001>

<sc_bundles>
// kernel: kernel.4.cloned.1.call-start
scs
__scs_entry_jumppad:
0x0: {  	(pc) =	sbr.rel $0x88, $3  }
0x1: {  	(tag) =	ssettag $0x0;
	lr =	simm.s32 $0x1  }
0x2: {  	[smem:$0x3F9C] =	sst lr;
	_ =	strace $0xD0000000  }
0x3: {  	_ = 	snop  }
0x4: {  	_ = 	snop  }
0x5: {  	_ = 	snop  }
0x6: {  	_ = 	snop  }
0x7: {  	_ = 	snop  }
__scs_overlays_trampoline_lowered:
0x8: {  	[smem:$0x3FAB] =	sst s0  }
0x9: {  	[smem:$0x3FAC] =	sst s1  }
0xa: {  	[smem:$0x3FAD] =	sst s2  }
0xb: {  	[smem:$0x3FAE] =	sst s3  }
0xc: {  	[smem:$0x3FAF] =	sst s4  }
0xd: {  	[smem:$0x3FB0] =	sst s5  }
0xe: {  	[smem:$0x3FB1] =	sst s6  }
0xf: {  	[smem:$0x3FB2] =	sst s7  }
0x10: {  	[smem:$0x3FB3] =	sst s8  }
0x11: {  	[smem:$0x3FB4] =	sst s9;
	s0 =	simm.s32 @!p0 $0x0  }
0x12: {  	s1 =	sld [smem:$0x3F9A];
	s0 =	simm.s32 @p0 $0x1  }
0x13: {  	[smem:$0x3FB5] =	sst s0;
	s0 =	simm.s32 @!p1 $0x0  }
0x14: {  	s2 =	sld [smem:$0x3F99];
	s0 =	simm.s32 @p1 $0x1  }
0x15: {  	[smem:$0x3FB6] =	sst s0;
	s0 =	simm.s32 @!p2 $0x0  }
0x16: {  	s3 =	sld [smem:$0x3FDB];
	s0 =	simm.s32 @p2 $0x1  }
0x17: {  	s4 =	simm.s32 $0x1BF5;
	[smem:$0x3FB8] =	sst s0  }
0x18: {  	s0 =	sld [smem:$0x3F9B];
	_ =	swait.ge [sflag:s4], $0x0  }
0x19: {  	s7 =	sld [smem:$0x3F9C]  }
0x1a: {  	s8 =	sadd.s32 $0xFFFFE003, lr  }
0x1b: {  	s9 =	sadd.s32 $0xFFFFFEF7, lr;
	s5 =	simm.s32 $0xFFFFFFFF;
	p2 =	slt.u32 s8, $0xFFFFF086  }
0x1c: {  	p1 =	slt.u32 s9, $0xF7A;
	s5 =	simm.s32 @!p2 $0x0  }
0x1d: {  	s5 =	simm.s32 @p1 $0x1;
	p0 =	seq.s32 s7, s2  }
0x1e: {  	s7 =	smul.u32 @!p0 $0xF7A, s2;
	p2 =	seq.s32 @!p0 s5, $0x0  }
0x1f: {  	s9 =	smul.u32 $0xF7A, s1;
	s8 =	simm.s32 @!p0 $0x1BF5;
	p2 =	por !p2, p0  }
0x20: {  	[sflag:s8] =	ssyncset.s32 @!p0 $0xFFFFF086;
	s6 =	sadd.s32 @!p0 s3, s7;
	s7 =	simm.s32 @!p0 $0x108  }
0x21: {  	s3 =	sadd.s32 s3, s9;
	s6 =	sadd.s32 @!p0 $0x88, s6;
	s7 =	simm.s32 @p2 $0x1082  }
0x22: {  	[simem:s7], [sflag:s8] =	dma.local @!p0 [hbm:s6], $0xF7A  }
0x23: {  	s9 =	sor.u32 $0xD0000000, s2;
	s6 =	simm.s32 $0x108;
	_ =	swait.ge @!p0 [sflag:s8], $0x0  }
0x24: {  	s3 =	sadd.s32 $0x88, s3;
	s6 =	simm.s32 @!p1 $0x1082;
	[sflag:s4] =	ssyncset.s32 $0xFFFFF086  }
0x25: {  	[simem:s6], [sflag:s4] =	dma.local [hbm:s3], $0xF7A  }
0x26: {  	[smem:$0x3F9C] =	sst s1;
	(tag) =	ssettag s2;
	_ =	strace s9  }
0x27: {  	s1 =	sld [smem:$0x3FAC]  }
0x28: {  	s2 =	sld [smem:$0x3FAD]  }
0x29: {  	s4 =	sld [smem:$0x3FAF]  }
0x2a: {  	p0 =	seq.s32 s5, $0x0;
	s5 =	sld [smem:$0x3FB0]  }
0x2b: {  	s6 =	sld [smem:$0x3FB1]  }
0x2c: {  	s7 =	sld [smem:$0x3FB2]  }
0x2d: {  	s3 =	simm.s32 $0x108;
	s8 =	sld [smem:$0x3FB3]  }
0x2e: {  	s3 =	simm.s32 @!p0 $0x1082;
	s9 =	sld [smem:$0x3FB4]  }
0x2f: {  	lr =	sadd.s32 s0, s3;
	s0 =	sld [smem:$0x3FAB]  }
0x30: {  	s3 =	sld [smem:$0x3FAE]  }
0x31: {  	[smem:$0x3FB7] =	sst s10  }
0x32: {  	s10 =	sld [smem:$0x3FB5];
	_ =	sdelay $0x3  }
0x33: {  	p0 =	seq.s32 s10, $0x1;
	s10 =	sld [smem:$0x3FB7];
	_ =	sdelay $0x3  }
0x34: {  	[smem:$0x3FB7] =	sst s10  }
0x35: {  	s10 =	sld [smem:$0x3FB6];
	_ =	sdelay $0x3  }
0x36: {  	p1 =	seq.s32 s10, $0x1;
	s10 =	sld [smem:$0x3FB7];
	_ =	sdelay $0x3  }
0x37: {  	[smem:$0x3FB7] =	sst s10  }
0x38: {  	s10 =	sld [smem:$0x3FB8]  }
0x39: {  	_ = 	snop;
	(pc) =	sbr.ind lr, $3  }
0x3a: {  	_ = 	snop  }
0x3b: {  	_ = 	snop  }
0x3c: {  	p2 =	seq.s32 s10, $0x1;
	s10 =	sld [smem:$0x3FB7]  }
0x3d: {  	_ =	shalt  }
0x3e: {  	_ =	shalt  }
0x3f: {  	_ =	shalt  }
0x40: {  	_ =	shalt  }
0x41: {  	_ =	shalt  }
0x42: {  	_ =	shalt  }
0x43: {  	_ =	shalt  }
0x44: {  	_ =	shalt  }
0x45: {  	_ =	shalt  }
0x46: {  	_ =	shalt  }
0x47: {  	_ =	shalt  }
0x48: {  	_ =	shalt  }
0x49: {  	_ =	shalt  }
0x4a: {  	_ =	shalt  }
0x4b: {  	_ =	shalt  }
0x4c: {  	_ =	shalt  }
0x4d: {  	_ =	shalt  }
0x4e: {  	_ =	shalt  }
0x4f: {  	_ =	shalt  }
0x50: {  	_ =	shalt  }
0x51: {  	_ =	shalt  }
0x52: {  	_ =	shalt  }
0x53: {  	_ =	shalt  }
0x54: {  	_ =	shalt  }
0x55: {  	_ =	shalt  }
0x56: {  	_ =	shalt  }
0x57: {  	_ =	shalt  }
0x58: {  	_ =	shalt  }
0x59: {  	_ =	shalt  }
0x5a: {  	_ =	shalt  }
0x5b: {  	_ =	shalt  }
0x5c: {  	_ =	shalt  }
0x5d: {  	_ =	shalt  }
0x5e: {  	_ =	shalt  }
0x5f: {  	_ =	shalt  }
0x60: {  	_ =	shalt  }
0x61: {  	_ =	shalt  }
0x62: {  	_ =	shalt  }
0x63: {  	_ =	shalt  }
0x64: {  	_ =	shalt  }
0x65: {  	_ =	shalt  }
0x66: {  	_ =	shalt  }
0x67: {  	_ =	shalt  }
0x68: {  	_ =	shalt  }
0x69: {  	_ =	shalt  }
0x6a: {  	_ =	shalt  }
0x6b: {  	_ =	shalt  }
0x6c: {  	_ =	shalt  }
0x6d: {  	_ =	shalt  }
0x6e: {  	_ =	shalt  }
0x6f: {  	_ =	shalt  }
0x70: {  	_ =	shalt  }
0x71: {  	_ =	shalt  }
0x72: {  	_ =	shalt  }
0x73: {  	_ =	shalt  }
0x74: {  	_ =	shalt  }
0x75: {  	_ =	shalt  }
0x76: {  	_ =	shalt  }
0x77: {  	_ =	shalt  }
0x78: {  	_ =	shalt  }
0x79: {  	_ =	shalt  }
0x7a: {  	_ =	shalt  }
0x7b: {  	_ =	shalt  }
0x7c: {  	_ =	shalt  }
0x7d: {  	_ =	shalt  }
0x7e: {  	_ =	shalt  }
0x7f: {  	_ =	shalt  }
0x80: {  	_ =	shalt  }
0x81: {  	_ =	shalt  }
0x82: {  	_ =	shalt  }
0x83: {  	_ =	shalt  }
0x84: {  	_ =	shalt  }
0x85: {  	_ =	shalt  }
0x86: {  	_ =	shalt  }
0x87: {  	_ =	shalt  }
.Lfunc_end0:
.L_simem_size_0:
called_computation_lowered:
.L_overlay_start_0:
0x88: {  	s2 =	sld [smem:$0x3FD9]  }
0x89: {  	s3 =	sld [smem:$0x3FFE];
	_ =	sdelay $0x1  }
0x8a: {  	s1 =	srdreg.scid  }
0x8b: {  	s0 =	sand.u32 $0x1, s1  }
0x8c: {  	s16 =	sshll.u32 s0, $0xA;
	s2 =	sadd.s32 s3, s2  }
0x8d: {  	s2 =	sadd.s32 s2, s16  }
0x8e: {  	[smem:$0x3FC3] =	sst s2  }
0x8f: {  	_ = 	snop  }
0x90: {  	(tm) =	ssettm $0x1  }
0x91: {  	s17 =	sld [smem:$0x3FFB];
	_ =	sdelay $0x3  }
0x92: {  	_ =	strace s17  }
0x93: {  	s2 =	sld [smem:$0x3FFC];
	_ =	sdelay $0x3  }
0x94: {  	_ =	strace s2  }
0x95: {  	s2 =	sld [smem:$0x3FFD];
	_ =	sdelay $0x3  }
0x96: {  	_ =	strace s2  }
0x97: {  	_ =	strace $0x8FFFFFFF  }
0x98: {  	s18 =	sld [smem:$0x3FDB];
	_ =	sdelay $0x1  }
0x99: {  	s19 =	simm.s32 $_scs_section_size  }
0x9a: {  	s4 =	simm.s32 $_size__tile_overlayer_lowered;
	s5 =	simm.s32 $_tile_overlayer_lowered  }
0x9b: {  	s22 =	simm.s32 $0x1BFF;
	s21 =	sshll.u32 s5, $0x1;
	s2 =	sadd.s32 s19, s18  }
0x9c: {  	s6 =	simm.s32 $0x0;
	s20 =	sshll.u32 s4, $0x1;
	s4 =	sadd.s32 s21, s2  }
0x9d: {  	[timem:s6], [sflag:s22] =	dma.local [hbm:s4], s20  }
0x9e: {  	_ =	swait.ge [sflag:s22], s20  }
0x9f: {  	s3 =	ssub.s32 $0x0, s20;
	[sflag:s22] =	ssyncset.done $0x0  }
0xa0: {  	[sflag:s22] =	ssyncadd.s32 s3;
	_ =	sdelay $0x1  }
0xa1: {  	s23 =	simm.s32 $0x1B8B  }
0xa2: {  	_ =	swait.ge [sflag:s23], $0x1  }
0xa3: {  	[sflag:s23] =	ssyncset.done $0x0  }
0xa4: {  	s25 =	simm.s32 $0x1B8E;
	s24 =	sld [smem:$0x3FFE];
	[sflag:s23] =	ssyncadd.s32 $0xFFFFFFFF  }
0xa5: {  	s26 =	simm.s32 $execute0_lowered;
	[smem:$0x3FD2] =	sst s25  }
0xa6: {  	s4 =	sshll.u32 s26, $0x1;
	_ =	strace $0x80000046;
	[dreg:$0x1] =	wrdreg $0xFFFFFFFF  }
0xa7: {  	s28 =	simm.s32 $_size_execute0_lowered;
	s2 =	sadd.s32 s2, s4;
	[dreg:$0x0] =	wrdreg $0x0  }
0xa8: {  	s4 =	sshll.u32 s28, $0x1;
	[dreg:$0x2] =	wrdreg s2  }
0xa9: {  	[dreg:$0x3] =	wrdreg s4  }
0xaa: {  	[dreg:$0x4] =	wrdreg $0xC0  }
0xab: {  	_ =	task [dreg:s6], $0x5FFFF  }
0xac: {  	[dreg:$0x1] =	wrdreg $0xFFFFFFFF  }
0xad: {  	[dreg:$0x0] =	wrdreg $0x60  }
0xae: {  	[dreg:$0x2] =	wrdreg s24  }
0xaf: {  	[dreg:$0x3] =	wrdreg $0x9  }
0xb0: {  	_ =	task.clear_ibuf [dreg:s6], $0x4FFFF;
	_ =	strace $0x90000046  }
0xb1: {  	s29 =	simm.s32 $0x9;
	_ =	strace $0x80000048  }
0xb2: {  	_ =	swait.ge [sflag:s29], $0x1  }
0xb3: {  	[sflag:s29] =	ssyncadd.s32 $0xFFFFFFFF  }
0xb4: {  	_ =	strace $0x90000048  }
0xb5: {  	_ =	sfence  }
0xb6: {  	s30 =	sld [smem:$0x0];
	_ =	sdelay $0x2  }
0xb7: {  	s31 =	sshll.u32 s1, $0xD;
	s1 =	sshrl.u32 s1, $0x2  }
0xb8: {  	s3 =	sand.u32 $0x4000, s31;
	s1 =	sadd.s32 s1, s30  }
0xb9: {  	s0 =	sor.u32 s3, s0;
	s1 =	sshll.u32 s1, $0x11  }
0xba: {  	s0 =	sor.u32 s1, s0  }
0xbb: {  	s0 =	sadd.s32 $0x8F2B, s0  }
0xbc: {  	[sflag:s0] =	ssyncadd.remote.s32 $0x1  }
0xbd: {  	_ =	sfence.sel $0xFFFF  }
0xbe: {  	[dreg:$0x0] =	wrdreg $0xFFFFFFFF;
	(pc) =	sbr.abs _section_cstart, $3  }
0xbf: {  	[dreg:$0x1] =	wrdreg $0xFFFFFFFF  }
0xc0: {  	_ =	task.clear_ibuf [dreg:s6], $0x2FFFF;
	_ =	strace $0x9FFFFFFF  }
0xc1: {  	(tm) =	ssettm $0x7FFFFFFF  }
tec
execute0_lowered:
.L_overlay_start_1:
0x0: {  	(tag) =	ssettag $0x1  }
0x1: {  	s0 =	rddreg [dreg:$0x0];
	s19 =	simm.s32 $0x0;
	s1 =	srdreg.scid  }
0x2: {  	s3 =	stileid.u32;
	s17 =	simm.s32 $0xA000;
	s21 =	simm.s32 $0x5  }
0x3: {  	s28 =	simm.s32 $0x400;
	s11 =	simm.s32 $0x8000;
	s12 =	simm.s32 $0x680  }
0x4: {  	s13 =	simm.s32 $0x8800;
	s15 =	simm.s32 $0x700;
	s16 =	simm.s32 $0x9000  }
0x5: {  	s18 =	simm.s32 $0x780;
	s22 =	simm.s32 $0x3;
	s29 =	simm.s32 $0x4  }
0x6: {  	[smem:$0x7FF] =	sst s19;
	s2 =	sadd.s32 $0x1800, s0;
	s4 =	sadd.s32 $0x158600, s0  }
0x7: {  	s5 =	sadd.s32 $0x32600, s0;
	s6 =	sadd.s32 $0x94600, s0;
	s7 =	sadd.s32 $0xF6600, s0  }
0x8: {  	s1 =	sand.u32 $0x1, s1;
	s3 =	sshll.u32 s3, $0x1;
	s8 =	sadd.s32 $0x1BA600, s0  }
0x9: {  	_ =	strace $0x80000047;
	[dreg:$0x2] =	wrdreg s8;
	s9 =	sor.u32 s1, s3  }
0xa: {  	s1 =	ssub.s32 $0x2, s1;
	s8 =	simm.s32 $0x7800;
	s3 =	sshll.u32 s9, $0x1  }
0xb: {  	s23 =	sshrl.u32 s1, $0x1;
	s10 =	sshll.u32 s9, $0x7;
	s14 =	sor.u32 $0x40, s9  }
0xc: {  	s0 =	sadd.s32 s3, s0;
	s1 =	ssub.s32 s1, s23;
	s24 =	sadd.s32 s4, s10  }
0xd: {  	s25 =	sadd.s32 s5, s10;
	s26 =	sadd.s32 s6, s10;
	[dreg:$0x3] =	wrdreg s24  }
0xe: {  	s30 =	sadd.s32 s7, s10;
	s23 =	simm.s32 $0x80;
	[dreg:$0x4] =	wrdreg s25  }
0xf: {  	s3 =	simm.s32 $0x6000;
	s10 =	simm.s32 $0x600;
	[dreg:$0x5] =	wrdreg s26  }
0x10: {  	[dreg:$0x6] =	wrdreg s30;
	s0 =	sadd.s32 $0x1BC600, s0;
	s31 =	smax.u32 s1, $0x1  }
0x11: {  	v0 =	vlaneseq.u32;
	s24 =	simm.s32 $0x2000;
	s1 =	simm.s32 $0x9800;
	[dreg:$0x7] =	wrdreg s0  }
0x12: {  	v0 =	vmul.u32 $0x10, v0;
	s25 =	simm.s32 $0x0;
	[dreg:$0x8] =	wrdreg s31;
	s0 =	simm.s32 $0x2  }
.LBB2_1:
0x13: {  	[dreg:$0x9] =	wrdreg s25  }
0x14: {  	s20 =	rddreg [dreg:$0x2]  }
0x15: {  	[tilespmem:s17], [sflag:$0x5] =	stream.linear.gather [hbm4b:s20+s19], $0x10000, $0x38;
	[tilespmem:$0x1A010] =	vst v63  }
0x16: {  	_ =	swait.ge [sflag:s21], $0x10000  }
0x17: {  	[sflag:s21] =	ssyncset.done $0x0  }
0x18: {  	s31 =	rddreg [dreg:$0x3];
	[sflag:s21] =	ssyncadd.s32 $0xFFFF0000  }
0x19: {  	[tilespmem:s19], [sflag:$0x1] =	stream.linear.gather [hbm4b:s31+s19], $0x400, $0x38;
	[tilespmem:$0x1A010] =	vst v63  }
0x1a: {  	s25 =	simm.s32 $0x800;
	s21 =	rddreg [dreg:$0x4]  }
0x1b: {  	[tilespmem:s25], [sflag:$0x1] =	stream.linear.gather [hbm4b:s21+s19], $0x400, $0x38;
	[tilespmem:$0x1A010] =	vst v63  }
0x1c: {  	s26 =	rddreg [dreg:$0x5];
	s31 =	simm.s32 $0x1000  }
0x1d: {  	[tilespmem:s31], [sflag:$0x1] =	stream.linear.gather [hbm4b:s26+s19], $0x400, $0x38;
	[tilespmem:$0x1A010] =	vst v63  }
0x1e: {  	s25 =	rddreg [dreg:$0x6];
	s26 =	simm.s32 $0x1800;
	s31 =	simm.s32 $0x1  }
0x1f: {  	[tilespmem:s26], [sflag:$0x1] =	stream.linear.gather [hbm4b:s25+s19], $0x400, $0x38;
	[tilespmem:$0x1A010] =	vst v63  }
0x20: {  	_ =	swait.ge [sflag:s31], $0x400  }
0x21: {  	[sflag:s31] =	ssyncset.done $0x0  }
0x22: {  	[sflag:s31] =	ssyncadd.s32 $0xFFFFFC00  }
0x23: {  	_ =	swait.ge [sflag:s31], $0x400  }
0x24: {  	[sflag:s31] =	ssyncset.done $0x0  }
0x25: {  	[sflag:s31] =	ssyncadd.s32 $0xFFFFFC00  }
0x26: {  	_ =	swait.ge [sflag:s31], $0x400  }
0x27: {  	[sflag:s31] =	ssyncset.done $0x0  }
0x28: {  	[sflag:s31] =	ssyncadd.s32 $0xFFFFFC00  }
0x29: {  	_ =	swait.ge [sflag:s31], $0x400  }
0x2a: {  	[sflag:s31] =	ssyncset.done $0x0  }
0x2b: {  	[sflag:s31] =	ssyncadd.s32 $0xFFFFFC00  }
0x2c: {  	[tilespmem:s24], [sflag:$0x3] =	stream.indirect.gather [hbm4b:s2+s23], $0x10, s19, s23, $0xb8;
	[tilespmem:$0x1A010] =	vst v63  }
0x2d: {  	s20 =	simm.s32 $0x2800  }
0x2e: {  	[tilespmem:s20], [sflag:$0x3] =	stream.indirect.gather [hbm4b:s2+s23], $0x10, s23, s23, $0xb8;
	[tilespmem:$0x1A010] =	vst v63  }
0x2f: {  	s21 =	simm.s32 $0x100;
	s25 =	simm.s32 $0x3000  }
0x30: {  	[tilespmem:s25], [sflag:$0x3] =	stream.indirect.gather [hbm4b:s2+s23], $0x10, s21, s23, $0xb8;
	[tilespmem:$0x1A010] =	vst v63  }
0x31: {  	s26 =	simm.s32 $0x180;
	s31 =	simm.s32 $0x3800  }
0x32: {  	[tilespmem:s31], [sflag:$0x3] =	stream.indirect.gather [hbm4b:s2+s23], $0x10, s26, s23, $0xb8;
	[tilespmem:$0x1A010] =	vst v63  }
0x33: {  	s21 =	simm.s32 $0x200;
	s25 =	simm.s32 $0x4000  }
0x34: {  	[tilespmem:s25], [sflag:$0x3] =	stream.indirect.gather [hbm4b:s2+s23], $0x10, s21, s23, $0xb8;
	[tilespmem:$0x1A010] =	vst v63  }
0x35: {  	s26 =	simm.s32 $0x280;
	s31 =	simm.s32 $0x4800  }
0x36: {  	[tilespmem:s31], [sflag:$0x3] =	stream.indirect.gather [hbm4b:s2+s23], $0x10, s26, s23, $0xb8;
	[tilespmem:$0x1A010] =	vst v63  }
0x37: {  	s21 =	simm.s32 $0x300;
	s25 =	simm.s32 $0x5000  }
0x38: {  	[tilespmem:s25], [sflag:$0x3] =	stream.indirect.gather [hbm4b:s2+s23], $0x10, s21, s23, $0xb8;
	[tilespmem:$0x1A010] =	vst v63  }
0x39: {  	s30 =	simm.s32 $0x0;
	s26 =	simm.s32 $0x380;
	s31 =	simm.s32 $0x5800  }
0x3a: {  	v1 =	vimm.f32 $0.0e+00;
	[tilespmem:s31], [sflag:$0x3] =	stream.indirect.gather [hbm4b:s2+s23], $0x10, s26, s23, $0xb8;
	[tilespmem:$0x1A010] =	vst v63  }
.LBB2_2:
0x3b: {  	s31 =	sshll.u32 s30, $0x6  }
0x3c: {  	s19 =	sor.u32 s31, s9  }
0x3d: {  	s19 =	sshll.u32 s19, $0x7  }
0x3e: {  	s19 =	sor.u32 $0x1000, s19  }
0x3f: {  	s20 =	simm.s32 $0x0;
	s21 =	sadd.s32 s4, s19  }
0x40: {  	[tilespmem:s28], [sflag:$0x2] =	stream.linear.gather [hbm4b:s21+s20], $0x400, $0x38;
	[tilespmem:$0x1A010] =	vst v63  }
0x41: {  	s25 =	simm.s32 $0xC00;
	s26 =	sadd.s32 s5, s19  }
0x42: {  	[tilespmem:s25], [sflag:$0x2] =	stream.linear.gather [hbm4b:s26+s20], $0x400, $0x38;
	[tilespmem:$0x1A010] =	vst v63  }
0x43: {  	s25 =	sadd.s32 s6, s19;
	s26 =	simm.s32 $0x1400  }
0x44: {  	[tilespmem:s26], [sflag:$0x2] =	stream.linear.gather [hbm4b:s25+s20], $0x400, $0x38;
	[tilespmem:$0x1A010] =	vst v63  }
0x45: {  	s19 =	sadd.s32 s7, s19;
	s26 =	simm.s32 $0x1C00  }
0x46: {  	[tilespmem:s26], [sflag:$0x2] =	stream.linear.gather [hbm4b:s19+s20], $0x400, $0x38;
	[tilespmem:$0x1A010] =	vst v63  }
0x47: {  	_ =	swait.ge [sflag:s0], $0x400  }
0x48: {  	[sflag:s0] =	ssyncset.done $0x0  }
0x49: {  	[sflag:s0] =	ssyncadd.s32 $0xFFFFFC00  }
0x4a: {  	_ =	swait.ge [sflag:s0], $0x400  }
0x4b: {  	[sflag:s0] =	ssyncset.done $0x0  }
0x4c: {  	[sflag:s0] =	ssyncadd.s32 $0xFFFFFC00  }
0x4d: {  	_ =	swait.ge [sflag:s0], $0x400  }
0x4e: {  	[sflag:s0] =	ssyncset.done $0x0  }
0x4f: {  	[sflag:s0] =	ssyncadd.s32 $0xFFFFFC00  }
0x50: {  	_ =	swait.ge [sflag:s0], $0x400  }
0x51: {  	[sflag:s0] =	ssyncset.done $0x0  }
0x52: {  	[sflag:s0] =	ssyncadd.s32 $0xFFFFFC00  }
0x53: {  	[tilespmem:s3], [sflag:$0x4] =	stream.indirect.gather [hbm4b:s2+s23], $0x10, s28, s23, $0xb8;
	[tilespmem:$0x1A010] =	vst v63  }
0x54: {  	s25 =	simm.s32 $0x480;
	s26 =	simm.s32 $0x6800  }
0x55: {  	[tilespmem:s26], [sflag:$0x4] =	stream.indirect.gather [hbm4b:s2+s23], $0x10, s25, s23, $0xb8;
	[tilespmem:$0x1A010] =	vst v63  }
0x56: {  	s25 =	simm.s32 $0x500;
	s26 =	simm.s32 $0x7000  }
0x57: {  	[tilespmem:s26], [sflag:$0x4] =	stream.indirect.gather [hbm4b:s2+s23], $0x10, s25, s23, $0xb8;
	[tilespmem:$0x1A010] =	vst v63  }
0x58: {  	s21 =	simm.s32 $0x580  }
0x59: {  	[tilespmem:s8], [sflag:$0x4] =	stream.indirect.gather [hbm4b:s2+s23], $0x10, s21, s23, $0xb8;
	[tilespmem:$0x1A010] =	vst v63  }
0x5a: {  	_ = 	snop  }
0x5b: {  	[tilespmem:s11], [sflag:$0x4] =	stream.indirect.gather [hbm4b:s2+s23], $0x10, s10, s23, $0xb8;
	[tilespmem:$0x1A010] =	vst v63  }
0x5c: {  	_ = 	snop  }
0x5d: {  	[tilespmem:s13], [sflag:$0x4] =	stream.indirect.gather [hbm4b:s2+s23], $0x10, s12, s23, $0xb8;
	[tilespmem:$0x1A010] =	vst v63  }
0x5e: {  	_ = 	snop  }
0x5f: {  	[tilespmem:s16], [sflag:$0x4] =	stream.indirect.gather [hbm4b:s2+s23], $0x10, s15, s23, $0xb8;
	[tilespmem:$0x1A010] =	vst v63  }
0x60: {  	_ = 	snop  }
0x61: {  	[tilespmem:s1], [sflag:$0x4] =	stream.indirect.gather [hbm4b:s2+s23], $0x10, s18, s23, $0xb8;
	[tilespmem:$0x1A010] =	vst v63  }
0x62: {  	_ =	swait.ge [sflag:s22], $0x800  }
0x63: {  	[sflag:s22] =	ssyncset.done $0x0  }
0x64: {  	[sflag:s22] =	ssyncadd.s32 $0xFFFFF800  }
0x65: {  	_ =	swait.ge [sflag:s22], $0x800  }
0x66: {  	[sflag:s22] =	ssyncset.done $0x0  }
0x67: {  	[sflag:s22] =	ssyncadd.s32 $0xFFFFF800  }
0x68: {  	_ =	swait.ge [sflag:s22], $0x800  }
0x69: {  	[sflag:s22] =	ssyncset.done $0x0  }
0x6a: {  	[sflag:s22] =	ssyncadd.s32 $0xFFFFF800  }
0x6b: {  	_ =	swait.ge [sflag:s22], $0x800  }
0x6c: {  	[sflag:s22] =	ssyncset.done $0x0  }
0x6d: {  	[sflag:s22] =	ssyncadd.s32 $0xFFFFF800  }
0x6e: {  	_ =	swait.ge [sflag:s22], $0x800  }
0x6f: {  	[sflag:s22] =	ssyncset.done $0x0  }
0x70: {  	[sflag:s22] =	ssyncadd.s32 $0xFFFFF800  }
0x71: {  	_ =	swait.ge [sflag:s22], $0x800  }
0x72: {  	[sflag:s22] =	ssyncset.done $0x0  }
0x73: {  	[sflag:s22] =	ssyncadd.s32 $0xFFFFF800  }
0x74: {  	_ =	swait.ge [sflag:s22], $0x800  }
0x75: {  	[sflag:s22] =	ssyncset.done $0x0  }
0x76: {  	[sflag:s22] =	ssyncadd.s32 $0xFFFFF800  }
0x77: {  	_ =	swait.ge [sflag:s22], $0x800  }
0x78: {  	[sflag:s22] =	ssyncset.done $0x0  }
0x79: {  	s25 =	simm.s32 $0x800;
	[sflag:s22] =	ssyncadd.s32 $0xFFFFF800  }
0x7a: {  	s26 =	simm.s32 $0x1000;
	v8 =	vld [tilespmem:s25+$0x0]  }
0x7b: {  	v10 =	vld [tilespmem:s26+$0x0]  }
0x7c: {  	s21 =	simm.s32 $0x1800  }
0x7d: {  	v11 =	vld [tilespmem:s21+$0x0];
	_ =	sdelay $0x2  }
0x7e: {  	v2 =	vmul.f32 v8, v8;
	v3 =	vmul.f32 v10, v10;
	_ =	sdelay $0x1  }
0x7f: {  	v2 =	vadd.f32 v3, v2;
	v3 =	vmul.f32 v11, v11;
	_ =	sdelay $0x1  }
0x80: {  	v2 =	vadd.f32 v3, v2;
	_ =	sdelay $0x1  }
0x81: {  	v12 =	vmax.f32 v2, $9.999999960e-13  }
0x82: {  	v2 =	vshra.s32 v12, $0x1;
	v3 =	vmul.f32 $5.000000000e-01, v12  }
0x83: {  	v2 =	vsub.s32 $0x5F3759DF, v2  }
0x84: {  	v4 =	vmul.f32 v2, v3;
	_ =	sdelay $0x1  }
0x85: {  	v4 =	vmul.f32 v2, v4;
	_ =	sdelay $0x1  }
0x86: {  	s25 =	simm.s32 $0x810;
	v4 =	vsub.f32 $1.500000000e+00, v4  }
0x87: {  	s26 =	simm.s32 $0x1010;
	v6 =	vld [tilespmem:s25+$0x0]  }
0x88: {  	v5 =	vld [tilespmem:s26+$0x0];
	v2 =	vmul.f32 v2, v4  }
0x89: {  	s21 =	simm.s32 $0x1810  }
0x8a: {  	v7 =	vld [tilespmem:s21+$0x0];
	v4 =	vmul.f32 v2, v3;
	_ =	sdelay $0x1  }
0x8b: {  	v4 =	vmul.f32 v4, v2  }
0x8c: {  	v9 =	vmul.f32 v6, v6;
	v13 =	vmul.f32 v5, v5  }
0x8d: {  	v4 =	vsub.f32 $1.500000000e+00, v4  }
0x8e: {  	v9 =	vadd.f32 v13, v9;
	v13 =	vmul.f32 v7, v7  }
0x8f: {  	v4 =	vmul.f32 v4, v2  }
0x90: {  	v2 =	vadd.f32 v13, v9  }
0x91: {  	v3 =	vmul.f32 v4, v3  }
0x92: {  	v9 =	vmax.f32 v2, $9.999999960e-13  }
0x93: {  	s19 =	simm.s32 $0x1020;
	v14 =	vmul.f32 $5.000000000e-01, v9;
	v2 =	vmul.f32 v3, v4;
	v3 =	vshra.s32 v9, $0x1  }
0x94: {  	s25 =	simm.s32 $0x820;
	v13 =	vsub.s32 $0x5F3759DF, v3;
	v3 =	vld [tilespmem:s19+$0x0]  }
0x95: {  	v15 =	vsub.f32 $1.500000000e+00, v2;
	v16 =	vmul.f32 v13, v14;
	v2 =	vld [tilespmem:s25+$0x0]  }
0x96: {  	v17 =	vmov s20;
	s20 =	simm.s32 $0x1820  }
0x97: {  	s26 =	simm.s32 $0x10;
	v18 =	vmul.f32 v15, v4;
	v16 =	vmul.f32 v13, v16;
	v4 =	vld [tilespmem:s20+$0x0]  }
0x98: {  	v24 =	vmov s26;
	v15 =	vshll.u32 v17, $0x4  }
0x99: {  	v19 =	vor.u32 v0, v15;
	v12 =	vmul.f32 v18, v12;
	v16 =	vsub.f32 $1.500000000e+00, v16  }
0x9a: {  	v15 =	vor.u32 $0x3, v19;
	v21 =	vmul.f32 v3, v3;
	v17 =	vmul.f32 v2, v2  }
0x9b: {  	v20 =	vor.u32 $0x6, v19;
	v12 =	vmul.f32 $5.461000000e+03, v12;
	v23 =	vmul.f32 v13, v16  }
0x9c: {  	v22 =	vor.u32 $0x1, v19;
	v26 =	vor.u32 $0x5, v19;
	v13 =	vmul.f32 v4, v4  }
0x9d: {  	v25 =	vmin.f32 v12, $1.638300000e+04;
	v12 =	vadd.f32 v21, v17;
	v17 =	vmul.f32 v23, v14  }
0x9e: {  	v27 =	vor.u32 $0x2, v19;
	v16 =	vor.u32 $0x4, v19;
	v21 =	vtrunc.f32 v25  }
0x9f: {  	v21 =	vcvt.f32.s32 v21;
	v12 =	vadd.f32 v13, v12;
	v17 =	vmul.f32 v17, v23  }
0xa0: {  	v28 =	vor.u32 $0x7, v19;
	v32 =	vmul.f32 v18, v10;
	v33 =	vmul.f32 v18, v11;
	v29 =	vld.idx.msk [tilespmem:v15+s24+$0x0], $0xffff  }
0xa1: {  	v30 =	vld.idx.msk [tilespmem:v22+s24+$0x0], $0xffff;
	vm0 =	vlt.s32 v21, $0x3FFE;
	v13 =	vmax.f32 v12, $9.999999960e-13;
	v12 =	vsub.f32 $1.500000000e+00, v17  }
0xa2: {  	v18 =	vmul.f32 v18, v8;
	v26 =	vld.idx.msk [tilespmem:v26+s24+$0x0], $0xffff;
	v21 =	vnsel vm0, $0x3FFE, v21;
	v17 =	vshra.s32 v13, $0x1  }
0xa3: {  	v31 =	vld.idx.msk [tilespmem:v16+s24+$0x0], $0xffff;
	v16 =	vsub.s32 $0x5F3759DF, v17;
	v17 =	vmul.f32 v12, v23;
	v12 =	vadd.s32 $0x1, v21  }
0xa4: {  	v24 =	vshll.u32 v24, $0x4;
	v38 =	vor.u32 $0x8, v19;
	v27 =	vld.idx.msk [tilespmem:v27+s24+$0x0], $0xffff;
	v22 =	vadd.s32 $0x4000, v21  }
0xa5: {  	v37 =	vmul.f32 v33, v32;
	v39 =	vmul.f32 v33, v18;
	v28 =	vld.idx.msk [tilespmem:v28+s24+$0x0], $0xffff;
	v34 =	vadd.s32 $0x4001, v21  }
0xa6: {  	v40 =	vmul.f32 v32, v18;
	v41 =	vmul.f32 v18, v18;
	v61 =	vld.idx.msk [tilespmem:v20+s24+$0x0], $0xffff;
	v35 =	vadd.s32 $0x8000, v21  }
0xa7: {  	v42 =	vmul.f32 v33, v33;
	v62 =	vmul.f32 v32, v32;
	v36 =	vadd.s32 $0x8001, v21;
	v8 =	vld.idx.msk [tilespmem:v21+s17+$0x0], $0xffff  }
0xa8: {  	v11 =	vor.u32 v0, v24;
	v24 =	vmul.f32 v40, v26;
	v43 =	vld.idx.msk [tilespmem:v12+s17+$0x0], $0xffff;
	v12 =	vmul.f32 v39, v31  }
0xa9: {  	v60 =	vadd.f32 v42, v41;
	v15 =	vmul.f32 $5.000000000e-01, v13;
	v14 =	vmul.f32 v17, v14;
	v10 =	vld.idx.msk [tilespmem:v22+s17+$0x0], $0xffff  }
0xaa: {  	v28 =	vmul.f32 v37, v28;
	v30 =	vmul.f32 v18, v30;
	v26 =	vld.idx.msk [tilespmem:v34+s17+$0x0], $0xffff;
	v20 =	vadd.f32 v24, v12  }
0xab: {  	v63 =	vsub.f32 v42, v41;
	v59 =	vmul.f32 v14, v17;
	v21 =	vcvt.s32.f32 v21;
	v12 =	vld.idx.msk [tilespmem:v35+s17+$0x0], $0xffff  }
0xac: {  	v14 =	vmul.f32 v33, v29;
	v29 =	vmul.f32 $5.000000000e-01, v60;
	v28 =	vadd.f32 v20, v28;
	v20 =	vld.idx.msk [tilespmem:v36+s17+$0x0], $0xffff  }
0xad: {  	v23 =	vmul.f32 v16, v15;
	v22 =	vor.u32 $0x3, v11;
	v18 =	vsub.f32 v25, v21;
	v21 =	vld.idx.msk [tilespmem:v38+s24+$0x0], $0xffff  }
0xae: {  	v25 =	vmul.f32 v32, v27;
	v27 =	vsub.f32 v62, v29;
	v24 =	vsub.f32 $1.500000000e+00, v59  }
0xaf: {  	v35 =	vmul.f32 $8.660253880e-01, v63;
	v37 =	vsub.f32 v43, v8;
	v38 =	vsub.f32 v26, v10  }
0xb0: {  	s21 =	simm.s32 $0x20;
	s26 =	simm.s32 $0x30;
	s25 =	simm.s32 $0x830;
	v19 =	vld.idx.msk [tilespmem:v19+s24+$0x0], $0xffff;
	v46 =	vadd.f32 v25, v30;
	v50 =	vmul.f32 v27, v61;
	v47 =	vmul.f32 $1.732050780e+00, v28  }
.LBB2_3:
0xb1: {  	v25 =	vld [tilespmem:s25+$0x0];
	p0 =	sne.s32 s26, $0x3F0;
	v26 =	vmul.f32 v18, v37;
	v27 =	vmul.f32 v18, v38;
	v20 =	vsub.f32 v20, v12  }
0xb2: {  	s19 =	sadd.s32 $0x10, s19;
	v21 =	vmul.f32 v35, v21;
	v14 =	vadd.f32 v46, v14;
	v28 =	vadd.f32 v50, v47  }
0xb3: {  	v29 =	vld [tilespmem:s19+$0x0];
	v8 =	vadd.f32 v26, v8;
	v10 =	vadd.f32 v27, v10;
	v18 =	vmul.f32 v18, v20  }
0xb4: {  	s20 =	sadd.s32 $0x10, s20;
	v24 =	vmul.f32 v24, v17;
	v20 =	vmul.f32 v16, v23;
	v17 =	vadd.f32 v28, v21  }
0xb5: {  	v26 =	vld [tilespmem:s20+$0x0];
	v12 =	vadd.f32 v18, v12;
	v8 =	vmul.f32 v8, v19;
	v10 =	vmul.f32 v10, v14  }
0xb6: {  	v18 =	vmul.f32 v24, v9;
	v19 =	vor.u32 $0x6, v11;
	v9 =	vmovc v13;
	v14 =	vmul.f32 v25, v25  }
0xb7: {  	v13 =	vsub.f32 $1.500000000e+00, v20;
	v8 =	vadd.f32 v10, v8;
	v10 =	vmul.f32 v12, v17  }
0xb8: {  	v17 =	vmul.f32 $5.461000000e+03, v18;
	v18 =	vor.u32 $0x1, v11;
	v12 =	vmul.f32 v29, v29  }
0xb9: {  	v20 =	vmul.f32 v16, v13;
	v16 =	vor.u32 $0x4, v11;
	v8 =	vadd.f32 v8, v10  }
0xba: {  	v27 =	vmin.f32 v17, $1.638300000e+04;
	v10 =	vadd.f32 v12, v14;
	v12 =	vmul.f32 v26, v26  }
0xbb: {  	v13 =	vmul.f32 v20, v15;
	v14 =	vtrunc.f32 v27;
	v1 =	vadd.f32 v8, v1  }
0xbc: {  	v21 =	vor.u32 $0x5, v11;
	v8 =	vmov s21;
	v14 =	vcvt.f32.s32 v14;
	s21 =	smov.u32 s26  }
0xbd: {  	v23 =	vor.u32 $0x2, v11;
	v10 =	vadd.f32 v12, v10;
	v12 =	vmul.f32 v13, v20;
	v28 =	vld.idx.msk [tilespmem:v22+s24+$0x0], $0xffff  }
0xbe: {  	v22 =	vshll.u32 v8, $0x4;
	vm0 =	vlt.s32 v14, $0x3FFE;
	v8 =	vor.u32 $0x7, v11;
	v30 =	vld.idx.msk [tilespmem:v19+s24+$0x0], $0xffff  }
0xbf: {  	v13 =	vmax.f32 v10, $9.999999960e-13;
	v10 =	vsub.f32 $1.500000000e+00, v12;
	v19 =	vnsel vm0, $0x3FFE, v14;
	v18 =	vld.idx.msk [tilespmem:v18+s24+$0x0], $0xffff  }
0xc0: {  	v12 =	vshra.s32 v13, $0x1;
	v31 =	vmul.f32 $5.000000000e-01, v13;
	v14 =	vadd.s32 $0x4000, v19;
	v32 =	vld.idx.msk [tilespmem:v16+s24+$0x0], $0xffff  }
0xc1: {  	v16 =	vsub.s32 $0x5F3759DF, v12;
	v17 =	vmul.f32 v10, v20;
	v12 =	vadd.s32 $0x1, v19;
	v20 =	vld.idx.msk [tilespmem:v21+s24+$0x0], $0xffff  }
0xc2: {  	v33 =	vmul.f32 v24, v5;
	v5 =	vmovc v3;
	v21 =	vmul.f32 v24, v7;
	v7 =	vadd.s32 $0x4001, v19;
	v34 =	vld.idx.msk [tilespmem:v23+s24+$0x0], $0xffff  }
0xc3: {  	v35 =	vmul.f32 v24, v6;
	v6 =	vmovc v2;
	v24 =	vadd.s32 $0x8000, v19;
	v23 =	vmul.f32 v16, v31;
	v36 =	vld.idx.msk [tilespmem:v8+s24+$0x0], $0xffff  }
0xc4: {  	v2 =	vmovc v25;
	v37 =	vadd.s32 $0x8001, v19;
	v15 =	vmul.f32 v17, v15;
	v38 =	vmul.f32 v21, v33;
	v8 =	vld.idx.msk [tilespmem:v19+s17+$0x0], $0xffff  }
0xc5: {  	v39 =	vmul.f32 v33, v35;
	v25 =	vor.u32 $0x8, v11;
	v3 =	vmovc v29;
	v10 =	vld.idx.msk [tilespmem:v14+s17+$0x0], $0xffff;
	v14 =	vmul.f32 v21, v35  }
0xc6: {  	v41 =	vmul.f32 v35, v35;
	v29 =	vor.u32 v0, v22;
	v42 =	vmul.f32 v21, v21;
	v40 =	vld.idx.msk [tilespmem:v12+s17+$0x0], $0xffff  }
0xc7: {  	v22 =	vor.u32 $0x3, v29;
	v39 =	vmul.f32 v39, v20;
	v43 =	vld.idx.msk [tilespmem:v7+s17+$0x0], $0xffff;
	v32 =	vmul.f32 v14, v32;
	v7 =	vmovc v4  }
0xc8: {  	v44 =	vmul.f32 v15, v17;
	v45 =	vadd.f32 v42, v41;
	v14 =	vmul.f32 v21, v28;
	v12 =	vld.idx.msk [tilespmem:v24+s17+$0x0], $0xffff  }
0xc9: {  	v28 =	vmul.f32 v33, v33;
	v36 =	vmul.f32 v38, v36;
	v20 =	vld.idx.msk [tilespmem:v37+s17+$0x0], $0xffff;
	v32 =	vadd.f32 v39, v32  }
.Ltmp0:
0xca: {  	v19 =	vcvt.s32.f32 v19;
	v15 =	vmovc v31;
	v4 =	vmovc v26;
	v24 =	vsub.f32 $1.500000000e+00, v44;
	v21 =	vld.idx.msk [tilespmem:v25+s24+$0x0], $0xffff;
	v25 =	vmul.f32 $5.000000000e-01, v45;
	(pc) =	sbr.rel @p0 .LBB2_3-.Ltmp0, $4  }
0xcb: {  	v26 =	vmul.f32 v35, v18;
	v31 =	vadd.f32 v32, v36;
	v32 =	vsub.f32 v42, v41  }
0xcc: {  	v18 =	vsub.f32 v27, v19;
	v27 =	vmul.f32 v33, v34;
	v25 =	vsub.f32 v28, v25  }
0xcd: {  	v37 =	vsub.f32 v40, v8;
	v38 =	vsub.f32 v43, v10;
	v19 =	vld.idx.msk [tilespmem:v11+s24+$0x0], $0xffff;
	v35 =	vmul.f32 $8.660253880e-01, v32;
	v11 =	vmovc v29  }
0xce: {  	s25 =	sadd.s32 $0x10, s25;
	s26 =	sadd.s32 $0x10, s26;
	v46 =	vadd.f32 v27, v26;
	v47 =	vmul.f32 $1.732050780e+00, v31;
	v50 =	vmul.f32 v25, v30  }
0xcf: {  	v23 =	vmul.f32 v16, v23;
	_ =	sdelay $0x1  }
0xd0: {  	v23 =	vsub.f32 $1.500000000e+00, v23;
	_ =	sdelay $0x1  }
0xd1: {  	v16 =	vmul.f32 v16, v23  }
0xd2: {  	v48 =	vmul.f32 v24, v17  }
0xd3: {  	v17 =	vmul.f32 v16, v15  }
0xd4: {  	v9 =	vmul.f32 v48, v9  }
0xd5: {  	v17 =	vmul.f32 v17, v16  }
0xd6: {  	v9 =	vmul.f32 $5.461000000e+03, v9  }
0xd7: {  	v17 =	vsub.f32 $1.500000000e+00, v17  }
0xd8: {  	v24 =	vor.u32 $0x1, v11;
	v29 =	vmin.f32 v9, $1.638300000e+04  }
0xd9: {  	v26 =	vor.u32 $0x2, v11;
	v25 =	vtrunc.f32 v29;
	v16 =	vmul.f32 v17, v16  }
0xda: {  	v49 =	vld.idx.msk [tilespmem:v22+s24+$0x0], $0xffff;
	v22 =	vor.u32 $0x7, v11;
	v17 =	vcvt.f32.s32 v25  }
0xdb: {  	v9 =	vor.u32 $0x4, v11;
	v15 =	vmul.f32 v16, v15  }
0xdc: {  	v45 =	vld.idx.msk [tilespmem:v11+s24+$0x0], $0xffff;
	v25 =	vor.u32 $0x5, v11;
	vm0 =	vlt.s32 v17, $0x3FFE  }
0xdd: {  	v23 =	vor.u32 $0x6, v11;
	v40 =	vld.idx.msk [tilespmem:v24+s24+$0x0], $0xffff;
	v43 =	vnsel vm0, $0x3FFE, v17;
	v15 =	vmul.f32 v15, v16  }
0xde: {  	v44 =	vld.idx.msk [tilespmem:v26+s24+$0x0], $0xffff;
	v17 =	vadd.s32 $0x4000, v43  }
0xdf: {  	v54 =	vld.idx.msk [tilespmem:v22+s24+$0x0], $0xffff;
	v15 =	vsub.f32 $1.500000000e+00, v15  }
0xe0: {  	v57 =	vld.idx.msk [tilespmem:v9+s24+$0x0], $0xffff;
	v9 =	vadd.s32 $0x1, v43  }
0xe1: {  	v56 =	vld.idx.msk [tilespmem:v25+s24+$0x0], $0xffff;
	v25 =	vadd.s32 $0x8000, v43;
	v27 =	vmul.f32 v15, v16  }
0xe2: {  	v33 =	vld.idx.msk [tilespmem:v23+s24+$0x0], $0xffff;
	v15 =	vmov s21;
	v16 =	vadd.s32 $0x8001, v43  }
0xe3: {  	v15 =	vshll.u32 v15, $0x4;
	v23 =	vld.idx.msk [tilespmem:v17+s17+$0x0], $0xffff;
	v17 =	vor.u32 $0x8, v11;
	v13 =	vmul.f32 v27, v13  }
0xe4: {  	v24 =	vadd.s32 $0x4001, v43;
	v36 =	vld.idx.msk [tilespmem:v43+s17+$0x0], $0xffff;
	v58 =	vor.u32 v0, v15  }
0xe5: {  	v55 =	vld.idx.msk [tilespmem:v9+s17+$0x0], $0xffff;
	v9 =	vor.u32 $0x3, v58;
	v13 =	vmul.f32 $5.461000000e+03, v13  }
0xe6: {  	v26 =	vld.idx.msk [tilespmem:v25+s17+$0x0], $0xffff;
	v15 =	vor.u32 $0x6, v58  }
0xe7: {  	v22 =	vor.u32 $0x1, v58;
	v53 =	vld.idx.msk [tilespmem:v16+s17+$0x0], $0xffff;
	v16 =	vmin.f32 v13, $1.638300000e+04  }
0xe8: {  	v25 =	vor.u32 $0x2, v58;
	v51 =	vld.idx.msk [tilespmem:v17+s24+$0x0], $0xffff;
	v17 =	vtrunc.f32 v16  }
0xe9: {  	v52 =	vld.idx.msk [tilespmem:v24+s17+$0x0], $0xffff;
	v13 =	vor.u32 $0x4, v58;
	v11 =	vcvt.f32.s32 v17  }
0xea: {  	v17 =	vor.u32 $0x5, v58;
	v34 =	vld.idx.msk [tilespmem:v9+s24+$0x0], $0xffff  }
0xeb: {  	v15 =	vld.idx.msk [tilespmem:v15+s24+$0x0], $0xffff;
	v9 =	vor.u32 $0x7, v58;
	vm14 =	vlt.s32 v11, $0x3FFE  }
0xec: {  	v24 =	vld.idx.msk [tilespmem:v22+s24+$0x0], $0xffff;
	v32 =	vnsel vm14, $0x3FFE, v11  }
0xed: {  	v28 =	vld.idx.msk [tilespmem:v25+s24+$0x0], $0xffff;
	v22 =	vadd.s32 $0x4000, v32  }
0xee: {  	v41 =	vld.idx.msk [tilespmem:v13+s24+$0x0], $0xffff;
	v30 =	vadd.s32 $0x1, v32  }
0xef: {  	v25 =	vadd.s32 $0x8000, v32;
	v42 =	vld.idx.msk [tilespmem:v17+s24+$0x0], $0xffff  }
0xf0: {  	v59 =	vadd.s32 $0x8001, v32;
	v39 =	vld.idx.msk [tilespmem:v9+s24+$0x0], $0xffff  }
0xf1: {  	v17 =	vadd.s32 $0x4001, v32;
	v11 =	vld.idx.msk [tilespmem:v32+s17+$0x0], $0xffff  }
0xf2: {  	v13 =	vld.idx.msk [tilespmem:v22+s17+$0x0], $0xffff  }
0xf3: {  	v22 =	vor.u32 $0x8, v58;
	v30 =	vld.idx.msk [tilespmem:v30+s17+$0x0], $0xffff  }
0xf4: {  	p0 =	seq.s32 s30, $0x30;
	v9 =	vld.idx.msk [tilespmem:v25+s17+$0x0], $0xffff  }
0xf5: {  	s19 =	sadd.s32 @!p0 s14, s31;
	v25 =	vld.idx.msk [tilespmem:v59+s17+$0x0], $0xffff  }
0xf6: {  	s19 =	sshll.u32 @!p0 s19, $0x7;
	v31 =	vld.idx.msk [tilespmem:v17+s17+$0x0], $0xffff  }
0xf7: {  	s20 =	sadd.s32 @!p0 s4, s19;
	s21 =	simm.s32 @!p0 $0x0;
	v17 =	vld.idx.msk [tilespmem:v58+s24+$0x0], $0xffff  }
0xf8: {  	v22 =	vld.idx.msk [tilespmem:v22+s24+$0x0], $0xffff;
	[tilespmem:s21], [sflag:$0x1] =	stream.linear.gather @!p0 [hbm4b:s20+s21], $0x400, $0x38  }
0xf9: {  	s25 =	simm.s32 @!p0 $0x800;
	s20 =	sadd.s32 @!p0 s5, s19  }
0xfa: {  	[tilespmem:s25], [sflag:$0x1] =	stream.linear.gather @!p0 [hbm4b:s20+s21], $0x400, $0x38;
	[tilespmem:$0x1A010] =	vst v63  }
0xfb: {  	s20 =	sadd.s32 @!p0 s6, s19;
	s25 =	simm.s32 @!p0 $0x1000  }
0xfc: {  	[tilespmem:s25], [sflag:$0x1] =	stream.linear.gather @!p0 [hbm4b:s20+s21], $0x400, $0x38;
	[tilespmem:$0x1A010] =	vst v63  }
0xfd: {  	s19 =	sadd.s32 @!p0 s7, s19;
	s20 =	simm.s32 @!p0 $0x1800  }
0xfe: {  	[tilespmem:s20], [sflag:$0x1] =	stream.linear.gather @!p0 [hbm4b:s19+s21], $0x400, $0x38;
	[tilespmem:$0x1A010] =	vst v63  }
0xff: {  	s19 =	simm.s32 @!p0 $0x1  }
0x100: {  	_ =	swait.ge @!p0 [sflag:s19], $0x400  }
0x101: {  	[sflag:s19] =	ssyncset.done @!p0 $0x0  }
0x102: {  	[sflag:s19] =	ssyncadd.s32 @!p0 $0xFFFFFC00  }
0x103: {  	_ =	swait.ge @!p0 [sflag:s19], $0x400  }
0x104: {  	[sflag:s19] =	ssyncset.done @!p0 $0x0  }
0x105: {  	[sflag:s19] =	ssyncadd.s32 @!p0 $0xFFFFFC00  }
0x106: {  	_ =	swait.ge @!p0 [sflag:s19], $0x400  }
0x107: {  	[sflag:s19] =	ssyncset.done @!p0 $0x0  }
0x108: {  	[sflag:s19] =	ssyncadd.s32 @!p0 $0xFFFFFC00  }
0x109: {  	_ =	swait.ge @!p0 [sflag:s19], $0x400  }
0x10a: {  	[sflag:s19] =	ssyncset.done @!p0 $0x0  }
0x10b: {  	s20 =	simm.s32 @!p0 $0x2000;
	[sflag:s19] =	ssyncadd.s32 @!p0 $0xFFFFFC00;
	s19 =	simm.s32 @!p0 $0x80  }
0x10c: {  	[tilespmem:s20], [sflag:$0x3] =	stream.indirect.gather @!p0 [hbm4b:s2+s19], $0x10, s21, s19, $0xb8;
	[tilespmem:$0x1A010] =	vst v63  }
0x10d: {  	s20 =	simm.s32 @!p0 $0x2800  }
0x10e: {  	[tilespmem:s20], [sflag:$0x3] =	stream.indirect.gather @!p0 [hbm4b:s2+s19], $0x10, s19, s19, $0xb8;
	[tilespmem:$0x1A010] =	vst v63  }
0x10f: {  	s21 =	simm.s32 @!p0 $0x3000;
	s20 =	simm.s32 @!p0 $0x100  }
0x110: {  	[tilespmem:s21], [sflag:$0x3] =	stream.indirect.gather @!p0 [hbm4b:s2+s19], $0x10, s20, s19, $0xb8;
	[tilespmem:$0x1A010] =	vst v63  }
0x111: {  	s20 =	simm.s32 @!p0 $0x180;
	s21 =	simm.s32 @!p0 $0x3800  }
0x112: {  	[tilespmem:s21], [sflag:$0x3] =	stream.indirect.gather @!p0 [hbm4b:s2+s19], $0x10, s20, s19, $0xb8;
	[tilespmem:$0x1A010] =	vst v63  }
0x113: {  	s20 =	simm.s32 @!p0 $0x200;
	s21 =	simm.s32 @!p0 $0x4000  }
0x114: {  	[tilespmem:s21], [sflag:$0x3] =	stream.indirect.gather @!p0 [hbm4b:s2+s19], $0x10, s20, s19, $0xb8;
	[tilespmem:$0x1A010] =	vst v63  }
0x115: {  	s20 =	simm.s32 @!p0 $0x280;
	s21 =	simm.s32 @!p0 $0x4800  }
0x116: {  	[tilespmem:s21], [sflag:$0x3] =	stream.indirect.gather @!p0 [hbm4b:s2+s19], $0x10, s20, s19, $0xb8;
	[tilespmem:$0x1A010] =	vst v63  }
0x117: {  	s20 =	simm.s32 @!p0 $0x300;
	s21 =	simm.s32 @!p0 $0x5000  }
0x118: {  	[tilespmem:s21], [sflag:$0x3] =	stream.indirect.gather @!p0 [hbm4b:s2+s19], $0x10, s20, s19, $0xb8;
	[tilespmem:$0x1A010] =	vst v63  }
0x119: {  	s20 =	simm.s32 @!p0 $0x380;
	s21 =	simm.s32 @!p0 $0x5800  }
0x11a: {  	[tilespmem:s21], [sflag:$0x3] =	stream.indirect.gather @!p0 [hbm4b:s2+s19], $0x10, s20, s19, $0xb8;
	[tilespmem:$0x1A010] =	vst v63  }
0x11b: {  	_ =	swait.ge [sflag:s29], $0x800  }
0x11c: {  	[sflag:s29] =	ssyncset.done $0x0  }
0x11d: {  	[sflag:s29] =	ssyncadd.s32 $0xFFFFF800  }
0x11e: {  	_ =	swait.ge [sflag:s29], $0x800  }
0x11f: {  	[sflag:s29] =	ssyncset.done $0x0  }
0x120: {  	[sflag:s29] =	ssyncadd.s32 $0xFFFFF800  }
0x121: {  	_ =	swait.ge [sflag:s29], $0x800  }
0x122: {  	[sflag:s29] =	ssyncset.done $0x0  }
0x123: {  	[sflag:s29] =	ssyncadd.s32 $0xFFFFF800  }
0x124: {  	_ =	swait.ge [sflag:s29], $0x800  }
0x125: {  	[sflag:s29] =	ssyncset.done $0x0  }
0x126: {  	[sflag:s29] =	ssyncadd.s32 $0xFFFFF800  }
0x127: {  	_ =	swait.ge [sflag:s29], $0x800  }
0x128: {  	v37 =	vmul.f32 v18, v37;
	v38 =	vmul.f32 v18, v38;
	v20 =	vsub.f32 v20, v12;
	[sflag:s29] =	ssyncset.done $0x0  }
0x129: {  	v21 =	vmul.f32 v35, v21;
	v14 =	vadd.f32 v46, v14;
	v63 =	vadd.f32 v50, v47;
	[sflag:s29] =	ssyncadd.s32 $0xFFFFF800  }
0x12a: {  	v8 =	vadd.f32 v37, v8;
	v10 =	vadd.f32 v38, v10;
	v18 =	vmul.f32 v18, v20;
	_ =	swait.ge [sflag:s29], $0x800  }
0x12b: {  	v7 =	vmul.f32 v48, v7;
	v6 =	vmul.f32 v48, v6;
	v20 =	vadd.f32 v63, v21;
	[sflag:s29] =	ssyncset.done $0x0  }
0x12c: {  	v12 =	vadd.f32 v18, v12;
	v8 =	vmul.f32 v8, v19;
	v10 =	vmul.f32 v10, v14;
	[sflag:s29] =	ssyncadd.s32 $0xFFFFF800  }
0x12d: {  	v5 =	vmul.f32 v48, v5;
	v18 =	vmul.f32 v6, v6;
	_ =	swait.ge [sflag:s29], $0x800  }
0x12e: {  	v19 =	vmul.f32 v7, v7;
	v12 =	vmul.f32 v12, v20;
	v8 =	vadd.f32 v10, v8;
	[sflag:s29] =	ssyncset.done $0x0  }
0x12f: {  	v10 =	vmul.f32 v7, v6;
	[sflag:s29] =	ssyncadd.s32 $0xFFFFF800  }
0x130: {  	v20 =	vmul.f32 v7, v5;
	v14 =	vadd.f32 v19, v18;
	v12 =	vadd.f32 v8, v12;
	_ =	swait.ge [sflag:s29], $0x800  }
0x131: {  	v7 =	vmul.f32 v7, v49;
	v8 =	vmul.f32 v5, v6;
	[sflag:s29] =	ssyncset.done $0x0  }
0x132: {  	v38 =	vmul.f32 $5.000000000e-01, v14;
	v1 =	vadd.f32 v12, v1;
	v12 =	vmul.f32 v5, v5;
	s25 =	simm.s32 $0xC00;
	[sflag:s29] =	ssyncadd.s32 $0xFFFFF800  }
0x133: {  	s26 =	simm.s32 $0x1400;
	v19 =	vsub.f32 v19, v18;
	v10 =	vmul.f32 v10, v57;
	v21 =	vmul.f32 v8, v56;
	v8 =	vld [tilespmem:s25+$0x0]  }
0x134: {  	v6 =	vmul.f32 v6, v40;
	v5 =	vmul.f32 v5, v44;
	v12 =	vsub.f32 v12, v38;
	v14 =	vld [tilespmem:s26+$0x0]  }
0x135: {  	v19 =	vmul.f32 $8.660253880e-01, v19;
	v20 =	vmul.f32 v20, v54;
	v10 =	vadd.f32 v21, v10;
	s21 =	simm.s32 $0x1C00  }
0x136: {  	v5 =	vadd.f32 v5, v6;
	v12 =	vmul.f32 v12, v33;
	v21 =	vcvt.s32.f32 v43;
	v18 =	vld [tilespmem:s21+$0x0]  }
0x137: {  	v3 =	vmul.f32 v27, v3;
	v4 =	vmul.f32 v27, v4;
	v10 =	vadd.f32 v10, v20  }
0x138: {  	v2 =	vmul.f32 v27, v2;
	v20 =	vsub.f32 v29, v21;
	v43 =	vsub.f32 v52, v23  }
0x139: {  	v21 =	vsub.f32 v55, v36;
	v6 =	vmul.f32 v8, v8;
	v29 =	vmul.f32 v14, v14  }
0x13a: {  	v5 =	vadd.f32 v5, v7;
	v46 =	vmul.f32 v3, v2;
	v33 =	vmul.f32 v20, v43  }
0x13b: {  	v21 =	vmul.f32 v20, v21;
	v6 =	vadd.f32 v29, v6;
	v29 =	vmul.f32 v18, v18  }
0x13c: {  	v10 =	vmul.f32 $1.732050780e+00, v10;
	v44 =	vsub.f32 v53, v26;
	v23 =	vadd.f32 v33, v23  }
0x13d: {  	v7 =	vmul.f32 v19, v51;
	v19 =	vadd.f32 v21, v36;
	v6 =	vadd.f32 v29, v6  }
0x13e: {  	v47 =	vmul.f32 v2, v2;
	v10 =	vadd.f32 v12, v10;
	v20 =	vmul.f32 v20, v44  }
0x13f: {  	v5 =	vmul.f32 v23, v5;
	v12 =	vmul.f32 v19, v45;
	v19 =	vmax.f32 v6, $9.999999960e-13  }
0x140: {  	v10 =	vadd.f32 v10, v7;
	v21 =	vshra.s32 v19, $0x1;
	v27 =	vmul.f32 $5.000000000e-01, v19  }
0x141: {  	v7 =	vmul.f32 v4, v4;
	v23 =	vmul.f32 v4, v34;
	v21 =	vsub.s32 $0x5F3759DF, v21  }
0x142: {  	v29 =	vmul.f32 v4, v2;
	v48 =	vmul.f32 v21, v27  }
0x143: {  	v20 =	vadd.f32 v20, v26;
	v32 =	vcvt.s32.f32 v32;
	v26 =	vmul.f32 v46, v42  }
0x144: {  	v5 =	vadd.f32 v5, v12;
	v29 =	vmul.f32 v29, v41;
	v49 =	vmul.f32 v21, v48  }
0x145: {  	v10 =	vmul.f32 v20, v10;
	v6 =	vmul.f32 v4, v3;
	v4 =	vadd.f32 v7, v47  }
0x146: {  	v12 =	vmul.f32 v3, v3;
	v26 =	vadd.f32 v26, v29;
	v29 =	vsub.f32 $1.500000000e+00, v49  }
0x147: {  	v16 =	vsub.f32 v16, v32;
	v5 =	vadd.f32 v5, v10;
	s25 =	simm.s32 $0xC10;
	v6 =	vmul.f32 v6, v39  }
0x148: {  	s26 =	simm.s32 $0x1410;
	v7 =	vsub.f32 v7, v47;
	v50 =	vmul.f32 $5.000000000e-01, v4;
	v4 =	vld [tilespmem:s25+$0x0];
	v21 =	vmul.f32 v21, v29  }
0x149: {  	s20 =	simm.s32 $0x1C10;
	v2 =	vmul.f32 v2, v24;
	v3 =	vmul.f32 v3, v28;
	v26 =	vadd.f32 v26, v6;
	v6 =	vld [tilespmem:s26+$0x0]  }
0x14a: {  	v28 =	vsub.f32 v30, v11;
	v30 =	vmul.f32 $8.660253880e-01, v7;
	v7 =	vld [tilespmem:s20+$0x0];
	v24 =	vmul.f32 v21, v27  }
0x14b: {  	v2 =	vadd.f32 v3, v2;
	v12 =	vsub.f32 v12, v50  }
0x14c: {  	v25 =	vsub.f32 v25, v9;
	v3 =	vmul.f32 $1.732050780e+00, v26;
	v24 =	vmul.f32 v24, v21  }
0x14d: {  	v2 =	vadd.f32 v2, v23;
	v12 =	vmul.f32 v12, v15;
	v15 =	vmul.f32 v16, v28  }
0x14e: {  	v26 =	vmul.f32 v4, v4;
	v28 =	vmul.f32 v6, v6;
	v24 =	vsub.f32 $1.500000000e+00, v24  }
0x14f: {  	v22 =	vmul.f32 v30, v22;
	v23 =	vmul.f32 v7, v7;
	v29 =	vsub.f32 v31, v13  }
0x150: {  	v3 =	vadd.f32 v12, v3;
	v12 =	vadd.f32 v28, v26;
	v21 =	vmul.f32 v24, v21  }
0x151: {  	v11 =	vadd.f32 v15, v11;
	v15 =	vmul.f32 v16, v25;
	v29 =	vmul.f32 v16, v29  }
0x152: {  	v3 =	vadd.f32 v3, v22;
	v12 =	vadd.f32 v23, v12;
	v16 =	vmul.f32 v21, v27  }
0x153: {  	v15 =	vadd.f32 v15, v9;
	v13 =	vadd.f32 v29, v13  }
0x154: {  	v11 =	vmul.f32 v11, v17;
	v9 =	vmax.f32 v12, $9.999999960e-13;
	v12 =	vmul.f32 v16, v21  }
0x155: {  	s31 =	simm.s32 $0x1420;
	v2 =	vmul.f32 v13, v2;
	v13 =	vshra.s32 v9, $0x1;
	v16 =	vmul.f32 $5.000000000e-01, v9  }
0x156: {  	s21 =	simm.s32 $0xC20;
	v10 =	vsub.s32 $0x5F3759DF, v13;
	v13 =	vmul.f32 v15, v3;
	v3 =	vld [tilespmem:s31+$0x0];
	v12 =	vsub.f32 $1.500000000e+00, v12  }
0x157: {  	s25 =	simm.s32 $0x0;
	v11 =	vadd.f32 v2, v11;
	v2 =	vld [tilespmem:s21+$0x0];
	v15 =	vmul.f32 v10, v16  }
0x158: {  	v1 =	vadd.f32 v5, v1;
	s19 =	simm.s32 $0x1C20;
	v5 =	vmov s25;
	v17 =	vmul.f32 v12, v21  }
0x159: {  	s26 =	simm.s32 $0x10;
	v11 =	vadd.f32 v11, v13;
	v12 =	vshll.u32 v5, $0x4;
	v13 =	vmul.f32 v10, v15;
	v5 =	vld [tilespmem:s19+$0x0]  }
0x15a: {  	v25 =	vmov s26;
	v23 =	vor.u32 v0, v12;
	v12 =	vmul.f32 v17, v19  }
0x15b: {  	v25 =	vshll.u32 v25, $0x4;
	v20 =	vmul.f32 v3, v3;
	v13 =	vsub.f32 $1.500000000e+00, v13  }
0x15c: {  	v1 =	vadd.f32 v11, v1;
	v15 =	vmul.f32 v2, v2;
	v12 =	vmul.f32 $5.461000000e+03, v12  }
0x15d: {  	v11 =	vor.u32 $0x3, v23;
	v22 =	vor.u32 $0x4, v23;
	v13 =	vmul.f32 v10, v13  }
0x15e: {  	v26 =	vor.u32 $0x5, v23;
	v10 =	vmul.f32 v5, v5;
	v24 =	vmin.f32 v12, $1.638300000e+04  }
0x15f: {  	v12 =	vadd.f32 v20, v15;
	v15 =	vmul.f32 v13, v16;
	v20 =	vtrunc.f32 v24  }
0x160: {  	v19 =	vor.u32 $0x6, v23;
	v21 =	vor.u32 $0x1, v23;
	v20 =	vcvt.f32.s32 v20  }
0x161: {  	v28 =	vor.u32 $0x7, v23;
	v10 =	vadd.f32 v10, v12;
	v12 =	vmul.f32 v15, v13  }
0x162: {  	v27 =	vor.u32 $0x2, v23;
	v31 =	vmul.f32 v17, v14;
	v29 =	vld.idx.msk [tilespmem:v11+s3+$0x0], $0xffff;
	vm15 =	vlt.s32 v20, $0x3FFE  }
0x163: {  	v18 =	vmul.f32 v17, v18;
	v22 =	vld.idx.msk [tilespmem:v22+s3+$0x0], $0xffff;
	v15 =	vsub.f32 $1.500000000e+00, v12;
	v30 =	vnsel vm15, $0x3FFE, v20  }
0x164: {  	v52 =	vmul.f32 v17, v8;
	v57 =	vor.u32 $0x8, v23;
	v26 =	vld.idx.msk [tilespmem:v26+s3+$0x0], $0xffff;
	v20 =	vadd.s32 $0x4000, v30  }
0x165: {  	v56 =	vmul.f32 v18, v31;
	v21 =	vld.idx.msk [tilespmem:v21+s3+$0x0], $0xffff;
	v15 =	vmul.f32 v15, v13;
	v13 =	vadd.s32 $0x1, v30  }
0x166: {  	v58 =	vmul.f32 v18, v52;
	v59 =	vmul.f32 v31, v52;
	v28 =	vld.idx.msk [tilespmem:v28+s3+$0x0], $0xffff;
	v51 =	vadd.s32 $0x4001, v30  }
0x167: {  	v8 =	vor.u32 v0, v25;
	v25 =	vmul.f32 v52, v52;
	v60 =	vmul.f32 v18, v18;
	v27 =	vld.idx.msk [tilespmem:v27+s3+$0x0], $0xffff  }
0x168: {  	v10 =	vmax.f32 v10, $9.999999960e-13;
	v55 =	vadd.s32 $0x8001, v30;
	v54 =	vmul.f32 v15, v16;
	v16 =	vld.idx.msk [tilespmem:v30+s17+$0x0], $0xffff  }
0x169: {  	v53 =	vadd.s32 $0x8000, v30;
	v22 =	vmul.f32 v58, v22;
	v26 =	vmul.f32 v59, v26;
	v17 =	vld.idx.msk [tilespmem:v20+s17+$0x0], $0xffff  }
0x16a: {  	v62 =	vmul.f32 v31, v31;
	v12 =	vshra.s32 v10, $0x1;
	v11 =	vmul.f32 $5.000000000e-01, v10;
	v61 =	vld.idx.msk [tilespmem:v13+s17+$0x0], $0xffff  }
0x16b: {  	v12 =	vsub.s32 $0x5F3759DF, v12;
	v22 =	vadd.f32 v26, v22;
	v26 =	vmul.f32 v56, v28;
	v32 =	vld.idx.msk [tilespmem:v51+s17+$0x0], $0xffff  }
0x16c: {  	v33 =	vmul.f32 v52, v21;
	v20 =	vmul.f32 v18, v29;
	v18 =	vadd.f32 v60, v25;
	v29 =	vld.idx.msk [tilespmem:v19+s3+$0x0], $0xffff  }
0x16d: {  	v14 =	vmul.f32 v12, v11;
	v28 =	vcvt.s32.f32 v30;
	v63 =	vadd.f32 v22, v26;
	v22 =	vld.idx.msk [tilespmem:v55+s17+$0x0], $0xffff  }
0x16e: {  	v35 =	vmul.f32 v54, v15;
	v30 =	vmul.f32 $5.000000000e-01, v18;
	v18 =	vld.idx.msk [tilespmem:v53+s17+$0x0], $0xffff  }
0x16f: {  	v21 =	vsub.f32 v24, v28;
	v28 =	vmul.f32 v31, v27;
	v24 =	vld.idx.msk [tilespmem:v57+s3+$0x0], $0xffff;
	v25 =	vsub.f32 v60, v25  }
0x170: {  	v13 =	vor.u32 $0x3, v8;
	v19 =	vsub.f32 $1.500000000e+00, v35;
	v31 =	vsub.f32 v62, v30  }
0x171: {  	v25 =	vmul.f32 $8.660253880e-01, v25;
	v26 =	vsub.f32 v61, v16;
	v27 =	vsub.f32 v32, v17  }
0x172: {  	s20 =	simm.s32 $0x20;
	s25 =	simm.s32 $0x30;
	s21 =	simm.s32 $0xC30;
	v23 =	vld.idx.msk [tilespmem:v23+s3+$0x0], $0xffff;
	v30 =	vadd.f32 v28, v33;
	v28 =	vmul.f32 $1.732050780e+00, v63;
	v29 =	vmul.f32 v31, v29  }
.LBB2_5:
0x173: {  	v31 =	vld [tilespmem:s21+$0x0];
	p0 =	sne.s32 s25, $0x3F0;
	v26 =	vmul.f32 v21, v26;
	v27 =	vmul.f32 v21, v27;
	v22 =	vsub.f32 v22, v18  }
0x174: {  	s31 =	sadd.s32 $0x10, s31;
	v24 =	vmul.f32 v25, v24;
	v20 =	vadd.f32 v30, v20;
	v28 =	vadd.f32 v29, v28  }
0x175: {  	v25 =	vld [tilespmem:s31+$0x0];
	v16 =	vadd.f32 v26, v16;
	v17 =	vadd.f32 v27, v17;
	v21 =	vmul.f32 v21, v22  }
0x176: {  	v14 =	vmul.f32 v12, v14;
	s19 =	sadd.s32 $0x10, s19;
	v19 =	vmul.f32 v19, v15;
	v15 =	vadd.f32 v28, v24  }
0x177: {  	v26 =	vld [tilespmem:s19+$0x0];
	v18 =	vadd.f32 v21, v18;
	v16 =	vmul.f32 v16, v23;
	v17 =	vmul.f32 v17, v20  }
0x178: {  	v22 =	vor.u32 $0x6, v8;
	v21 =	vmul.f32 v19, v9;
	v9 =	vmovc v10;
	v20 =	vmul.f32 v31, v31  }
0x179: {  	v10 =	vsub.f32 $1.500000000e+00, v14;
	v14 =	vadd.f32 v17, v16;
	v15 =	vmul.f32 v18, v15  }
0x17a: {  	v17 =	vmul.f32 $5.461000000e+03, v21;
	v18 =	vor.u32 $0x1, v8;
	v16 =	vmul.f32 v25, v25  }
0x17b: {  	v21 =	vmul.f32 v12, v10;
	v12 =	vor.u32 $0x4, v8;
	v10 =	vadd.f32 v14, v15  }
0x17c: {  	v23 =	vmin.f32 v17, $1.638300000e+04;
	v14 =	vadd.f32 v16, v20;
	v15 =	vmul.f32 v26, v26  }
0x17d: {  	v16 =	vmul.f32 v21, v11;
	v17 =	vtrunc.f32 v23;
	v1 =	vadd.f32 v10, v1  }
0x17e: {  	v20 =	vor.u32 $0x5, v8;
	v10 =	vmov s20;
	v17 =	vcvt.f32.s32 v17;
	s20 =	smov.u32 s25  }
0x17f: {  	v14 =	vadd.f32 v15, v14;
	v15 =	vmul.f32 v16, v21;
	v16 =	vor.u32 $0x2, v8;
	v24 =	vld.idx.msk [tilespmem:v13+s3+$0x0], $0xffff  }
0x180: {  	v13 =	vshll.u32 v10, $0x4;
	vm0 =	vlt.s32 v17, $0x3FFE;
	v29 =	vld.idx.msk [tilespmem:v22+s3+$0x0], $0xffff;
	v22 =	vor.u32 $0x7, v8  }
0x181: {  	v10 =	vmax.f32 v14, $9.999999960e-13;
	v14 =	vsub.f32 $1.500000000e+00, v15;
	v27 =	vnsel vm0, $0x3FFE, v17;
	v28 =	vld.idx.msk [tilespmem:v18+s3+$0x0], $0xffff  }
0x182: {  	v15 =	vshra.s32 v10, $0x1;
	v30 =	vmul.f32 $5.000000000e-01, v10;
	v17 =	vadd.s32 $0x4000, v27;
	v18 =	vld.idx.msk [tilespmem:v12+s3+$0x0], $0xffff  }
0x183: {  	v12 =	vsub.s32 $0x5F3759DF, v15;
	v15 =	vmul.f32 v14, v21;
	v21 =	vadd.s32 $0x1, v27;
	v20 =	vld.idx.msk [tilespmem:v20+s3+$0x0], $0xffff  }
0x184: {  	v32 =	vmul.f32 v19, v6;
	v33 =	vmul.f32 v19, v7;
	v6 =	vmovc v3;
	v7 =	vadd.s32 $0x4001, v27;
	v34 =	vld.idx.msk [tilespmem:v16+s3+$0x0], $0xffff  }
0x185: {  	v35 =	vmul.f32 v19, v4;
	v4 =	vmovc v2;
	v19 =	vadd.s32 $0x8000, v27;
	v14 =	vmul.f32 v12, v30;
	v36 =	vld.idx.msk [tilespmem:v22+s3+$0x0], $0xffff  }
0x186: {  	v37 =	vmul.f32 v33, v32;
	v2 =	vmovc v31;
	v11 =	vmul.f32 v15, v11;
	v22 =	vadd.s32 $0x8001, v27;
	v16 =	vld.idx.msk [tilespmem:v27+s17+$0x0], $0xffff  }
0x187: {  	v38 =	vmul.f32 v33, v35;
	v39 =	vmul.f32 v32, v35;
	v31 =	vor.u32 $0x8, v8;
	v3 =	vmovc v25;
	v17 =	vld.idx.msk [tilespmem:v17+s17+$0x0], $0xffff  }
0x188: {  	v41 =	vmul.f32 v33, v33;
	v40 =	vor.u32 v0, v13;
	v25 =	vld.idx.msk [tilespmem:v21+s17+$0x0], $0xffff;
	v21 =	vmul.f32 v35, v35  }
0x189: {  	v13 =	vor.u32 $0x3, v40;
	v38 =	vmul.f32 v38, v18;
	v39 =	vmul.f32 v39, v20;
	v42 =	vld.idx.msk [tilespmem:v7+s17+$0x0], $0xffff;
	v7 =	vmovc v5  }
0x18a: {  	v43 =	vmul.f32 v11, v15;
	v20 =	vmul.f32 v33, v24;
	v18 =	vld.idx.msk [tilespmem:v19+s17+$0x0], $0xffff;
	v44 =	vadd.f32 v41, v21  }
0x18b: {  	v33 =	vmul.f32 v32, v32;
	v38 =	vadd.f32 v39, v38;
	v36 =	vmul.f32 v37, v36;
	v22 =	vld.idx.msk [tilespmem:v22+s17+$0x0], $0xffff  }
.Ltmp1:
0x18c: {  	v27 =	vcvt.s32.f32 v27;
	v11 =	vmovc v30;
	v5 =	vmovc v26;
	v19 =	vsub.f32 $1.500000000e+00, v43;
	v24 =	vld.idx.msk [tilespmem:v31+s3+$0x0], $0xffff;
	v31 =	vmul.f32 $5.000000000e-01, v44;
	(pc) =	sbr.rel @p0 .LBB2_5-.Ltmp1, $4  }
0x18d: {  	v28 =	vmul.f32 v35, v28;
	v30 =	vsub.f32 v41, v21;
	v35 =	vadd.f32 v38, v36  }
0x18e: {  	v32 =	vmul.f32 v32, v34;
	v21 =	vsub.f32 v23, v27;
	v31 =	vsub.f32 v33, v31  }
0x18f: {  	v26 =	vsub.f32 v25, v16;
	v25 =	vmul.f32 $8.660253880e-01, v30;
	v27 =	vsub.f32 v42, v17;
	v23 =	vld.idx.msk [tilespmem:v8+s3+$0x0], $0xffff;
	v8 =	vmovc v40  }
0x190: {  	s21 =	sadd.s32 $0x10, s21;
	s25 =	sadd.s32 $0x10, s25;
	v30 =	vadd.f32 v32, v28;
	v28 =	vmul.f32 $1.732050780e+00, v35;
	v29 =	vmul.f32 v31, v29  }
0x191: {  	v26 =	vmul.f32 v21, v26  }
0x192: {  	v27 =	vmul.f32 v21, v27;
	v14 =	vmul.f32 v12, v14  }
0x193: {  	v22 =	vsub.f32 v22, v18;
	v24 =	vmul.f32 v25, v24;
	v15 =	vmul.f32 v19, v15  }
0x194: {  	v48 =	vor.u32 $0x1, v8;
	v50 =	vor.u32 $0x4, v8;
	v51 =	vor.u32 $0x6, v8  }
0x195: {  	v53 =	vor.u32 $0x5, v8;
	v54 =	vor.u32 $0x7, v8;
	v14 =	vsub.f32 $1.500000000e+00, v14  }
0x196: {  	v20 =	vadd.f32 v30, v20;
	v16 =	vadd.f32 v26, v16;
	v42 =	vmul.f32 v21, v22  }
0x197: {  	v17 =	vadd.f32 v27, v17;
	v9 =	vmul.f32 v15, v9;
	v44 =	vmul.f32 v12, v14  }
0x198: {  	v43 =	vadd.f32 v29, v28;
	v6 =	vmul.f32 v15, v6;
	v16 =	vmul.f32 v16, v23  }
0x199: {  	v57 =	vor.u32 $0x2, v8;
	v17 =	vmul.f32 v17, v20;
	v47 =	vmul.f32 v44, v11  }
0x19a: {  	v7 =	vmul.f32 v15, v7;
	v4 =	vmul.f32 v15, v4;
	v45 =	vadd.f32 v43, v24  }
0x19b: {  	v9 =	vmul.f32 $5.461000000e+03, v9;
	v16 =	vadd.f32 v17, v16;
	v17 =	vmul.f32 v47, v44  }
0x19c: {  	v13 =	vld.idx.msk [tilespmem:v13+s3+$0x0], $0xffff;
	v46 =	vadd.f32 v42, v18;
	v63 =	vmul.f32 v7, v6;
	v37 =	vmul.f32 v7, v4  }
0x19d: {  	v38 =	vmul.f32 v6, v4;
	v33 =	vmul.f32 v4, v4;
	v55 =	vsub.f32 $1.500000000e+00, v17  }
0x19e: {  	v34 =	vmul.f32 v7, v7;
	v41 =	vmul.f32 v6, v6;
	v18 =	vld.idx.msk [tilespmem:v48+s3+$0x0], $0xffff;
	v49 =	vmin.f32 v9, $1.638300000e+04  }
0x19f: {  	v56 =	vmov s20;
	v20 =	vld.idx.msk [tilespmem:v50+s3+$0x0], $0xffff;
	v9 =	vtrunc.f32 v49;
	v12 =	vmul.f32 v55, v44  }
0x1a0: {  	v32 =	vor.u32 $0x8, v8;
	v23 =	vld.idx.msk [tilespmem:v53+s3+$0x0], $0xffff;
	v14 =	vmul.f32 v46, v45;
	v52 =	vcvt.f32.s32 v9  }
0x1a1: {  	v24 =	vld.idx.msk [tilespmem:v57+s3+$0x0], $0xffff;
	v7 =	vmul.f32 v7, v13;
	v40 =	vadd.f32 v34, v33;
	v62 =	vmul.f32 v12, v11  }
0x1a2: {  	v45 =	vsub.f32 v34, v33;
	v9 =	vadd.f32 v16, v14;
	vm0 =	vlt.s32 v52, $0x3FFE  }
0x1a3: {  	v43 =	vmul.f32 $5.000000000e-01, v40;
	v22 =	vnsel vm0, $0x3FFE, v52;
	v11 =	vmul.f32 v62, v12  }
0x1a4: {  	v14 =	vld.idx.msk [tilespmem:v54+s3+$0x0], $0xffff;
	v17 =	vshll.u32 v56, $0x4;
	v20 =	vmul.f32 v37, v20;
	v58 =	vadd.s32 $0x4000, v22  }
0x1a5: {  	v23 =	vmul.f32 v38, v23;
	v59 =	vadd.s32 $0x1, v22;
	v11 =	vsub.f32 $1.500000000e+00, v11  }
0x1a6: {  	v50 =	vld.idx.msk [tilespmem:v32+s3+$0x0], $0xffff;
	v4 =	vmul.f32 v4, v18;
	v6 =	vmul.f32 v6, v24;
	v60 =	vadd.s32 $0x4001, v22  }
0x1a7: {  	v46 =	vsub.f32 v41, v43;
	v61 =	vadd.s32 $0x8000, v22;
	v44 =	vld.idx.msk [tilespmem:v51+s3+$0x0], $0xffff;
	v11 =	vmul.f32 v11, v12  }
0x1a8: {  	v17 =	vor.u32 v0, v17;
	v36 =	vadd.s32 $0x8001, v22;
	v20 =	vadd.f32 v23, v20;
	v31 =	vld.idx.msk [tilespmem:v22+s17+$0x0], $0xffff  }
0x1a9: {  	v42 =	vor.u32 $0x3, v17;
	v14 =	vmul.f32 v63, v14;
	v16 =	vld.idx.msk [tilespmem:v58+s17+$0x0], $0xffff;
	v10 =	vmul.f32 v11, v10  }
0x1aa: {  	v4 =	vadd.f32 v6, v4;
	v51 =	vor.u32 $0x1, v17;
	v52 =	vor.u32 $0x4, v17;
	v25 =	vld.idx.msk [tilespmem:v59+s17+$0x0], $0xffff  }
0x1ab: {  	v55 =	vor.u32 $0x5, v17;
	v14 =	vadd.f32 v20, v14;
	v39 =	vld.idx.msk [tilespmem:v60+s17+$0x0], $0xffff;
	v10 =	vmul.f32 $5.461000000e+03, v10  }
0x1ac: {  	v56 =	vor.u32 $0x2, v17;
	v57 =	vor.u32 $0x7, v17;
	v20 =	vmul.f32 $8.660253880e-01, v45;
	v15 =	vld.idx.msk [tilespmem:v61+s17+$0x0], $0xffff  }
0x1ad: {  	v22 =	vcvt.s32.f32 v22;
	v47 =	vld.idx.msk [tilespmem:v36+s17+$0x0], $0xffff;
	v14 =	vmul.f32 $1.732050780e+00, v14;
	v10 =	vmin.f32 v10, $1.638300000e+04  }
0x1ae: {  	v4 =	vadd.f32 v4, v7;
	v18 =	vmul.f32 v46, v44;
	v53 =	vtrunc.f32 v10  }
0x1af: {  	v54 =	vld.idx.msk [tilespmem:v8+s3+$0x0], $0xffff;
	v58 =	vmul.f32 v20, v50;
	v44 =	vor.u32 $0x8, v17;
	v26 =	vcvt.f32.s32 v53  }
0x1b0: {  	v60 =	vld.idx.msk [tilespmem:v51+s3+$0x0], $0xffff;
	v19 =	vsub.f32 v49, v22;
	v49 =	vor.u32 $0x6, v17;
	v14 =	vadd.f32 v18, v14  }
0x1b1: {  	v21 =	vld.idx.msk [tilespmem:v52+s3+$0x0], $0xffff;
	v48 =	vsub.f32 v25, v31;
	v13 =	vsub.f32 v39, v16;
	vm15 =	vlt.s32 v26, $0x3FFE  }
0x1b2: {  	v63 =	vld.idx.msk [tilespmem:v55+s3+$0x0], $0xffff;
	v22 =	vsub.f32 v47, v15;
	v3 =	vmul.f32 v11, v3;
	v59 =	vnsel vm15, $0x3FFE, v26  }
0x1b3: {  	v37 =	vld.idx.msk [tilespmem:v56+s3+$0x0], $0xffff;
	v5 =	vmul.f32 v11, v5;
	v2 =	vmul.f32 v11, v2;
	v61 =	vadd.s32 $0x4000, v59  }
0x1b4: {  	v7 =	vld.idx.msk [tilespmem:v57+s3+$0x0], $0xffff;
	v23 =	vmul.f32 v19, v48;
	v13 =	vmul.f32 v19, v13;
	v62 =	vadd.s32 $0x1, v59  }
0x1b5: {  	v12 =	vld.idx.msk [tilespmem:v42+s3+$0x0], $0xffff;
	v19 =	vmul.f32 v19, v22;
	v39 =	vmul.f32 v5, v3;
	v36 =	vadd.s32 $0x4001, v59  }
0x1b6: {  	v6 =	vld.idx.msk [tilespmem:v49+s3+$0x0], $0xffff;
	v42 =	vmul.f32 v5, v2;
	v43 =	vmul.f32 v3, v2;
	v38 =	vadd.s32 $0x8000, v59  }
0x1b7: {  	v45 =	vmul.f32 v2, v2;
	v46 =	vmul.f32 v5, v5;
	v41 =	vadd.s32 $0x8001, v59;
	v40 =	vld.idx.msk [tilespmem:v59+s17+$0x0], $0xffff  }
0x1b8: {  	v51 =	vmul.f32 v3, v3;
	v2 =	vmul.f32 v2, v60;
	v13 =	vadd.f32 v13, v16;
	v16 =	vld.idx.msk [tilespmem:v61+s17+$0x0], $0xffff  }
0x1b9: {  	v14 =	vadd.f32 v14, v58;
	v21 =	vmul.f32 v42, v21;
	v48 =	vmul.f32 v43, v63;
	v47 =	vld.idx.msk [tilespmem:v62+s17+$0x0], $0xffff  }
0x1ba: {  	v3 =	vmul.f32 v3, v37;
	v5 =	vmul.f32 v5, v12;
	v50 =	vadd.f32 v46, v45;
	v49 =	vld.idx.msk [tilespmem:v36+s17+$0x0], $0xffff  }
0x1bb: {  	v23 =	vadd.f32 v23, v31;
	v7 =	vmul.f32 v39, v7;
	v21 =	vadd.f32 v48, v21;
	v11 =	vld.idx.msk [tilespmem:v38+s17+$0x0], $0xffff  }
0x1bc: {  	v15 =	vadd.f32 v19, v15;
	v12 =	vmul.f32 $5.000000000e-01, v50;
	v20 =	vcvt.s32.f32 v59;
	v52 =	vld.idx.msk [tilespmem:v41+s17+$0x0], $0xffff  }
0x1bd: {  	v8 =	vmul.f32 v23, v54;
	v53 =	vld.idx.msk [tilespmem:v44+s3+$0x0], $0xffff;
	v54 =	vsub.f32 v46, v45;
	v7 =	vadd.f32 v21, v7  }
0x1be: {  	v4 =	vmul.f32 v13, v4;
	v12 =	vsub.f32 v51, v12;
	v10 =	vsub.f32 v10, v20  }
0x1bf: {  	v55 =	vmul.f32 $8.660253880e-01, v54;
	v18 =	vsub.f32 v47, v40;
	v13 =	vsub.f32 v49, v16  }
0x1c0: {  	v17 =	vld.idx.msk [tilespmem:v17+s3+$0x0], $0xffff;
	v2 =	vadd.f32 v3, v2;
	v3 =	vmul.f32 $1.732050780e+00, v7;
	v6 =	vmul.f32 v12, v6  }
0x1c1: {  	v58 =	vsub.f32 v52, v11;
	v56 =	vmul.f32 v10, v18;
	v57 =	vmul.f32 v10, v13  }
0x1c2: {  	v2 =	vadd.f32 v2, v5;
	v3 =	vadd.f32 v6, v3;
	v59 =	vmul.f32 v55, v53  }
0x1c3: {  	v10 =	vmul.f32 v10, v58;
	v60 =	vadd.f32 v56, v40;
	v61 =	vadd.f32 v57, v16  }
0x1c4: {  	v4 =	vadd.f32 v4, v8;
	v62 =	vmul.f32 v15, v14;
	v3 =	vadd.f32 v3, v59  }
0x1c5: {  	s30 =	sadd.s32 $0x1, s30;
	v63 =	vadd.f32 v10, v11;
	v6 =	vmul.f32 v60, v17;
	v2 =	vmul.f32 v61, v2  }
0x1c6: {  	p0 =	sne.s32 s30, $0x31;
	v1 =	vadd.f32 v9, v1  }
.Ltmp2:
0x1c7: {  	v4 =	vadd.f32 v4, v62;
	v3 =	vmul.f32 v63, v3;
	v2 =	vadd.f32 v2, v6;
	(pc) =	sbr.rel @p0 .LBB2_2-.Ltmp2, $3  }
0x1c8: {  	_ = 	snop  }
0x1c9: {  	v1 =	vadd.f32 v4, v1;
	v2 =	vadd.f32 v2, v3;
	_ =	sdelay $0x1  }
0x1ca: {  	v1 =	vadd.f32 v2, v1  }
0x1cb: {  	_ = 	snop  }
0x1cc: {  	s19 =	simm.s32 $0x0;
	s20 =	rddreg [dreg:$0x7];
	s21 =	simm.s32 $0x1A000;
	[tilespmem:$0x1A000] =	vst v1  }
0x1cd: {  	[hbm4b:s20+s19] =	stream.linear.scatter [tilespmem:s21], [sflag:$0x5], $0x10, $0x38;
	[tilespmem:$0x1A010] =	vst v63  }
0x1ce: {  	s21 =	simm.s32 $0x5  }
0x1cf: {  	_ =	swait.ge [sflag:s21], $0x10  }
0x1d0: {  	s25 =	rddreg [dreg:$0x9]  }
0x1d1: {  	s31 =	rddreg [dreg:$0x8];
	s25 =	sadd.s32 $0x1, s25  }
0x1d2: {  	p0 =	sne.s32 s25, s31  }
.Ltmp3:
0x1d3: {  	_ = 	snop;
	(pc) =	sbr.rel @p0 .LBB2_1-.Ltmp3, $3  }
0x1d4: {  	_ =	sdelay $0x1  }
0x1d5: {  	[sflag:s21] =	ssyncset.done $0x0  }
0x1d6: {  	[sflag:s21] =	ssyncadd.s32 $0xFFFFFFF0  }
0x1d7: {  	_ =	sfence.sel $0x180000  }
0x1d8: {  	[bflag:$0x0] =	sbarrier.arrive $0xFFFF  }
0x1d9: {  	_ =	strace $0x90000047  }
0x1da: {  	s0 =	stileid.u32;
	[bflag:$0x2] =	sbarrier.arrive $0xFFFF  }
0x1db: {  	p0 =	sne.s32 s0, $0x0;
	s0 =	rddreg [dreg:$0x1]  }
0x1dc: {  	s0 =	sadd.s32 @!p0 $0x100000, s0  }
0x1dd: {  	[sflag:s0] =	ssyncadd.tile.s32 @!p0 $0x1;
	_ =	shalt  }
.Lfunc_end2:
_tile_overlayer_lowered:
.L_overlay_start_2:
0x1de: {  	(tag) =	ssettag $0x2  }
0x1df: {  	s0 =	rddreg [dreg:$0x0];
	s2 =	stileid.u32  }
0x1e0: {  	s1 =	rddreg [dreg:$0x1];
	p0 =	sne.s32 s2, $0x0  }
0x1e1: {  	s3 =	rddreg [dreg:$0x2];
	[bflag:$0x3] =	sbarrier.arrive $0xFFFF;
	s2 =	simm.s32 @!p0 $0x1C05  }
0x1e2: {  	[timem:s3], [sflag:s2] =	dma.local @!p0 [hbm:s0], s1  }
0x1e3: {  	s0 =	simm.s32 @!p0 $0x5  }
0x1e4: {  	_ =	swait.ge @!p0 [sflag:s0], s1  }
0x1e5: {  	s1 =	ssub.s32 @!p0 $0x0, s1;
	[sflag:s0] =	ssyncset.done @!p0 $0x0  }
0x1e6: {  	[sflag:s0] =	ssyncadd.s32 @!p0 s1  }
0x1e7: {  	[bflag:$0x3] =	sbarrier.arrive $0xFFFF  }
0x1e8: {  	_ =	shalt  }

</sc_bundles>
